<compile_context>
chip_gen: v7x
topology: tpu7x:2x2x1
jax: 0.10.2.dev20260603
libtpu: 0.0.44.dev20260713+nightly
codegen_flags: <defaults>
</compile_context>

<pallas_src>
import functools

import jax
import jax.numpy as jnp
from jax import lax
from jax.experimental import pallas as pl
from jax.experimental.pallas import tpu as pltpu
from jax.experimental.pallas import tpu_sc as plsc

N = 10000
K = 32
C = 128
EPS = 1e-5
NKF = float(N * K)

NC = 2
NS = 16
L = 16
NW = NC * NS

IPW = (N * K) // NW
NV = IPW // L


@functools.cache
def _build_hist():
    mesh = plsc.VectorSubcoreMesh(
        core_axis_name="c", subcore_axis_name="s", num_cores=NC, num_subcores=NS
    )

    @functools.partial(
        pl.kernel,
        out_type=jax.ShapeDtypeStruct((NW, N), jnp.float32),
        mesh=mesh,
        scratch_types=[
            pltpu.VMEM((IPW,), jnp.int32),
            pltpu.VMEM((N,), jnp.float32),
        ],
        compiler_params=pltpu.CompilerParams(needs_layout_passes=False),
    )
    def _hist(idx_hbm, out_hbm, idx_v, hist_v):
        wid = lax.axis_index("s") * NC + lax.axis_index("c")
        zeros = jnp.zeros((L,), jnp.float32)

        def zero_body(i, carry):
            hist_v[pl.ds(i * L, L)] = zeros
            return carry

        lax.fori_loop(0, N // L, zero_body, 0)
        pltpu.sync_copy(idx_hbm.at[pl.ds(wid * IPW, IPW)], idx_v)
        ones = jnp.ones((L,), jnp.float32)

        def add_body(i, carry):
            ix = idx_v[pl.ds(i * L, L)]
            plsc.addupdate_scatter(hist_v, [ix], ones)
            return carry

        lax.fori_loop(0, NV, add_body, 0)
        pltpu.sync_copy(hist_v, out_hbm.at[wid])

    return _hist


NP_PAD = 10240
WTOT = C // 2
WPT = WTOT // NS
PPC = NP_PAD // NC
CHP = 256
NCHK = PPC // CHP
GPC = CHP // L


@functools.cache
def _build_gmax():
    mesh = plsc.VectorSubcoreMesh(
        core_axis_name="c", subcore_axis_name="s", num_cores=NC, num_subcores=NS
    )

    @functools.partial(
        pl.kernel,
        out_type=jax.ShapeDtypeStruct((WTOT, NP_PAD), jnp.int32),
        mesh=mesh,
        scratch_types=[
            pltpu.VMEM((WPT, N), jnp.int32),
            pltpu.VMEM((2, K, CHP), jnp.int32),
            pltpu.VMEM((WPT, PPC), jnp.int32),
            pltpu.SemaphoreType.DMA,
            pltpu.SemaphoreType.DMA,
        ],
        compiler_params=pltpu.CompilerParams(
            needs_layout_passes=False, use_tc_tiling_on_sc=False
        ),
    )
    def _gmax(reft_hbm, z2t_hbm, out_hbm, tbl_v, refc_v, out_v, sem0, sem1):
        cid = lax.axis_index("c")
        sid = lax.axis_index("s")
        base_pt = cid * PPC
        sems = (sem0, sem1)
        pltpu.sync_copy(z2t_hbm.at[pl.ds(sid * WPT, WPT)], tbl_v)

        def ref_start(ch, buf):
            pltpu.async_copy(
                reft_hbm.at[:, pl.ds(base_pt + ch * CHP, CHP)],
                refc_v.at[buf],
                sems[buf],
            )

        def ref_wait(buf):
            pltpu.make_async_copy(
                reft_hbm.at[:, pl.ds(0, CHP)], refc_v.at[buf], sems[buf]
            ).wait()

        ref_start(0, 0)
        wrows = [jnp.full((L,), w, jnp.int32) for w in range(WPT)]

        def outer(c2, carry):
            for b in (0, 1):
                ch = c2 * 2 + b

                @pl.when(ch + 1 < NCHK)
                def _():
                    ref_start(ch + 1, 1 - b)

                ref_wait(b)

                def grp(g, cc):
                    col = g * L
                    nch = 4
                    acc = [[None] * nch for _ in range(WPT)]
                    for k in range(K):
                        idxk = refc_v[b, k, pl.ds(col, L)]
                        for w in range(WPT):
                            x = plsc.bitcast(
                                plsc.load_gather(tbl_v, [wrows[w], idxk]),
                                jnp.bfloat16,
                            )
                            a = acc[w][k % nch]
                            acc[w][k % nch] = x if a is None else jnp.maximum(a, x)
                    for w in range(WPT):
                        t = acc[w]
                        while len(t) > 1:
                            t = [
                                jnp.maximum(t[2 * i], t[2 * i + 1])
                                for i in range(len(t) // 2)
                            ]
                        out_v[w, pl.ds(ch * CHP + col, L)] = plsc.bitcast(
                            t[0], jnp.int32
                        )
                    return cc

                lax.fori_loop(0, GPC, grp, 0)
            return carry

        lax.fori_loop(0, NCHK // 2, outer, 0)
        pltpu.sync_copy(
            out_v, out_hbm.at[pl.ds(sid * WPT, WPT), pl.ds(base_pt, PPC)]
        )

    return _gmax


def _bn_cols(x, m, v, g, b):
    return (x - m) * lax.rsqrt(v + EPS) * g + b


def _tc_mid_body(feat_ref, wfc1_ref, gn1_ref, bn1_ref, wm1_ref, bm1_ref,
                 gm1_ref, bm1n_ref, wm2_ref, bm2_ref, gm2_ref, bm2n_ref,
                 cnt_ref, z2_ref):
    x = feat_ref[...]
    h = jnp.dot(x, wfc1_ref[...], preferred_element_type=jnp.float32)
    m = jnp.mean(h, axis=0, keepdims=True)
    v = jnp.mean((h - m) ** 2, axis=0, keepdims=True)
    h = jnp.maximum(_bn_cols(h, m, v, gn1_ref[...], bn1_ref[...]), 0.0)

    y1 = jnp.dot(h, wm1_ref[...], preferred_element_type=jnp.float32) + bm1_ref[...]
    cr = jnp.sum(cnt_ref[...], axis=0, keepdims=True)
    s1 = jnp.dot(cr, y1, preferred_element_type=jnp.float32) / NKF
    v1 = jnp.dot(cr, (y1 - s1) ** 2, preferred_element_type=jnp.float32) / NKF
    z1 = jnp.maximum(_bn_cols(y1, s1, v1, gm1_ref[...], bm1n_ref[...]), 0.0)

    y2 = jnp.dot(z1, wm2_ref[...], preferred_element_type=jnp.float32) + bm2_ref[...]
    s2 = jnp.dot(cr, y2, preferred_element_type=jnp.float32) / NKF
    v2 = jnp.dot(cr, (y2 - s2) ** 2, preferred_element_type=jnp.float32) / NKF
    z2 = jnp.maximum(_bn_cols(y2, s2, v2, gm2_ref[...], bm2n_ref[...]), 0.0)
    z2b = (z2 - jnp.max(z2, axis=0, keepdims=True)).astype(jnp.bfloat16)
    lo = lax.bitcast_convert_type(z2b[:, : C // 2], jnp.uint16).astype(jnp.uint32)
    hi = lax.bitcast_convert_type(z2b[:, C // 2 :], jnp.uint16).astype(jnp.uint32)
    words = lax.bitcast_convert_type(lo | (hi << 16), jnp.int32)
    z2_ref[...] = jnp.transpose(words, (1, 0))


def _tc_tail_body(pooled_ref, feat_ref, gn2_ref, bn2_ref, wfc3_ref,
                  gn3_ref, bn3_ref, out_ref):
    pw = lax.bitcast_convert_type(
        jnp.transpose(pooled_ref[...], (1, 0))[:N], jnp.uint32
    )
    lo = lax.bitcast_convert_type((pw & 0xFFFF).astype(jnp.uint16), jnp.bfloat16)
    hi = lax.bitcast_convert_type((pw >> 16).astype(jnp.uint16), jnp.bfloat16)
    p = jnp.concatenate(
        [lo.astype(jnp.float32), hi.astype(jnp.float32)], axis=1
    )
    m = jnp.mean(p, axis=0, keepdims=True)
    v = jnp.mean((p - m) ** 2, axis=0, keepdims=True)
    h = jnp.maximum(_bn_cols(p, m, v, gn2_ref[...], bn2_ref[...]), 0.0)
    o = jnp.dot(h, wfc3_ref[...], preferred_element_type=jnp.float32)
    m3 = jnp.mean(o, axis=0, keepdims=True)
    v3 = jnp.mean((o - m3) ** 2, axis=0, keepdims=True)
    out_ref[...] = jnp.maximum(
        feat_ref[...] + _bn_cols(o, m3, v3, gn3_ref[...], bn3_ref[...]), 0.0
    )


_tc_mid = pl.pallas_call(
    _tc_mid_body, out_shape=jax.ShapeDtypeStruct((C // 2, N), jnp.int32)
)
_tc_tail = pl.pallas_call(
    _tc_tail_body, out_shape=jax.ShapeDtypeStruct((N, C), jnp.float32)
)


def kernel(coord, feat, offset, reference_index, W_fc1, g_n1, b_n1, W_m1, b_m1,
           g_m1, b_m1n, W_m2, b_m2, g_m2, b_m2n, g_n2, b_n2, W_fc3, g_n3, b_n3):
    del coord, offset
    row = lambda a: a.reshape(1, C)
    idx_flat = reference_index.astype(jnp.int32).reshape(-1)

    cnt = _build_hist()(idx_flat)
    z2t_words = _tc_mid(feat, W_fc1, row(g_n1), row(b_n1), W_m1, row(b_m1),
                        row(g_m1), row(b_m1n), W_m2, row(b_m2), row(g_m2),
                        row(b_m2n), cnt)

    idx_pad = jnp.pad(idx_flat, (0, NP_PAD * K - N * K))
    reft = jnp.transpose(idx_pad.reshape(NP_PAD, K), (1, 0))
    pooledt_words = _build_gmax()(reft, z2t_words)
    return _tc_tail(pooledt_words, feat, row(g_n2), row(b_n2), W_fc3,
                    row(g_n3), row(b_n3))

# --- scband reference (transcript-rebuilt; emitter-appended) ---
"""Pipeline reference for scband-point-next-82403242541244 (READ-ONLY COPY).

The authoritative reference and input builder live on the scoring server;
editing this copy changes nothing except your own understanding.
"""

import jax, jax.numpy as jnp
import numpy as np

N = 10000
K = 32
C = 128


def _bn(x, g, b):
    # BatchNorm1d in training mode over the leading (batch) dim, eps=1e-5
    m = jnp.mean(x, axis=0)
    v = jnp.var(x, axis=0)
    return (x - m) * jax.lax.rsqrt(v + 1e-5) * g + b


def setup_inputs(seed: int = 0) -> dict:
    key = jax.random.key(seed)
    ks = jax.random.split(key, 8)
    s = 0.05
    inp = {}
    inp['coord'] = jax.random.normal(ks[0], (N, 3), dtype=jnp.float32)
    inp['feat'] = jax.random.normal(ks[1], (N, C), dtype=jnp.float32)
    inp['offset'] = jnp.array([N], dtype=jnp.int32)
    inp['reference_index'] = jax.random.randint(ks[2], (N, K), 0, N)
    # fc1 (no bias) + norm1
    inp['W_fc1'] = jax.random.normal(ks[3], (C, C), dtype=jnp.float32) * s
    inp['g_n1'] = jnp.ones((C,), jnp.float32)
    inp['b_n1'] = jnp.zeros((C,), jnp.float32)
    # shared_mlp linear1 + bn
    inp['W_m1'] = jax.random.normal(ks[4], (C, C), dtype=jnp.float32) * s
    inp['b_m1'] = jnp.zeros((C,), jnp.float32)
    inp['g_m1'] = jnp.ones((C,), jnp.float32)
    inp['b_m1n'] = jnp.zeros((C,), jnp.float32)
    # shared_mlp linear2 + bn
    inp['W_m2'] = jax.random.normal(ks[5], (C, C), dtype=jnp.float32) * s
    inp['b_m2'] = jnp.zeros((C,), jnp.float32)
    inp['g_m2'] = jnp.ones((C,), jnp.float32)
    inp['b_m2n'] = jnp.zeros((C,), jnp.float32)
    # norm2
    inp['g_n2'] = jnp.ones((C,), jnp.float32)
    inp['b_n2'] = jnp.zeros((C,), jnp.float32)
    # fc3 (no bias) + norm3
    inp['W_fc3'] = jax.random.normal(ks[6], (C, C), dtype=jnp.float32) * s
    inp['g_n3'] = jnp.ones((C,), jnp.float32)
    inp['b_n3'] = jnp.zeros((C,), jnp.float32)
    return inp


def reference(coord, feat, offset, reference_index, W_fc1, g_n1, b_n1, W_m1, b_m1, g_m1, b_m1n, W_m2, b_m2, g_m2, b_m2n, g_n2, b_n2, W_fc3, g_n3, b_n3):
    # Block.forward: fc1 -> norm1 -> relu
    h = jax.nn.relu(_bn(feat @ W_fc1, g_n1, b_n1))
    # LocalAggregation: pointops.grouping (with_xyz=False) == gather neighbour feats
    grouped = jnp.take(h, reference_index, axis=0)  # [N, K, C]
    flat = grouped.reshape(-1, C)
    flat = jax.nn.relu(_bn(flat @ W_m1 + b_m1, g_m1, b_m1n))
    flat = jax.nn.relu(_bn(flat @ W_m2 + b_m2, g_m2, b_m2n))
    h = flat.reshape(N, K, C).max(axis=1)  # max-pool over neighbourhood
    # norm2 -> relu
    h = jax.nn.relu(_bn(h, g_n2, b_n2))
    # fc3 -> norm3
    h = _bn(h @ W_fc3, g_n3, b_n3)
    # residual (drop_path = Identity at rate 0.0) + relu
    out = jax.nn.relu(feat + h)
    return out

if __name__ == "__main__":
    import jax
    _d = setup_inputs()
    print(jax.jit(kernel)(*tuple(_d.values())))

</pallas_src>

<mosaic_0001>
#map = affine_map<(d0, d1) -> (0)>
#map1 = affine_map<(d0, d1) -> (0, 0)>
module attributes {stable_mosaic.version = 14 : i64} {
  func.func @_hist(%arg0: i32, %arg1: i32, %arg2: memref<320000xi32, #tpu.memory_space<hbm>>, %arg3: memref<32x10000xf32, #tpu.memory_space<hbm>>, %arg4: memref<10000xi32, #tpu.memory_space<vmem>>, %arg5: memref<10000xf32, #tpu.memory_space<vmem>>) attributes {dimension_semantics = [#tpu.dimension_semantics<core_parallel>, #tpu.dimension_semantics<subcore_parallel>], iteration_bounds = array<i64: 2, 16>, scalar_prefetch = 0 : i64, scratch_operands = 2 : i64, tpu.core_type = #tpu.core_type<sc_vector_subcore>, window_params = [{transform_indices = #map}, {transform_indices = #map1}]} {
    %mul3A = arith.constant 2 : i32
    %mul3A_0 = arith.muli %arg1, %mul3A : i32
    %add3A = arith.addi %mul3A_0, %arg0 : i32
    %broadcast_in_dim3A = arith.constant 0.000000e+00 : f32
    %broadcast_in_dim3A_1 = vector.broadcast %broadcast_in_dim3A : f32 to vector<16xf32>
    %scan3A = arith.constant 0 : i32
    %scan3A_2 = arith.constant 0 : i32
    %scan3A_3 = arith.constant 625 : i32
    %scan3A_4 = arith.addi %scan3A_2, %scan3A_3 : i32
    %scan3A_5 = arith.constant 1 : i32
    scf.for %scan3A_17 = %scan3A_2 to %scan3A_4 step %scan3A_5  : i32 {
      %mul3A_18 = arith.constant 16 : i32
      %mul3A_19 = arith.muli %scan3A_17, %mul3A_18 : i32
      %swap3A = arith.index_cast %mul3A_19 : i32 to index
      %swap3A_20 = tpu.vector_load %arg5[%swap3A] {strides = array<i32>} : memref<10000xf32, #tpu.memory_space<vmem>>, vector<16xf32>,
      tpu.vector_store %arg5[%swap3A], %broadcast_in_dim3A_1 {strides = array<i32>} : memref<10000xf32, #tpu.memory_space<vmem>>, vector<16xf32>,
    }
    %scan3A_6 = arith.constant 625 : i32
    %mul3A_7 = arith.constant 10000 : i32
    %mul3A_8 = arith.muli %add3A, %mul3A_7 : i32
    "tpu.region"() ({
      %run_scoped3A = tpu.sem_alloc : memref<!tpu.dma_semaphore, #tpu.memory_space<semaphore_mem>>
      %dma_start3A = tpu.memref_slice %arg2[%mul3A_8] : memref<320000xi32, #tpu.memory_space<hbm>> -> memref<10000xi32, #tpu.memory_space<hbm>>
      %dma_start3A_17 = tpu.memref_slice %arg2[%mul3A_8] : memref<320000xi32, #tpu.memory_space<hbm>> -> memref<10000xi32, #tpu.memory_space<hbm>>
      tpu.enqueue_dma source(%dma_start3A_17 : memref<10000xi32, #tpu.memory_space<hbm>>) target(%arg4 : memref<10000xi32, #tpu.memory_space<vmem>>) target_semaphore(%run_scoped3A : memref<!tpu.dma_semaphore, #tpu.memory_space<semaphore_mem>>)
      %dma_wait3A = tpu.memref_slice %arg2[%mul3A_8] : memref<320000xi32, #tpu.memory_space<hbm>> -> memref<10000xi32, #tpu.memory_space<hbm>>
      %dma_wait3A_18 = tpu.memref_slice %arg2[%mul3A_8] : memref<320000xi32, #tpu.memory_space<hbm>> -> memref<10000xi32, #tpu.memory_space<hbm>>
      tpu.wait_dma2 semaphore(%run_scoped3A : memref<!tpu.dma_semaphore, #tpu.memory_space<semaphore_mem>>) src(%dma_wait3A_18 : memref<10000xi32, #tpu.memory_space<hbm>>) dst(%arg4 : memref<10000xi32, #tpu.memory_space<vmem>>)
      tpu.yield
    }) : () -> ()
    %broadcast_in_dim3A_9 = arith.constant 1.000000e+00 : f32
    %broadcast_in_dim3A_10 = vector.broadcast %broadcast_in_dim3A_9 : f32 to vector<16xf32>
    %scan3A_11 = arith.constant 0 : i32
    %scan3A_12 = arith.constant 0 : i32
    %scan3A_13 = arith.constant 625 : i32
    %scan3A_14 = arith.addi %scan3A_12, %scan3A_13 : i32
    %scan3A_15 = arith.constant 1 : i32
    scf.for %scan3A_17 = %scan3A_12 to %scan3A_14 step %scan3A_15  : i32 {
      %mul3A_18 = arith.constant 16 : i32
      %mul3A_19 = arith.muli %scan3A_17, %mul3A_18 : i32
      %get3A = arith.index_cast %mul3A_19 : i32 to index
      %get3A_20 = tpu.vector_load %arg4[%get3A] {strides = array<i32>} : memref<10000xi32, #tpu.memory_space<vmem>>, vector<16xi32>,
      tpu.vector_store_idx %arg5[%get3A_20], %broadcast_in_dim3A_10 {add = true} : memref<10000xf32, #tpu.memory_space<vmem>>[vector<16xi32>], vector<16xf32>,
    }
    %scan3A_16 = arith.constant 625 : i32
    "tpu.region"() ({
      %run_scoped3A = tpu.sem_alloc : memref<!tpu.dma_semaphore, #tpu.memory_space<semaphore_mem>>
      %dma_start3A = arith.constant 0 : i32
      %dma_start3A_17 = tpu.memref_slice %arg3[%add3A, %dma_start3A] : memref<32x10000xf32, #tpu.memory_space<hbm>> -> memref<1x10000xf32, #tpu.memory_space<hbm>>
      %dma_start3A_18 = tpu.memref_squeeze %dma_start3A_17 : memref<1x10000xf32, #tpu.memory_space<hbm>> -> memref<10000xf32, #tpu.memory_space<hbm>>
      %dma_start3A_19 = arith.constant 0 : i32
      %dma_start3A_20 = tpu.memref_slice %arg3[%add3A, %dma_start3A_19] : memref<32x10000xf32, #tpu.memory_space<hbm>> -> memref<1x10000xf32, #tpu.memory_space<hbm>>
      %dma_start3A_21 = tpu.memref_squeeze %dma_start3A_20 : memref<1x10000xf32, #tpu.memory_space<hbm>> -> memref<10000xf32, #tpu.memory_space<hbm>>
      tpu.enqueue_dma source(%arg5 : memref<10000xf32, #tpu.memory_space<vmem>>) target(%dma_start3A_21 : memref<10000xf32, #tpu.memory_space<hbm>>) target_semaphore(%run_scoped3A : memref<!tpu.dma_semaphore, #tpu.memory_space<semaphore_mem>>)
      %dma_wait3A = arith.constant 0 : i32
      %dma_wait3A_22 = tpu.memref_slice %arg3[%add3A, %dma_wait3A] : memref<32x10000xf32, #tpu.memory_space<hbm>> -> memref<1x10000xf32, #tpu.memory_space<hbm>>
      %dma_wait3A_23 = tpu.memref_squeeze %dma_wait3A_22 : memref<1x10000xf32, #tpu.memory_space<hbm>> -> memref<10000xf32, #tpu.memory_space<hbm>>
      %dma_wait3A_24 = arith.constant 0 : i32
      %dma_wait3A_25 = tpu.memref_slice %arg3[%add3A, %dma_wait3A_24] : memref<32x10000xf32, #tpu.memory_space<hbm>> -> memref<1x10000xf32, #tpu.memory_space<hbm>>
      %dma_wait3A_26 = tpu.memref_squeeze %dma_wait3A_25 : memref<1x10000xf32, #tpu.memory_space<hbm>> -> memref<10000xf32, #tpu.memory_space<hbm>>
      tpu.wait_dma2 semaphore(%run_scoped3A : memref<!tpu.dma_semaphore, #tpu.memory_space<semaphore_mem>>) src(%arg5 : memref<10000xf32, #tpu.memory_space<vmem>>) dst(%dma_wait3A_26 : memref<10000xf32, #tpu.memory_space<hbm>>)
      tpu.yield
    }) : () -> ()
    return
  }
}

#map = affine_map<(d0, d1) -> (0, 0)>
module attributes {stable_mosaic.version = 14 : i64} {
  func.func @_gmax(%arg0: i32, %arg1: i32, %arg2: memref<32x10240xi32, #tpu.memory_space<hbm>>, %arg3: memref<64x10000xi32, #tpu.memory_space<hbm>>, %arg4: memref<64x10240xi32, #tpu.memory_space<hbm>>, %arg5: memref<4x10000xi32, #tpu.memory_space<vmem>>, %arg6: memref<2x32x256xi32, #tpu.memory_space<vmem>>, %arg7: memref<4x5120xi32, #tpu.memory_space<vmem>>, %arg8: memref<!tpu.dma_semaphore, #tpu.memory_space<semaphore_mem>>, %arg9: memref<!tpu.dma_semaphore, #tpu.memory_space<semaphore_mem>>) attributes {dimension_semantics = [#tpu.dimension_semantics<core_parallel>, #tpu.dimension_semantics<subcore_parallel>], iteration_bounds = array<i64: 2, 16>, scalar_prefetch = 0 : i64, scratch_operands = 5 : i64, tpu.core_type = #tpu.core_type<sc_vector_subcore>, window_params = [{transform_indices = #map}, {transform_indices = #map}, {transform_indices = #map}]} {
    %mul3A = arith.constant 5120 : i32
    %mul3A_0 = arith.muli %arg0, %mul3A : i32
    %mul3A_1 = arith.constant 4 : i32
    %mul3A_2 = arith.muli %arg1, %mul3A_1 : i32
    "tpu.region"() ({
      %run_scoped3A = tpu.sem_alloc : memref<!tpu.dma_semaphore, #tpu.memory_space<semaphore_mem>>
      %dma_start3A_30 = arith.constant 0 : i32
      %dma_start3A_31 = tpu.memref_slice %arg3[%mul3A_2, %dma_start3A_30] : memref<64x10000xi32, #tpu.memory_space<hbm>> -> memref<4x10000xi32, #tpu.memory_space<hbm>>
      %dma_start3A_32 = arith.constant 0 : i32
      %dma_start3A_33 = tpu.memref_slice %arg3[%mul3A_2, %dma_start3A_32] : memref<64x10000xi32, #tpu.memory_space<hbm>> -> memref<4x10000xi32, #tpu.memory_space<hbm>>
      tpu.enqueue_dma source(%dma_start3A_33 : memref<4x10000xi32, #tpu.memory_space<hbm>>) target(%arg5 : memref<4x10000xi32, #tpu.memory_space<vmem>>) target_semaphore(%run_scoped3A : memref<!tpu.dma_semaphore, #tpu.memory_space<semaphore_mem>>)
      %dma_wait3A = arith.constant 0 : i32
      %dma_wait3A_34 = tpu.memref_slice %arg3[%mul3A_2, %dma_wait3A] : memref<64x10000xi32, #tpu.memory_space<hbm>> -> memref<4x10000xi32, #tpu.memory_space<hbm>>
      %dma_wait3A_35 = arith.constant 0 : i32
      %dma_wait3A_36 = tpu.memref_slice %arg3[%mul3A_2, %dma_wait3A_35] : memref<64x10000xi32, #tpu.memory_space<hbm>> -> memref<4x10000xi32, #tpu.memory_space<hbm>>
      tpu.wait_dma2 semaphore(%run_scoped3A : memref<!tpu.dma_semaphore, #tpu.memory_space<semaphore_mem>>) src(%dma_wait3A_36 : memref<4x10000xi32, #tpu.memory_space<hbm>>) dst(%arg5 : memref<4x10000xi32, #tpu.memory_space<vmem>>)
      tpu.yield
    }) : () -> ()
    %add3A = arith.constant 0 : i32
    %add3A_3 = arith.addi %mul3A_0, %add3A : i32
    %dma_start3A = arith.constant 0 : i32
    %dma_start3A_4 = arith.constant 0 : i32
    %dma_start3A_5 = arith.constant 0 : i32
    %dma_start3A_6 = tpu.memref_slice %arg6[%dma_start3A, %dma_start3A_4, %dma_start3A_5] : memref<2x32x256xi32, #tpu.memory_space<vmem>> -> memref<1x32x256xi32, #tpu.memory_space<vmem>>
    %dma_start3A_7 = tpu.memref_squeeze %dma_start3A_6 : memref<1x32x256xi32, #tpu.memory_space<vmem>> -> memref<32x256xi32, #tpu.memory_space<vmem>>
    %dma_start3A_8 = arith.constant 0 : i32
    %dma_start3A_9 = tpu.memref_slice %arg2[%dma_start3A_8, %add3A_3] : memref<32x10240xi32, #tpu.memory_space<hbm>> -> memref<32x256xi32, #tpu.memory_space<hbm>>
    %dma_start3A_10 = arith.constant 0 : i32
    %dma_start3A_11 = arith.constant 0 : i32
    %dma_start3A_12 = tpu.memref_slice %arg6[%dma_start3A, %dma_start3A_10, %dma_start3A_11] : memref<2x32x256xi32, #tpu.memory_space<vmem>> -> memref<1x32x256xi32, #tpu.memory_space<vmem>>
    %dma_start3A_13 = tpu.memref_squeeze %dma_start3A_12 : memref<1x32x256xi32, #tpu.memory_space<vmem>> -> memref<32x256xi32, #tpu.memory_space<vmem>>
    %dma_start3A_14 = arith.constant 0 : i32
    %dma_start3A_15 = tpu.memref_slice %arg2[%dma_start3A_14, %add3A_3] : memref<32x10240xi32, #tpu.memory_space<hbm>> -> memref<32x256xi32, #tpu.memory_space<hbm>>
    tpu.enqueue_dma source(%dma_start3A_15 : memref<32x256xi32, #tpu.memory_space<hbm>>) target(%dma_start3A_13 : memref<32x256xi32, #tpu.memory_space<vmem>>) target_semaphore(%arg8 : memref<!tpu.dma_semaphore, #tpu.memory_space<semaphore_mem>>)
    %broadcast_in_dim3A = arith.constant 0 : i32
    %broadcast_in_dim3A_16 = vector.broadcast %broadcast_in_dim3A : i32 to vector<16xi32>
    %broadcast_in_dim3A_17 = arith.constant 1 : i32
    %broadcast_in_dim3A_18 = vector.broadcast %broadcast_in_dim3A_17 : i32 to vector<16xi32>
    %broadcast_in_dim3A_19 = arith.constant 2 : i32
    %broadcast_in_dim3A_20 = vector.broadcast %broadcast_in_dim3A_19 : i32 to vector<16xi32>
    %broadcast_in_dim3A_21 = arith.constant 3 : i32
    %broadcast_in_dim3A_22 = vector.broadcast %broadcast_in_dim3A_21 : i32 to vector<16xi32>
    %scan3A = arith.constant 0 : i32
    %scan3A_23 = arith.constant 0 : i32
    %scan3A_24 = arith.constant 10 : i32
    %scan3A_25 = arith.addi %scan3A_23, %scan3A_24 : i32
    %scan3A_26 = arith.constant 1 : i32
    scf.for %scan3A_30 = %scan3A_23 to %scan3A_25 step %scan3A_26  : i32 {
      %mul3A_31 = arith.constant 2 : i32
      %mul3A_32 = arith.muli %scan3A_30, %mul3A_31 : i32
      %add3A_33 = arith.constant 0 : i32
      %add3A_34 = arith.addi %mul3A_32, %add3A_33 : i32
      %add3A_35 = arith.constant 1 : i32
      %add3A_36 = arith.addi %add3A_34, %add3A_35 : i32
      %lt3A = arith.constant 20 : i32
      %lt3A_37 = arith.cmpi slt, %add3A_36, %lt3A : i32
      %convert_element_type3A = arith.extui %lt3A_37 : i1 to i32
      %cond3A = arith.constant 0 : i32
      %cond3A_38 = arith.cmpi ne, %convert_element_type3A, %cond3A : i32
      scf.if %cond3A_38 {
        %add3A_91 = arith.constant 1 : i32
        %add3A_92 = arith.addi %add3A_34, %add3A_91 : i32
        %mul3A_93 = arith.constant 256 : i32
        %mul3A_94 = arith.muli %add3A_92, %mul3A_93 : i32
        %add3A_95 = arith.addi %mul3A_0, %mul3A_94 : i32
        %dma_start3A_96 = arith.constant 1 : i32
        %dma_start3A_97 = arith.constant 0 : i32
        %dma_start3A_98 = arith.constant 0 : i32
        %dma_start3A_99 = tpu.memref_slice %arg6[%dma_start3A_96, %dma_start3A_97, %dma_start3A_98] : memref<2x32x256xi32, #tpu.memory_space<vmem>> -> memref<1x32x256xi32, #tpu.memory_space<vmem>>
        %dma_start3A_100 = tpu.memref_squeeze %dma_start3A_99 : memref<1x32x256xi32, #tpu.memory_space<vmem>> -> memref<32x256xi32, #tpu.memory_space<vmem>>
        %dma_start3A_101 = arith.constant 0 : i32
        %dma_start3A_102 = tpu.memref_slice %arg2[%dma_start3A_101, %add3A_95] : memref<32x10240xi32, #tpu.memory_space<hbm>> -> memref<32x256xi32, #tpu.memory_space<hbm>>
        %dma_start3A_103 = arith.constant 0 : i32
        %dma_start3A_104 = arith.constant 0 : i32
        %dma_start3A_105 = tpu.memref_slice %arg6[%dma_start3A_96, %dma_start3A_103, %dma_start3A_104] : memref<2x32x256xi32, #tpu.memory_space<vmem>> -> memref<1x32x256xi32, #tpu.memory_space<vmem>>
        %dma_start3A_106 = tpu.memref_squeeze %dma_start3A_105 : memref<1x32x256xi32, #tpu.memory_space<vmem>> -> memref<32x256xi32, #tpu.memory_space<vmem>>
        %dma_start3A_107 = arith.constant 0 : i32
        %dma_start3A_108 = tpu.memref_slice %arg2[%dma_start3A_107, %add3A_95] : memref<32x10240xi32, #tpu.memory_space<hbm>> -> memref<32x256xi32, #tpu.memory_space<hbm>>
        tpu.enqueue_dma source(%dma_start3A_108 : memref<32x256xi32, #tpu.memory_space<hbm>>) target(%dma_start3A_106 : memref<32x256xi32, #tpu.memory_space<vmem>>) target_semaphore(%arg9 : memref<!tpu.dma_semaphore, #tpu.memory_space<semaphore_mem>>)
      } else {
      }
      %dma_wait3A = arith.constant 0 : i32
      %dma_wait3A_39 = arith.constant 0 : i32
      %dma_wait3A_40 = arith.constant 0 : i32
      %dma_wait3A_41 = tpu.memref_slice %arg6[%dma_wait3A, %dma_wait3A_39, %dma_wait3A_40] : memref<2x32x256xi32, #tpu.memory_space<vmem>> -> memref<1x32x256xi32, #tpu.memory_space<vmem>>
      %dma_wait3A_42 = tpu.memref_squeeze %dma_wait3A_41 : memref<1x32x256xi32, #tpu.memory_space<vmem>> -> memref<32x256xi32, #tpu.memory_space<vmem>>
      %dma_wait3A_43 = arith.constant 0 : i32
      %dma_wait3A_44 = arith.constant 0 : i32
      %dma_wait3A_45 = tpu.memref_slice %arg2[%dma_wait3A_43, %dma_wait3A_44] : memref<32x10240xi32, #tpu.memory_space<hbm>> -> memref<32x256xi32, #tpu.memory_space<hbm>>
      %dma_wait3A_46 = arith.constant 0 : i32
      %dma_wait3A_47 = arith.constant 0 : i32
      %dma_wait3A_48 = tpu.memref_slice %arg6[%dma_wait3A, %dma_wait3A_46, %dma_wait3A_47] : memref<2x32x256xi32, #tpu.memory_space<vmem>> -> memref<1x32x256xi32, #tpu.memory_space<vmem>>
      %dma_wait3A_49 = tpu.memref_squeeze %dma_wait3A_48 : memref<1x32x256xi32, #tpu.memory_space<vmem>> -> memref<32x256xi32, #tpu.memory_space<vmem>>
      %dma_wait3A_50 = arith.constant 0 : i32
      %dma_wait3A_51 = arith.constant 0 : i32
      %dma_wait3A_52 = tpu.memref_slice %arg2[%dma_wait3A_50, %dma_wait3A_51] : memref<32x10240xi32, #tpu.memory_space<hbm>> -> memref<32x256xi32, #tpu.memory_space<hbm>>
      tpu.wait_dma2 semaphore(%arg8 : memref<!tpu.dma_semaphore, #tpu.memory_space<semaphore_mem>>) src(%dma_wait3A_52 : memref<32x256xi32, #tpu.memory_space<hbm>>) dst(%dma_wait3A_49 : memref<32x256xi32, #tpu.memory_space<vmem>>)
      %scan3A_53 = arith.constant 0 : i32
      %scan3A_54 = arith.constant 0 : i32
      %scan3A_55 = arith.constant 16 : i32
      %scan3A_56 = arith.addi %scan3A_54, %scan3A_55 : i32
      %scan3A_57 = arith.constant 1 : i32
      scf.for %scan3A_91 = %scan3A_54 to %scan3A_56 step %scan3A_57  : i32 {
        %mul3A_92 = arith.constant 16 : i32
        %mul3A_93 = arith.muli %scan3A_91, %mul3A_92 : i32
        %get3A = arith.constant 0 : i32
        %get3A_94 = arith.constant 0 : i32
        %get3A_95 = arith.index_cast %get3A : i32 to index
        %get3A_96 = arith.index_cast %get3A_94 : i32 to index
        %get3A_97 = arith.index_cast %mul3A_93 : i32 to index
        %get3A_98 = tpu.vector_load %arg6[%get3A_95, %get3A_96, %get3A_97] {strides = array<i32>} : memref<2x32x256xi32, #tpu.memory_space<vmem>>, vector<16xi32>,
        %gather3A = tpu.vector_load_idx %arg5[%broadcast_in_dim3A_16, %get3A_98] : memref<4x10000xi32, #tpu.memory_space<vmem>>[vector<16xi32>, vector<16xi32>], vector<16xi32>,
        %bitcast3A = vector.bitcast %gather3A : vector<16xi32> to vector<32xbf16>
        %gather3A_99 = tpu.vector_load_idx %arg5[%broadcast_in_dim3A_18, %get3A_98] : memref<4x10000xi32, #tpu.memory_space<vmem>>[vector<16xi32>, vector<16xi32>], vector<16xi32>,
        %bitcast3A_100 = vector.bitcast %gather3A_99 : vector<16xi32> to vector<32xbf16>
        %gather3A_101 = tpu.vector_load_idx %arg5[%broadcast_in_dim3A_20, %get3A_98] : memref<4x10000xi32, #tpu.memory_space<vmem>>[vector<16xi32>, vector<16xi32>], vector<16xi32>,
        %bitcast3A_102 = vector.bitcast %gather3A_101 : vector<16xi32> to vector<32xbf16>
        %gather3A_103 = tpu.vector_load_idx %arg5[%broadcast_in_dim3A_22, %get3A_98] : memref<4x10000xi32, #tpu.memory_space<vmem>>[vector<16xi32>, vector<16xi32>], vector<16xi32>,
        %bitcast3A_104 = vector.bitcast %gather3A_103 : vector<16xi32> to vector<32xbf16>
        %get3A_105 = arith.constant 0 : i32
        %get3A_106 = arith.constant 1 : i32
        %get3A_107 = arith.index_cast %get3A_105 : i32 to index
        %get3A_108 = arith.index_cast %get3A_106 : i32 to index
        %get3A_109 = arith.index_cast %mul3A_93 : i32 to index
        %get3A_110 = tpu.vector_load %arg6[%get3A_107, %get3A_108, %get3A_109] {strides = array<i32>} : memref<2x32x256xi32, #tpu.memory_space<vmem>>, vector<16xi32>,
        %gather3A_111 = tpu.vector_load_idx %arg5[%broadcast_in_dim3A_16, %get3A_110] : memref<4x10000xi32, #tpu.memory_space<vmem>>[vector<16xi32>, vector<16xi32>], vector<16xi32>,
        %bitcast3A_112 = vector.bitcast %gather3A_111 : vector<16xi32> to vector<32xbf16>
        %gather3A_113 = tpu.vector_load_idx %arg5[%broadcast_in_dim3A_18, %get3A_110] : memref<4x10000xi32, #tpu.memory_space<vmem>>[vector<16xi32>, vector<16xi32>], vector<16xi32>,
        %bitcast3A_114 = vector.bitcast %gather3A_113 : vector<16xi32> to vector<32xbf16>
        %gather3A_115 = tpu.vector_load_idx %arg5[%broadcast_in_dim3A_20, %get3A_110] : memref<4x10000xi32, #tpu.memory_space<vmem>>[vector<16xi32>, vector<16xi32>], vector<16xi32>,
        %bitcast3A_116 = vector.bitcast %gather3A_115 : vector<16xi32> to vector<32xbf16>
        %gather3A_117 = tpu.vector_load_idx %arg5[%broadcast_in_dim3A_22, %get3A_110] : memref<4x10000xi32, #tpu.memory_space<vmem>>[vector<16xi32>, vector<16xi32>], vector<16xi32>,
        %bitcast3A_118 = vector.bitcast %gather3A_117 : vector<16xi32> to vector<32xbf16>
        %get3A_119 = arith.constant 0 : i32
        %get3A_120 = arith.constant 2 : i32
        %get3A_121 = arith.index_cast %get3A_119 : i32 to index
        %get3A_122 = arith.index_cast %get3A_120 : i32 to index
        %get3A_123 = arith.index_cast %mul3A_93 : i32 to index
        %get3A_124 = tpu.vector_load %arg6[%get3A_121, %get3A_122, %get3A_123] {strides = array<i32>} : memref<2x32x256xi32, #tpu.memory_space<vmem>>, vector<16xi32>,
        %gather3A_125 = tpu.vector_load_idx %arg5[%broadcast_in_dim3A_16, %get3A_124] : memref<4x10000xi32, #tpu.memory_space<vmem>>[vector<16xi32>, vector<16xi32>], vector<16xi32>,
        %bitcast3A_126 = vector.bitcast %gather3A_125 : vector<16xi32> to vector<32xbf16>
        %gather3A_127 = tpu.vector_load_idx %arg5[%broadcast_in_dim3A_18, %get3A_124] : memref<4x10000xi32, #tpu.memory_space<vmem>>[vector<16xi32>, vector<16xi32>], vector<16xi32>,
        %bitcast3A_128 = vector.bitcast %gather3A_127 : vector<16xi32> to vector<32xbf16>
        %gather3A_129 = tpu.vector_load_idx %arg5[%broadcast_in_dim3A_20, %get3A_124] : memref<4x10000xi32, #tpu.memory_space<vmem>>[vector<16xi32>, vector<16xi32>], vector<16xi32>,
        %bitcast3A_130 = vector.bitcast %gather3A_129 : vector<16xi32> to vector<32xbf16>
        %gather3A_131 = tpu.vector_load_idx %arg5[%broadcast_in_dim3A_22, %get3A_124] : memref<4x10000xi32, #tpu.memory_space<vmem>>[vector<16xi32>, vector<16xi32>], vector<16xi32>,
        %bitcast3A_132 = vector.bitcast %gather3A_131 : vector<16xi32> to vector<32xbf16>
        %get3A_133 = arith.constant 0 : i32
        %get3A_134 = arith.constant 3 : i32
        %get3A_135 = arith.index_cast %get3A_133 : i32 to index
        %get3A_136 = arith.index_cast %get3A_134 : i32 to index
        %get3A_137 = arith.index_cast %mul3A_93 : i32 to index
        %get3A_138 = tpu.vector_load %arg6[%get3A_135, %get3A_136, %get3A_137] {strides = array<i32>} : memref<2x32x256xi32, #tpu.memory_space<vmem>>, vector<16xi32>,
        %gather3A_139 = tpu.vector_load_idx %arg5[%broadcast_in_dim3A_16, %get3A_138] : memref<4x10000xi32, #tpu.memory_space<vmem>>[vector<16xi32>, vector<16xi32>], vector<16xi32>,
        %bitcast3A_140 = vector.bitcast %gather3A_139 : vector<16xi32> to vector<32xbf16>
        %gather3A_141 = tpu.vector_load_idx %arg5[%broadcast_in_dim3A_18, %get3A_138] : memref<4x10000xi32, #tpu.memory_space<vmem>>[vector<16xi32>, vector<16xi32>], vector<16xi32>,
        %bitcast3A_142 = vector.bitcast %gather3A_141 : vector<16xi32> to vector<32xbf16>
        %gather3A_143 = tpu.vector_load_idx %arg5[%broadcast_in_dim3A_20, %get3A_138] : memref<4x10000xi32, #tpu.memory_space<vmem>>[vector<16xi32>, vector<16xi32>], vector<16xi32>,
        %bitcast3A_144 = vector.bitcast %gather3A_143 : vector<16xi32> to vector<32xbf16>
        %gather3A_145 = tpu.vector_load_idx %arg5[%broadcast_in_dim3A_22, %get3A_138] : memref<4x10000xi32, #tpu.memory_space<vmem>>[vector<16xi32>, vector<16xi32>], vector<16xi32>,
        %bitcast3A_146 = vector.bitcast %gather3A_145 : vector<16xi32> to vector<32xbf16>
        %get3A_147 = arith.constant 0 : i32
        %get3A_148 = arith.constant 4 : i32
        %get3A_149 = arith.index_cast %get3A_147 : i32 to index
        %get3A_150 = arith.index_cast %get3A_148 : i32 to index
        %get3A_151 = arith.index_cast %mul3A_93 : i32 to index
        %get3A_152 = tpu.vector_load %arg6[%get3A_149, %get3A_150, %get3A_151] {strides = array<i32>} : memref<2x32x256xi32, #tpu.memory_space<vmem>>, vector<16xi32>,
        %gather3A_153 = tpu.vector_load_idx %arg5[%broadcast_in_dim3A_16, %get3A_152] : memref<4x10000xi32, #tpu.memory_space<vmem>>[vector<16xi32>, vector<16xi32>], vector<16xi32>,
        %bitcast3A_154 = vector.bitcast %gather3A_153 : vector<16xi32> to vector<32xbf16>
        %max3A = arith.maximumf %bitcast3A, %bitcast3A_154 : vector<32xbf16>
        %gather3A_155 = tpu.vector_load_idx %arg5[%broadcast_in_dim3A_18, %get3A_152] : memref<4x10000xi32, #tpu.memory_space<vmem>>[vector<16xi32>, vector<16xi32>], vector<16xi32>,
        %bitcast3A_156 = vector.bitcast %gather3A_155 : vector<16xi32> to vector<32xbf16>
        %max3A_157 = arith.maximumf %bitcast3A_100, %bitcast3A_156 : vector<32xbf16>
        %gather3A_158 = tpu.vector_load_idx %arg5[%broadcast_in_dim3A_20, %get3A_152] : memref<4x10000xi32, #tpu.memory_space<vmem>>[vector<16xi32>, vector<16xi32>], vector<16xi32>,
        %bitcast3A_159 = vector.bitcast %gather3A_158 : vector<16xi32> to vector<32xbf16>
        %max3A_160 = arith.maximumf %bitcast3A_102, %bitcast3A_159 : vector<32xbf16>
        %gather3A_161 = tpu.vector_load_idx %arg5[%broadcast_in_dim3A_22, %get3A_152] : memref<4x10000xi32, #tpu.memory_space<vmem>>[vector<16xi32>, vector<16xi32>], vector<16xi32>,
        %bitcast3A_162 = vector.bitcast %gather3A_161 : vector<16xi32> to vector<32xbf16>
        %max3A_163 = arith.maximumf %bitcast3A_104, %bitcast3A_162 : vector<32xbf16>
        %get3A_164 = arith.constant 0 : i32
        %get3A_165 = arith.constant 5 : i32
        %get3A_166 = arith.index_cast %get3A_164 : i32 to index
        %get3A_167 = arith.index_cast %get3A_165 : i32 to index
        %get3A_168 = arith.index_cast %mul3A_93 : i32 to index
        %get3A_169 = tpu.vector_load %arg6[%get3A_166, %get3A_167, %get3A_168] {strides = array<i32>} : memref<2x32x256xi32, #tpu.memory_space<vmem>>, vector<16xi32>,
        %gather3A_170 = tpu.vector_load_idx %arg5[%broadcast_in_dim3A_16, %get3A_169] : memref<4x10000xi32, #tpu.memory_space<vmem>>[vector<16xi32>, vector<16xi32>], vector<16xi32>,
        %bitcast3A_171 = vector.bitcast %gather3A_170 : vector<16xi32> to vector<32xbf16>
        %max3A_172 = arith.maximumf %bitcast3A_112, %bitcast3A_171 : vector<32xbf16>
        %gather3A_173 = tpu.vector_load_idx %arg5[%broadcast_in_dim3A_18, %get3A_169] : memref<4x10000xi32, #tpu.memory_space<vmem>>[vector<16xi32>, vector<16xi32>], vector<16xi32>,
        %bitcast3A_174 = vector.bitcast %gather3A_173 : vector<16xi32> to vector<32xbf16>
        %max3A_175 = arith.maximumf %bitcast3A_114, %bitcast3A_174 : vector<32xbf16>
        %gather3A_176 = tpu.vector_load_idx %arg5[%broadcast_in_dim3A_20, %get3A_169] : memref<4x10000xi32, #tpu.memory_space<vmem>>[vector<16xi32>, vector<16xi32>], vector<16xi32>,
        %bitcast3A_177 = vector.bitcast %gather3A_176 : vector<16xi32> to vector<32xbf16>
        %max3A_178 = arith.maximumf %bitcast3A_116, %bitcast3A_177 : vector<32xbf16>
        %gather3A_179 = tpu.vector_load_idx %arg5[%broadcast_in_dim3A_22, %get3A_169] : memref<4x10000xi32, #tpu.memory_space<vmem>>[vector<16xi32>, vector<16xi32>], vector<16xi32>,
        %bitcast3A_180 = vector.bitcast %gather3A_179 : vector<16xi32> to vector<32xbf16>
        %max3A_181 = arith.maximumf %bitcast3A_118, %bitcast3A_180 : vector<32xbf16>
        %get3A_182 = arith.constant 0 : i32
        %get3A_183 = arith.constant 6 : i32
        %get3A_184 = arith.index_cast %get3A_182 : i32 to index
        %get3A_185 = arith.index_cast %get3A_183 : i32 to index
        %get3A_186 = arith.index_cast %mul3A_93 : i32 to index
        %get3A_187 = tpu.vector_load %arg6[%get3A_184, %get3A_185, %get3A_186] {strides = array<i32>} : memref<2x32x256xi32, #tpu.memory_space<vmem>>, vector<16xi32>,
        %gather3A_188 = tpu.vector_load_idx %arg5[%broadcast_in_dim3A_16, %get3A_187] : memref<4x10000xi32, #tpu.memory_space<vmem>>[vector<16xi32>, vector<16xi32>], vector<16xi32>,
        %bitcast3A_189 = vector.bitcast %gather3A_188 : vector<16xi32> to vector<32xbf16>
        %max3A_190 = arith.maximumf %bitcast3A_126, %bitcast3A_189 : vector<32xbf16>
        %gather3A_191 = tpu.vector_load_idx %arg5[%broadcast_in_dim3A_18, %get3A_187] : memref<4x10000xi32, #tpu.memory_space<vmem>>[vector<16xi32>, vector<16xi32>], vector<16xi32>,
        %bitcast3A_192 = vector.bitcast %gather3A_191 : vector<16xi32> to vector<32xbf16>
        %max3A_193 = arith.maximumf %bitcast3A_128, %bitcast3A_192 : vector<32xbf16>
        %gather3A_194 = tpu.vector_load_idx %arg5[%broadcast_in_dim3A_20, %get3A_187] : memref<4x10000xi32, #tpu.memory_space<vmem>>[vector<16xi32>, vector<16xi32>], vector<16xi32>,
        %bitcast3A_195 = vector.bitcast %gather3A_194 : vector<16xi32> to vector<32xbf16>
        %max3A_196 = arith.maximumf %bitcast3A_130, %bitcast3A_195 : vector<32xbf16>
        %gather3A_197 = tpu.vector_load_idx %arg5[%broadcast_in_dim3A_22, %get3A_187] : memref<4x10000xi32, #tpu.memory_space<vmem>>[vector<16xi32>, vector<16xi32>], vector<16xi32>,
        %bitcast3A_198 = vector.bitcast %gather3A_197 : vector<16xi32> to vector<32xbf16>
        %max3A_199 = arith.maximumf %bitcast3A_132, %bitcast3A_198 : vector<32xbf16>
        %get3A_200 = arith.constant 0 : i32
        %get3A_201 = arith.constant 7 : i32
        %get3A_202 = arith.index_cast %get3A_200 : i32 to index
        %get3A_203 = arith.index_cast %get3A_201 : i32 to index
        %get3A_204 = arith.index_cast %mul3A_93 : i32 to index
        %get3A_205 = tpu.vector_load %arg6[%get3A_202, %get3A_203, %get3A_204] {strides = array<i32>} : memref<2x32x256xi32, #tpu.memory_space<vmem>>, vector<16xi32>,
        %gather3A_206 = tpu.vector_load_idx %arg5[%broadcast_in_dim3A_16, %get3A_205] : memref<4x10000xi32, #tpu.memory_space<vmem>>[vector<16xi32>, vector<16xi32>], vector<16xi32>,
        %bitcast3A_207 = vector.bitcast %gather3A_206 : vector<16xi32> to vector<32xbf16>
        %max3A_208 = arith.maximumf %bitcast3A_140, %bitcast3A_207 : vector<32xbf16>
        %gather3A_209 = tpu.vector_load_idx %arg5[%broadcast_in_dim3A_18, %get3A_205] : memref<4x10000xi32, #tpu.memory_space<vmem>>[vector<16xi32>, vector<16xi32>], vector<16xi32>,
        %bitcast3A_210 = vector.bitcast %gather3A_209 : vector<16xi32> to vector<32xbf16>
        %max3A_211 = arith.maximumf %bitcast3A_142, %bitcast3A_210 : vector<32xbf16>
        %gather3A_212 = tpu.vector_load_idx %arg5[%broadcast_in_dim3A_20, %get3A_205] : memref<4x10000xi32, #tpu.memory_space<vmem>>[vector<16xi32>, vector<16xi32>], vector<16xi32>,
        %bitcast3A_213 = vector.bitcast %gather3A_212 : vector<16xi32> to vector<32xbf16>
        %max3A_214 = arith.maximumf %bitcast3A_144, %bitcast3A_213 : vector<32xbf16>
        %gather3A_215 = tpu.vector_load_idx %arg5[%broadcast_in_dim3A_22, %get3A_205] : memref<4x10000xi32, #tpu.memory_space<vmem>>[vector<16xi32>, vector<16xi32>], vector<16xi32>,
        %bitcast3A_216 = vector.bitcast %gather3A_215 : vector<16xi32> to vector<32xbf16>
        %max3A_217 = arith.maximumf %bitcast3A_146, %bitcast3A_216 : vector<32xbf16>
        %get3A_218 = arith.constant 0 : i32
        %get3A_219 = arith.constant 8 : i32
        %get3A_220 = arith.index_cast %get3A_218 : i32 to index
        %get3A_221 = arith.index_cast %get3A_219 : i32 to index
        %get3A_222 = arith.index_cast %mul3A_93 : i32 to index
        %get3A_223 = tpu.vector_load %arg6[%get3A_220, %get3A_221, %get3A_222] {strides = array<i32>} : memref<2x32x256xi32, #tpu.memory_space<vmem>>, vector<16xi32>,
        %gather3A_224 = tpu.vector_load_idx %arg5[%broadcast_in_dim3A_16, %get3A_223] : memref<4x10000xi32, #tpu.memory_space<vmem>>[vector<16xi32>, vector<16xi32>], vector<16xi32>,
        %bitcast3A_225 = vector.bitcast %gather3A_224 : vector<16xi32> to vector<32xbf16>
        %max3A_226 = arith.maximumf %max3A, %bitcast3A_225 : vector<32xbf16>
        %gather3A_227 = tpu.vector_load_idx %arg5[%broadcast_in_dim3A_18, %get3A_223] : memref<4x10000xi32, #tpu.memory_space<vmem>>[vector<16xi32>, vector<16xi32>], vector<16xi32>,
        %bitcast3A_228 = vector.bitcast %gather3A_227 : vector<16xi32> to vector<32xbf16>
        %max3A_229 = arith.maximumf %max3A_157, %bitcast3A_228 : vector<32xbf16>
        %gather3A_230 = tpu.vector_load_idx %arg5[%broadcast_in_dim3A_20, %get3A_223] : memref<4x10000xi32, #tpu.memory_space<vmem>>[vector<16xi32>, vector<16xi32>], vector<16xi32>,
        %bitcast3A_231 = vector.bitcast %gather3A_230 : vector<16xi32> to vector<32xbf16>
        %max3A_232 = arith.maximumf %max3A_160, %bitcast3A_231 : vector<32xbf16>
        %gather3A_233 = tpu.vector_load_idx %arg5[%broadcast_in_dim3A_22, %get3A_223] : memref<4x10000xi32, #tpu.memory_space<vmem>>[vector<16xi32>, vector<16xi32>], vector<16xi32>,
        %bitcast3A_234 = vector.bitcast %gather3A_233 : vector<16xi32> to vector<32xbf16>
        %max3A_235 = arith.maximumf %max3A_163, %bitcast3A_234 : vector<32xbf16>
        %get3A_236 = arith.constant 0 : i32
        %get3A_237 = arith.constant 9 : i32
        %get3A_238 = arith.index_cast %get3A_236 : i32 to index
        %get3A_239 = arith.index_cast %get3A_237 : i32 to index
        %get3A_240 = arith.index_cast %mul3A_93 : i32 to index
        %get3A_241 = tpu.vector_load %arg6[%get3A_238, %get3A_239, %get3A_240] {strides = array<i32>} : memref<2x32x256xi32, #tpu.memory_space<vmem>>, vector<16xi32>,
        %gather3A_242 = tpu.vector_load_idx %arg5[%broadcast_in_dim3A_16, %get3A_241] : memref<4x10000xi32, #tpu.memory_space<vmem>>[vector<16xi32>, vector<16xi32>], vector<16xi32>,
        %bitcast3A_243 = vector.bitcast %gather3A_242 : vector<16xi32> to vector<32xbf16>
        %max3A_244 = arith.maximumf %max3A_172, %bitcast3A_243 : vector<32xbf16>
        %gather3A_245 = tpu.vector_load_idx %arg5[%broadcast_in_dim3A_18, %get3A_241] : memref<4x10000xi32, #tpu.memory_space<vmem>>[vector<16xi32>, vector<16xi32>], vector<16xi32>,
        %bitcast3A_246 = vector.bitcast %gather3A_245 : vector<16xi32> to vector<32xbf16>
        %max3A_247 = arith.maximumf %max3A_175, %bitcast3A_246 : vector<32xbf16>
        %gather3A_248 = tpu.vector_load_idx %arg5[%broadcast_in_dim3A_20, %get3A_241] : memref<4x10000xi32, #tpu.memory_space<vmem>>[vector<16xi32>, vector<16xi32>], vector<16xi32>,
        %bitcast3A_249 = vector.bitcast %gather3A_248 : vector<16xi32> to vector<32xbf16>
        %max3A_250 = arith.maximumf %max3A_178, %bitcast3A_249 : vector<32xbf16>
        %gather3A_251 = tpu.vector_load_idx %arg5[%broadcast_in_dim3A_22, %get3A_241] : memref<4x10000xi32, #tpu.memory_space<vmem>>[vector<16xi32>, vector<16xi32>], vector<16xi32>,
        %bitcast3A_252 = vector.bitcast %gather3A_251 : vector<16xi32> to vector<32xbf16>
        %max3A_253 = arith.maximumf %max3A_181, %bitcast3A_252 : vector<32xbf16>
        %get3A_254 = arith.constant 0 : i32
        %get3A_255 = arith.constant 10 : i32
        %get3A_256 = arith.index_cast %get3A_254 : i32 to index
        %get3A_257 = arith.index_cast %get3A_255 : i32 to index
        %get3A_258 = arith.index_cast %mul3A_93 : i32 to index
        %get3A_259 = tpu.vector_load %arg6[%get3A_256, %get3A_257, %get3A_258] {strides = array<i32>} : memref<2x32x256xi32, #tpu.memory_space<vmem>>, vector<16xi32>,
        %gather3A_260 = tpu.vector_load_idx %arg5[%broadcast_in_dim3A_16, %get3A_259] : memref<4x10000xi32, #tpu.memory_space<vmem>>[vector<16xi32>, vector<16xi32>], vector<16xi32>,
        %bitcast3A_261 = vector.bitcast %gather3A_260 : vector<16xi32> to vector<32xbf16>
        %max3A_262 = arith.maximumf %max3A_190, %bitcast3A_261 : vector<32xbf16>
        %gather3A_263 = tpu.vector_load_idx %arg5[%broadcast_in_dim3A_18, %get3A_259] : memref<4x10000xi32, #tpu.memory_space<vmem>>[vector<16xi32>, vector<16xi32>], vector<16xi32>,
        %bitcast3A_264 = vector.bitcast %gather3A_263 : vector<16xi32> to vector<32xbf16>
        %max3A_265 = arith.maximumf %max3A_193, %bitcast3A_264 : vector<32xbf16>
        %gather3A_266 = tpu.vector_load_idx %arg5[%broadcast_in_dim3A_20, %get3A_259] : memref<4x10000xi32, #tpu.memory_space<vmem>>[vector<16xi32>, vector<16xi32>], vector<16xi32>,
        %bitcast3A_267 = vector.bitcast %gather3A_266 : vector<16xi32> to vector<32xbf16>
        %max3A_268 = arith.maximumf %max3A_196, %bitcast3A_267 : vector<32xbf16>
        %gather3A_269 = tpu.vector_load_idx %arg5[%broadcast_in_dim3A_22, %get3A_259] : memref<4x10000xi32, #tpu.memory_space<vmem>>[vector<16xi32>, vector<16xi32>], vector<16xi32>,
        %bitcast3A_270 = vector.bitcast %gather3A_269 : vector<16xi32> to vector<32xbf16>
        %max3A_271 = arith.maximumf %max3A_199, %bitcast3A_270 : vector<32xbf16>
        %get3A_272 = arith.constant 0 : i32
        %get3A_273 = arith.constant 11 : i32
        %get3A_274 = arith.index_cast %get3A_272 : i32 to index
        %get3A_275 = arith.index_cast %get3A_273 : i32 to index
        %get3A_276 = arith.index_cast %mul3A_93 : i32 to index
        %get3A_277 = tpu.vector_load %arg6[%get3A_274, %get3A_275, %get3A_276] {strides = array<i32>} : memref<2x32x256xi32, #tpu.memory_space<vmem>>, vector<16xi32>,
        %gather3A_278 = tpu.vector_load_idx %arg5[%broadcast_in_dim3A_16, %get3A_277] : memref<4x10000xi32, #tpu.memory_space<vmem>>[vector<16xi32>, vector<16xi32>], vector<16xi32>,
        %bitcast3A_279 = vector.bitcast %gather3A_278 : vector<16xi32> to vector<32xbf16>
        %max3A_280 = arith.maximumf %max3A_208, %bitcast3A_279 : vector<32xbf16>
        %gather3A_281 = tpu.vector_load_idx %arg5[%broadcast_in_dim3A_18, %get3A_277] : memref<4x10000xi32, #tpu.memory_space<vmem>>[vector<16xi32>, vector<16xi32>], vector<16xi32>,
        %bitcast3A_282 = vector.bitcast %gather3A_281 : vector<16xi32> to vector<32xbf16>
        %max3A_283 = arith.maximumf %max3A_211, %bitcast3A_282 : vector<32xbf16>
        %gather3A_284 = tpu.vector_load_idx %arg5[%broadcast_in_dim3A_20, %get3A_277] : memref<4x10000xi32, #tpu.memory_space<vmem>>[vector<16xi32>, vector<16xi32>], vector<16xi32>,
        %bitcast3A_285 = vector.bitcast %gather3A_284 : vector<16xi32> to vector<32xbf16>
        %max3A_286 = arith.maximumf %max3A_214, %bitcast3A_285 : vector<32xbf16>
        %gather3A_287 = tpu.vector_load_idx %arg5[%broadcast_in_dim3A_22, %get3A_277] : memref<4x10000xi32, #tpu.memory_space<vmem>>[vector<16xi32>, vector<16xi32>], vector<16xi32>,
        %bitcast3A_288 = vector.bitcast %gather3A_287 : vector<16xi32> to vector<32xbf16>
        %max3A_289 = arith.maximumf %max3A_217, %bitcast3A_288 : vector<32xbf16>
        %get3A_290 = arith.constant 0 : i32
        %get3A_291 = arith.constant 12 : i32
        %get3A_292 = arith.index_cast %get3A_290 : i32 to index
        %get3A_293 = arith.index_cast %get3A_291 : i32 to index
        %get3A_294 = arith.index_cast %mul3A_93 : i32 to index
        %get3A_295 = tpu.vector_load %arg6[%get3A_292, %get3A_293, %get3A_294] {strides = array<i32>} : memref<2x32x256xi32, #tpu.memory_space<vmem>>, vector<16xi32>,
        %gather3A_296 = tpu.vector_load_idx %arg5[%broadcast_in_dim3A_16, %get3A_295] : memref<4x10000xi32, #tpu.memory_space<vmem>>[vector<16xi32>, vector<16xi32>], vector<16xi32>,
        %bitcast3A_297 = vector.bitcast %gather3A_296 : vector<16xi32> to vector<32xbf16>
        %max3A_298 = arith.maximumf %max3A_226, %bitcast3A_297 : vector<32xbf16>
        %gather3A_299 = tpu.vector_load_idx %arg5[%broadcast_in_dim3A_18, %get3A_295] : memref<4x10000xi32, #tpu.memory_space<vmem>>[vector<16xi32>, vector<16xi32>], vector<16xi32>,
        %bitcast3A_300 = vector.bitcast %gather3A_299 : vector<16xi32> to vector<32xbf16>
        %max3A_301 = arith.maximumf %max3A_229, %bitcast3A_300 : vector<32xbf16>
        %gather3A_302 = tpu.vector_load_idx %arg5[%broadcast_in_dim3A_20, %get3A_295] : memref<4x10000xi32, #tpu.memory_space<vmem>>[vector<16xi32>, vector<16xi32>], vector<16xi32>,
        %bitcast3A_303 = vector.bitcast %gather3A_302 : vector<16xi32> to vector<32xbf16>
        %max3A_304 = arith.maximumf %max3A_232, %bitcast3A_303 : vector<32xbf16>
        %gather3A_305 = tpu.vector_load_idx %arg5[%broadcast_in_dim3A_22, %get3A_295] : memref<4x10000xi32, #tpu.memory_space<vmem>>[vector<16xi32>, vector<16xi32>], vector<16xi32>,
        %bitcast3A_306 = vector.bitcast %gather3A_305 : vector<16xi32> to vector<32xbf16>
        %max3A_307 = arith.maximumf %max3A_235, %bitcast3A_306 : vector<32xbf16>
        %get3A_308 = arith.constant 0 : i32
        %get3A_309 = arith.constant 13 : i32
        %get3A_310 = arith.index_cast %get3A_308 : i32 to index
        %get3A_311 = arith.index_cast %get3A_309 : i32 to index
        %get3A_312 = arith.index_cast %mul3A_93 : i32 to index
        %get3A_313 = tpu.vector_load %arg6[%get3A_310, %get3A_311, %get3A_312] {strides = array<i32>} : memref<2x32x256xi32, #tpu.memory_space<vmem>>, vector<16xi32>,
        %gather3A_314 = tpu.vector_load_idx %arg5[%broadcast_in_dim3A_16, %get3A_313] : memref<4x10000xi32, #tpu.memory_space<vmem>>[vector<16xi32>, vector<16xi32>], vector<16xi32>,
        %bitcast3A_315 = vector.bitcast %gather3A_314 : vector<16xi32> to vector<32xbf16>
        %max3A_316 = arith.maximumf %max3A_244, %bitcast3A_315 : vector<32xbf16>
        %gather3A_317 = tpu.vector_load_idx %arg5[%broadcast_in_dim3A_18, %get3A_313] : memref<4x10000xi32, #tpu.memory_space<vmem>>[vector<16xi32>, vector<16xi32>], vector<16xi32>,
        %bitcast3A_318 = vector.bitcast %gather3A_317 : vector<16xi32> to vector<32xbf16>
        %max3A_319 = arith.maximumf %max3A_247, %bitcast3A_318 : vector<32xbf16>
        %gather3A_320 = tpu.vector_load_idx %arg5[%broadcast_in_dim3A_20, %get3A_313] : memref<4x10000xi32, #tpu.memory_space<vmem>>[vector<16xi32>, vector<16xi32>], vector<16xi32>,
        %bitcast3A_321 = vector.bitcast %gather3A_320 : vector<16xi32> to vector<32xbf16>
        %max3A_322 = arith.maximumf %max3A_250, %bitcast3A_321 : vector<32xbf16>
        %gather3A_323 = tpu.vector_load_idx %arg5[%broadcast_in_dim3A_22, %get3A_313] : memref<4x10000xi32, #tpu.memory_space<vmem>>[vector<16xi32>, vector<16xi32>], vector<16xi32>,
        %bitcast3A_324 = vector.bitcast %gather3A_323 : vector<16xi32> to vector<32xbf16>
        %max3A_325 = arith.maximumf %max3A_253, %bitcast3A_324 : vector<32xbf16>
        %get3A_326 = arith.constant 0 : i32
        %get3A_327 = arith.constant 14 : i32
        %get3A_328 = arith.index_cast %get3A_326 : i32 to index
        %get3A_329 = arith.index_cast %get3A_327 : i32 to index
        %get3A_330 = arith.index_cast %mul3A_93 : i32 to index
        %get3A_331 = tpu.vector_load %arg6[%get3A_328, %get3A_329, %get3A_330] {strides = array<i32>} : memref<2x32x256xi32, #tpu.memory_space<vmem>>, vector<16xi32>,
        %gather3A_332 = tpu.vector_load_idx %arg5[%broadcast_in_dim3A_16, %get3A_331] : memref<4x10000xi32, #tpu.memory_space<vmem>>[vector<16xi32>, vector<16xi32>], vector<16xi32>,
        %bitcast3A_333 = vector.bitcast %gather3A_332 : vector<16xi32> to vector<32xbf16>
        %max3A_334 = arith.maximumf %max3A_262, %bitcast3A_333 : vector<32xbf16>
        %gather3A_335 = tpu.vector_load_idx %arg5[%broadcast_in_dim3A_18, %get3A_331] : memref<4x10000xi32, #tpu.memory_space<vmem>>[vector<16xi32>, vector<16xi32>], vector<16xi32>,
        %bitcast3A_336 = vector.bitcast %gather3A_335 : vector<16xi32> to vector<32xbf16>
        %max3A_337 = arith.maximumf %max3A_265, %bitcast3A_336 : vector<32xbf16>
        %gather3A_338 = tpu.vector_load_idx %arg5[%broadcast_in_dim3A_20, %get3A_331] : memref<4x10000xi32, #tpu.memory_space<vmem>>[vector<16xi32>, vector<16xi32>], vector<16xi32>,
        %bitcast3A_339 = vector.bitcast %gather3A_338 : vector<16xi32> to vector<32xbf16>
        %max3A_340 = arith.maximumf %max3A_268, %bitcast3A_339 : vector<32xbf16>
        %gather3A_341 = tpu.vector_load_idx %arg5[%broadcast_in_dim3A_22, %get3A_331] : memref<4x10000xi32, #tpu.memory_space<vmem>>[vector<16xi32>, vector<16xi32>], vector<16xi32>,
        %bitcast3A_342 = vector.bitcast %gather3A_341 : vector<16xi32> to vector<32xbf16>
        %max3A_343 = arith.maximumf %max3A_271, %bitcast3A_342 : vector<32xbf16>
        %get3A_344 = arith.constant 0 : i32
        %get3A_345 = arith.constant 15 : i32
        %get3A_346 = arith.index_cast %get3A_344 : i32 to index
        %get3A_347 = arith.index_cast %get3A_345 : i32 to index
        %get3A_348 = arith.index_cast %mul3A_93 : i32 to index
        %get3A_349 = tpu.vector_load %arg6[%get3A_346, %get3A_347, %get3A_348] {strides = array<i32>} : memref<2x32x256xi32, #tpu.memory_space<vmem>>, vector<16xi32>,
        %gather3A_350 = tpu.vector_load_idx %arg5[%broadcast_in_dim3A_16, %get3A_349] : memref<4x10000xi32, #tpu.memory_space<vmem>>[vector<16xi32>, vector<16xi32>], vector<16xi32>,
        %bitcast3A_351 = vector.bitcast %gather3A_350 : vector<16xi32> to vector<32xbf16>
        %max3A_352 = arith.maximumf %max3A_280, %bitcast3A_351 : vector<32xbf16>
        %gather3A_353 = tpu.vector_load_idx %arg5[%broadcast_in_dim3A_18, %get3A_349] : memref<4x10000xi32, #tpu.memory_space<vmem>>[vector<16xi32>, vector<16xi32>], vector<16xi32>,
        %bitcast3A_354 = vector.bitcast %gather3A_353 : vector<16xi32> to vector<32xbf16>
        %max3A_355 = arith.maximumf %max3A_283, %bitcast3A_354 : vector<32xbf16>
        %gather3A_356 = tpu.vector_load_idx %arg5[%broadcast_in_dim3A_20, %get3A_349] : memref<4x10000xi32, #tpu.memory_space<vmem>>[vector<16xi32>, vector<16xi32>], vector<16xi32>,
        %bitcast3A_357 = vector.bitcast %gather3A_356 : vector<16xi32> to vector<32xbf16>
        %max3A_358 = arith.maximumf %max3A_286, %bitcast3A_357 : vector<32xbf16>
        %gather3A_359 = tpu.vector_load_idx %arg5[%broadcast_in_dim3A_22, %get3A_349] : memref<4x10000xi32, #tpu.memory_space<vmem>>[vector<16xi32>, vector<16xi32>], vector<16xi32>,
        %bitcast3A_360 = vector.bitcast %gather3A_359 : vector<16xi32> to vector<32xbf16>
        %max3A_361 = arith.maximumf %max3A_289, %bitcast3A_360 : vector<32xbf16>
        %get3A_362 = arith.constant 0 : i32
        %get3A_363 = arith.constant 16 : i32
        %get3A_364 = arith.index_cast %get3A_362 : i32 to index
        %get3A_365 = arith.index_cast %get3A_363 : i32 to index
        %get3A_366 = arith.index_cast %mul3A_93 : i32 to index
        %get3A_367 = tpu.vector_load %arg6[%get3A_364, %get3A_365, %get3A_366] {strides = array<i32>} : memref<2x32x256xi32, #tpu.memory_space<vmem>>, vector<16xi32>,
        %gather3A_368 = tpu.vector_load_idx %arg5[%broadcast_in_dim3A_16, %get3A_367] : memref<4x10000xi32, #tpu.memory_space<vmem>>[vector<16xi32>, vector<16xi32>], vector<16xi32>,
        %bitcast3A_369 = vector.bitcast %gather3A_368 : vector<16xi32> to vector<32xbf16>
        %max3A_370 = arith.maximumf %max3A_298, %bitcast3A_369 : vector<32xbf16>
        %gather3A_371 = tpu.vector_load_idx %arg5[%broadcast_in_dim3A_18, %get3A_367] : memref<4x10000xi32, #tpu.memory_space<vmem>>[vector<16xi32>, vector<16xi32>], vector<16xi32>,
        %bitcast3A_372 = vector.bitcast %gather3A_371 : vector<16xi32> to vector<32xbf16>
        %max3A_373 = arith.maximumf %max3A_301, %bitcast3A_372 : vector<32xbf16>
        %gather3A_374 = tpu.vector_load_idx %arg5[%broadcast_in_dim3A_20, %get3A_367] : memref<4x10000xi32, #tpu.memory_space<vmem>>[vector<16xi32>, vector<16xi32>], vector<16xi32>,
        %bitcast3A_375 = vector.bitcast %gather3A_374 : vector<16xi32> to vector<32xbf16>
        %max3A_376 = arith.maximumf %max3A_304, %bitcast3A_375 : vector<32xbf16>
        %gather3A_377 = tpu.vector_load_idx %arg5[%broadcast_in_dim3A_22, %get3A_367] : memref<4x10000xi32, #tpu.memory_space<vmem>>[vector<16xi32>, vector<16xi32>], vector<16xi32>,
        %bitcast3A_378 = vector.bitcast %gather3A_377 : vector<16xi32> to vector<32xbf16>
        %max3A_379 = arith.maximumf %max3A_307, %bitcast3A_378 : vector<32xbf16>
        %get3A_380 = arith.constant 0 : i32
        %get3A_381 = arith.constant 17 : i32
        %get3A_382 = arith.index_cast %get3A_380 : i32 to index
        %get3A_383 = arith.index_cast %get3A_381 : i32 to index
        %get3A_384 = arith.index_cast %mul3A_93 : i32 to index
        %get3A_385 = tpu.vector_load %arg6[%get3A_382, %get3A_383, %get3A_384] {strides = array<i32>} : memref<2x32x256xi32, #tpu.memory_space<vmem>>, vector<16xi32>,
        %gather3A_386 = tpu.vector_load_idx %arg5[%broadcast_in_dim3A_16, %get3A_385] : memref<4x10000xi32, #tpu.memory_space<vmem>>[vector<16xi32>, vector<16xi32>], vector<16xi32>,
        %bitcast3A_387 = vector.bitcast %gather3A_386 : vector<16xi32> to vector<32xbf16>
        %max3A_388 = arith.maximumf %max3A_316, %bitcast3A_387 : vector<32xbf16>
        %gather3A_389 = tpu.vector_load_idx %arg5[%broadcast_in_dim3A_18, %get3A_385] : memref<4x10000xi32, #tpu.memory_space<vmem>>[vector<16xi32>, vector<16xi32>], vector<16xi32>,
        %bitcast3A_390 = vector.bitcast %gather3A_389 : vector<16xi32> to vector<32xbf16>
        %max3A_391 = arith.maximumf %max3A_319, %bitcast3A_390 : vector<32xbf16>
        %gather3A_392 = tpu.vector_load_idx %arg5[%broadcast_in_dim3A_20, %get3A_385] : memref<4x10000xi32, #tpu.memory_space<vmem>>[vector<16xi32>, vector<16xi32>], vector<16xi32>,
        %bitcast3A_393 = vector.bitcast %gather3A_392 : vector<16xi32> to vector<32xbf16>
        %max3A_394 = arith.maximumf %max3A_322, %bitcast3A_393 : vector<32xbf16>
        %gather3A_395 = tpu.vector_load_idx %arg5[%broadcast_in_dim3A_22, %get3A_385] : memref<4x10000xi32, #tpu.memory_space<vmem>>[vector<16xi32>, vector<16xi32>], vector<16xi32>,
        %bitcast3A_396 = vector.bitcast %gather3A_395 : vector<16xi32> to vector<32xbf16>
        %max3A_397 = arith.maximumf %max3A_325, %bitcast3A_396 : vector<32xbf16>
        %get3A_398 = arith.constant 0 : i32
        %get3A_399 = arith.constant 18 : i32
        %get3A_400 = arith.index_cast %get3A_398 : i32 to index
        %get3A_401 = arith.index_cast %get3A_399 : i32 to index
        %get3A_402 = arith.index_cast %mul3A_93 : i32 to index
        %get3A_403 = tpu.vector_load %arg6[%get3A_400, %get3A_401, %get3A_402] {strides = array<i32>} : memref<2x32x256xi32, #tpu.memory_space<vmem>>, vector<16xi32>,
        %gather3A_404 = tpu.vector_load_idx %arg5[%broadcast_in_dim3A_16, %get3A_403] : memref<4x10000xi32, #tpu.memory_space<vmem>>[vector<16xi32>, vector<16xi32>], vector<16xi32>,
        %bitcast3A_405 = vector.bitcast %gather3A_404 : vector<16xi32> to vector<32xbf16>
        %max3A_406 = arith.maximumf %max3A_334, %bitcast3A_405 : vector<32xbf16>
        %gather3A_407 = tpu.vector_load_idx %arg5[%broadcast_in_dim3A_18, %get3A_403] : memref<4x10000xi32, #tpu.memory_space<vmem>>[vector<16xi32>, vector<16xi32>], vector<16xi32>,
        %bitcast3A_408 = vector.bitcast %gather3A_407 : vector<16xi32> to vector<32xbf16>
        %max3A_409 = arith.maximumf %max3A_337, %bitcast3A_408 : vector<32xbf16>
        %gather3A_410 = tpu.vector_load_idx %arg5[%broadcast_in_dim3A_20, %get3A_403] : memref<4x10000xi32, #tpu.memory_space<vmem>>[vector<16xi32>, vector<16xi32>], vector<16xi32>,
        %bitcast3A_411 = vector.bitcast %gather3A_410 : vector<16xi32> to vector<32xbf16>
        %max3A_412 = arith.maximumf %max3A_340, %bitcast3A_411 : vector<32xbf16>
        %gather3A_413 = tpu.vector_load_idx %arg5[%broadcast_in_dim3A_22, %get3A_403] : memref<4x10000xi32, #tpu.memory_space<vmem>>[vector<16xi32>, vector<16xi32>], vector<16xi32>,
        %bitcast3A_414 = vector.bitcast %gather3A_413 : vector<16xi32> to vector<32xbf16>
        %max3A_415 = arith.maximumf %max3A_343, %bitcast3A_414 : vector<32xbf16>
        %get3A_416 = arith.constant 0 : i32
        %get3A_417 = arith.constant 19 : i32
        %get3A_418 = arith.index_cast %get3A_416 : i32 to index
        %get3A_419 = arith.index_cast %get3A_417 : i32 to index
        %get3A_420 = arith.index_cast %mul3A_93 : i32 to index
        %get3A_421 = tpu.vector_load %arg6[%get3A_418, %get3A_419, %get3A_420] {strides = array<i32>} : memref<2x32x256xi32, #tpu.memory_space<vmem>>, vector<16xi32>,
        %gather3A_422 = tpu.vector_load_idx %arg5[%broadcast_in_dim3A_16, %get3A_421] : memref<4x10000xi32, #tpu.memory_space<vmem>>[vector<16xi32>, vector<16xi32>], vector<16xi32>,
        %bitcast3A_423 = vector.bitcast %gather3A_422 : vector<16xi32> to vector<32xbf16>
        %max3A_424 = arith.maximumf %max3A_352, %bitcast3A_423 : vector<32xbf16>
        %gather3A_425 = tpu.vector_load_idx %arg5[%broadcast_in_dim3A_18, %get3A_421] : memref<4x10000xi32, #tpu.memory_space<vmem>>[vector<16xi32>, vector<16xi32>], vector<16xi32>,
        %bitcast3A_426 = vector.bitcast %gather3A_425 : vector<16xi32> to vector<32xbf16>
        %max3A_427 = arith.maximumf %max3A_355, %bitcast3A_426 : vector<32xbf16>
        %gather3A_428 = tpu.vector_load_idx %arg5[%broadcast_in_dim3A_20, %get3A_421] : memref<4x10000xi32, #tpu.memory_space<vmem>>[vector<16xi32>, vector<16xi32>], vector<16xi32>,
        %bitcast3A_429 = vector.bitcast %gather3A_428 : vector<16xi32> to vector<32xbf16>
        %max3A_430 = arith.maximumf %max3A_358, %bitcast3A_429 : vector<32xbf16>
        %gather3A_431 = tpu.vector_load_idx %arg5[%broadcast_in_dim3A_22, %get3A_421] : memref<4x10000xi32, #tpu.memory_space<vmem>>[vector<16xi32>, vector<16xi32>], vector<16xi32>,
        %bitcast3A_432 = vector.bitcast %gather3A_431 : vector<16xi32> to vector<32xbf16>
        %max3A_433 = arith.maximumf %max3A_361, %bitcast3A_432 : vector<32xbf16>
        %get3A_434 = arith.constant 0 : i32
        %get3A_435 = arith.constant 20 : i32
        %get3A_436 = arith.index_cast %get3A_434 : i32 to index
        %get3A_437 = arith.index_cast %get3A_435 : i32 to index
        %get3A_438 = arith.index_cast %mul3A_93 : i32 to index
        %get3A_439 = tpu.vector_load %arg6[%get3A_436, %get3A_437, %get3A_438] {strides = array<i32>} : memref<2x32x256xi32, #tpu.memory_space<vmem>>, vector<16xi32>,
        %gather3A_440 = tpu.vector_load_idx %arg5[%broadcast_in_dim3A_16, %get3A_439] : memref<4x10000xi32, #tpu.memory_space<vmem>>[vector<16xi32>, vector<16xi32>], vector<16xi32>,
        %bitcast3A_441 = vector.bitcast %gather3A_440 : vector<16xi32> to vector<32xbf16>
        %max3A_442 = arith.maximumf %max3A_370, %bitcast3A_441 : vector<32xbf16>
        %gather3A_443 = tpu.vector_load_idx %arg5[%broadcast_in_dim3A_18, %get3A_439] : memref<4x10000xi32, #tpu.memory_space<vmem>>[vector<16xi32>, vector<16xi32>], vector<16xi32>,
        %bitcast3A_444 = vector.bitcast %gather3A_443 : vector<16xi32> to vector<32xbf16>
        %max3A_445 = arith.maximumf %max3A_373, %bitcast3A_444 : vector<32xbf16>
        %gather3A_446 = tpu.vector_load_idx %arg5[%broadcast_in_dim3A_20, %get3A_439] : memref<4x10000xi32, #tpu.memory_space<vmem>>[vector<16xi32>, vector<16xi32>], vector<16xi32>,
        %bitcast3A_447 = vector.bitcast %gather3A_446 : vector<16xi32> to vector<32xbf16>
        %max3A_448 = arith.maximumf %max3A_376, %bitcast3A_447 : vector<32xbf16>
        %gather3A_449 = tpu.vector_load_idx %arg5[%broadcast_in_dim3A_22, %get3A_439] : memref<4x10000xi32, #tpu.memory_space<vmem>>[vector<16xi32>, vector<16xi32>], vector<16xi32>,
        %bitcast3A_450 = vector.bitcast %gather3A_449 : vector<16xi32> to vector<32xbf16>
        %max3A_451 = arith.maximumf %max3A_379, %bitcast3A_450 : vector<32xbf16>
        %get3A_452 = arith.constant 0 : i32
        %get3A_453 = arith.constant 21 : i32
        %get3A_454 = arith.index_cast %get3A_452 : i32 to index
        %get3A_455 = arith.index_cast %get3A_453 : i32 to index
        %get3A_456 = arith.index_cast %mul3A_93 : i32 to index
        %get3A_457 = tpu.vector_load %arg6[%get3A_454, %get3A_455, %get3A_456] {strides = array<i32>} : memref<2x32x256xi32, #tpu.memory_space<vmem>>, vector<16xi32>,
        %gather3A_458 = tpu.vector_load_idx %arg5[%broadcast_in_dim3A_16, %get3A_457] : memref<4x10000xi32, #tpu.memory_space<vmem>>[vector<16xi32>, vector<16xi32>], vector<16xi32>,
        %bitcast3A_459 = vector.bitcast %gather3A_458 : vector<16xi32> to vector<32xbf16>
        %max3A_460 = arith.maximumf %max3A_388, %bitcast3A_459 : vector<32xbf16>
        %gather3A_461 = tpu.vector_load_idx %arg5[%broadcast_in_dim3A_18, %get3A_457] : memref<4x10000xi32, #tpu.memory_space<vmem>>[vector<16xi32>, vector<16xi32>], vector<16xi32>,
        %bitcast3A_462 = vector.bitcast %gather3A_461 : vector<16xi32> to vector<32xbf16>
        %max3A_463 = arith.maximumf %max3A_391, %bitcast3A_462 : vector<32xbf16>
        %gather3A_464 = tpu.vector_load_idx %arg5[%broadcast_in_dim3A_20, %get3A_457] : memref<4x10000xi32, #tpu.memory_space<vmem>>[vector<16xi32>, vector<16xi32>], vector<16xi32>,
        %bitcast3A_465 = vector.bitcast %gather3A_464 : vector<16xi32> to vector<32xbf16>
        %max3A_466 = arith.maximumf %max3A_394, %bitcast3A_465 : vector<32xbf16>
        %gather3A_467 = tpu.vector_load_idx %arg5[%broadcast_in_dim3A_22, %get3A_457] : memref<4x10000xi32, #tpu.memory_space<vmem>>[vector<16xi32>, vector<16xi32>], vector<16xi32>,
        %bitcast3A_468 = vector.bitcast %gather3A_467 : vector<16xi32> to vector<32xbf16>
        %max3A_469 = arith.maximumf %max3A_397, %bitcast3A_468 : vector<32xbf16>
        %get3A_470 = arith.constant 0 : i32
        %get3A_471 = arith.constant 22 : i32
        %get3A_472 = arith.index_cast %get3A_470 : i32 to index
        %get3A_473 = arith.index_cast %get3A_471 : i32 to index
        %get3A_474 = arith.index_cast %mul3A_93 : i32 to index
        %get3A_475 = tpu.vector_load %arg6[%get3A_472, %get3A_473, %get3A_474] {strides = array<i32>} : memref<2x32x256xi32, #tpu.memory_space<vmem>>, vector<16xi32>,
        %gather3A_476 = tpu.vector_load_idx %arg5[%broadcast_in_dim3A_16, %get3A_475] : memref<4x10000xi32, #tpu.memory_space<vmem>>[vector<16xi32>, vector<16xi32>], vector<16xi32>,
        %bitcast3A_477 = vector.bitcast %gather3A_476 : vector<16xi32> to vector<32xbf16>
        %max3A_478 = arith.maximumf %max3A_406, %bitcast3A_477 : vector<32xbf16>
        %gather3A_479 = tpu.vector_load_idx %arg5[%broadcast_in_dim3A_18, %get3A_475] : memref<4x10000xi32, #tpu.memory_space<vmem>>[vector<16xi32>, vector<16xi32>], vector<16xi32>,
        %bitcast3A_480 = vector.bitcast %gather3A_479 : vector<16xi32> to vector<32xbf16>
        %max3A_481 = arith.maximumf %max3A_409, %bitcast3A_480 : vector<32xbf16>
        %gather3A_482 = tpu.vector_load_idx %arg5[%broadcast_in_dim3A_20, %get3A_475] : memref<4x10000xi32, #tpu.memory_space<vmem>>[vector<16xi32>, vector<16xi32>], vector<16xi32>,
        %bitcast3A_483 = vector.bitcast %gather3A_482 : vector<16xi32> to vector<32xbf16>
        %max3A_484 = arith.maximumf %max3A_412, %bitcast3A_483 : vector<32xbf16>
        %gather3A_485 = tpu.vector_load_idx %arg5[%broadcast_in_dim3A_22, %get3A_475] : memref<4x10000xi32, #tpu.memory_space<vmem>>[vector<16xi32>, vector<16xi32>], vector<16xi32>,
        %bitcast3A_486 = vector.bitcast %gather3A_485 : vector<16xi32> to vector<32xbf16>
        %max3A_487 = arith.maximumf %max3A_415, %bitcast3A_486 : vector<32xbf16>
        %get3A_488 = arith.constant 0 : i32
        %get3A_489 = arith.constant 23 : i32
        %get3A_490 = arith.index_cast %get3A_488 : i32 to index
        %get3A_491 = arith.index_cast %get3A_489 : i32 to index
        %get3A_492 = arith.index_cast %mul3A_93 : i32 to index
        %get3A_493 = tpu.vector_load %arg6[%get3A_490, %get3A_491, %get3A_492] {strides = array<i32>} : memref<2x32x256xi32, #tpu.memory_space<vmem>>, vector<16xi32>,
        %gather3A_494 = tpu.vector_load_idx %arg5[%broadcast_in_dim3A_16, %get3A_493] : memref<4x10000xi32, #tpu.memory_space<vmem>>[vector<16xi32>, vector<16xi32>], vector<16xi32>,
        %bitcast3A_495 = vector.bitcast %gather3A_494 : vector<16xi32> to vector<32xbf16>
        %max3A_496 = arith.maximumf %max3A_424, %bitcast3A_495 : vector<32xbf16>
        %gather3A_497 = tpu.vector_load_idx %arg5[%broadcast_in_dim3A_18, %get3A_493] : memref<4x10000xi32, #tpu.memory_space<vmem>>[vector<16xi32>, vector<16xi32>], vector<16xi32>,
        %bitcast3A_498 = vector.bitcast %gather3A_497 : vector<16xi32> to vector<32xbf16>
        %max3A_499 = arith.maximumf %max3A_427, %bitcast3A_498 : vector<32xbf16>
        %gather3A_500 = tpu.vector_load_idx %arg5[%broadcast_in_dim3A_20, %get3A_493] : memref<4x10000xi32, #tpu.memory_space<vmem>>[vector<16xi32>, vector<16xi32>], vector<16xi32>,
        %bitcast3A_501 = vector.bitcast %gather3A_500 : vector<16xi32> to vector<32xbf16>
        %max3A_502 = arith.maximumf %max3A_430, %bitcast3A_501 : vector<32xbf16>
        %gather3A_503 = tpu.vector_load_idx %arg5[%broadcast_in_dim3A_22, %get3A_493] : memref<4x10000xi32, #tpu.memory_space<vmem>>[vector<16xi32>, vector<16xi32>], vector<16xi32>,
        %bitcast3A_504 = vector.bitcast %gather3A_503 : vector<16xi32> to vector<32xbf16>
        %max3A_505 = arith.maximumf %max3A_433, %bitcast3A_504 : vector<32xbf16>
        %get3A_506 = arith.constant 0 : i32
        %get3A_507 = arith.constant 24 : i32
        %get3A_508 = arith.index_cast %get3A_506 : i32 to index
        %get3A_509 = arith.index_cast %get3A_507 : i32 to index
        %get3A_510 = arith.index_cast %mul3A_93 : i32 to index
        %get3A_511 = tpu.vector_load %arg6[%get3A_508, %get3A_509, %get3A_510] {strides = array<i32>} : memref<2x32x256xi32, #tpu.memory_space<vmem>>, vector<16xi32>,
        %gather3A_512 = tpu.vector_load_idx %arg5[%broadcast_in_dim3A_16, %get3A_511] : memref<4x10000xi32, #tpu.memory_space<vmem>>[vector<16xi32>, vector<16xi32>], vector<16xi32>,
        %bitcast3A_513 = vector.bitcast %gather3A_512 : vector<16xi32> to vector<32xbf16>
        %max3A_514 = arith.maximumf %max3A_442, %bitcast3A_513 : vector<32xbf16>
        %gather3A_515 = tpu.vector_load_idx %arg5[%broadcast_in_dim3A_18, %get3A_511] : memref<4x10000xi32, #tpu.memory_space<vmem>>[vector<16xi32>, vector<16xi32>], vector<16xi32>,
        %bitcast3A_516 = vector.bitcast %gather3A_515 : vector<16xi32> to vector<32xbf16>
        %max3A_517 = arith.maximumf %max3A_445, %bitcast3A_516 : vector<32xbf16>
        %gather3A_518 = tpu.vector_load_idx %arg5[%broadcast_in_dim3A_20, %get3A_511] : memref<4x10000xi32, #tpu.memory_space<vmem>>[vector<16xi32>, vector<16xi32>], vector<16xi32>,
        %bitcast3A_519 = vector.bitcast %gather3A_518 : vector<16xi32> to vector<32xbf16>
        %max3A_520 = arith.maximumf %max3A_448, %bitcast3A_519 : vector<32xbf16>
        %gather3A_521 = tpu.vector_load_idx %arg5[%broadcast_in_dim3A_22, %get3A_511] : memref<4x10000xi32, #tpu.memory_space<vmem>>[vector<16xi32>, vector<16xi32>], vector<16xi32>,
        %bitcast3A_522 = vector.bitcast %gather3A_521 : vector<16xi32> to vector<32xbf16>
        %max3A_523 = arith.maximumf %max3A_451, %bitcast3A_522 : vector<32xbf16>
        %get3A_524 = arith.constant 0 : i32
        %get3A_525 = arith.constant 25 : i32
        %get3A_526 = arith.index_cast %get3A_524 : i32 to index
        %get3A_527 = arith.index_cast %get3A_525 : i32 to index
        %get3A_528 = arith.index_cast %mul3A_93 : i32 to index
        %get3A_529 = tpu.vector_load %arg6[%get3A_526, %get3A_527, %get3A_528] {strides = array<i32>} : memref<2x32x256xi32, #tpu.memory_space<vmem>>, vector<16xi32>,
        %gather3A_530 = tpu.vector_load_idx %arg5[%broadcast_in_dim3A_16, %get3A_529] : memref<4x10000xi32, #tpu.memory_space<vmem>>[vector<16xi32>, vector<16xi32>], vector<16xi32>,
        %bitcast3A_531 = vector.bitcast %gather3A_530 : vector<16xi32> to vector<32xbf16>
        %max3A_532 = arith.maximumf %max3A_460, %bitcast3A_531 : vector<32xbf16>
        %gather3A_533 = tpu.vector_load_idx %arg5[%broadcast_in_dim3A_18, %get3A_529] : memref<4x10000xi32, #tpu.memory_space<vmem>>[vector<16xi32>, vector<16xi32>], vector<16xi32>,
        %bitcast3A_534 = vector.bitcast %gather3A_533 : vector<16xi32> to vector<32xbf16>
        %max3A_535 = arith.maximumf %max3A_463, %bitcast3A_534 : vector<32xbf16>
        %gather3A_536 = tpu.vector_load_idx %arg5[%broadcast_in_dim3A_20, %get3A_529] : memref<4x10000xi32, #tpu.memory_space<vmem>>[vector<16xi32>, vector<16xi32>], vector<16xi32>,
        %bitcast3A_537 = vector.bitcast %gather3A_536 : vector<16xi32> to vector<32xbf16>
        %max3A_538 = arith.maximumf %max3A_466, %bitcast3A_537 : vector<32xbf16>
        %gather3A_539 = tpu.vector_load_idx %arg5[%broadcast_in_dim3A_22, %get3A_529] : memref<4x10000xi32, #tpu.memory_space<vmem>>[vector<16xi32>, vector<16xi32>], vector<16xi32>,
        %bitcast3A_540 = vector.bitcast %gather3A_539 : vector<16xi32> to vector<32xbf16>
        %max3A_541 = arith.maximumf %max3A_469, %bitcast3A_540 : vector<32xbf16>
        %get3A_542 = arith.constant 0 : i32
        %get3A_543 = arith.constant 26 : i32
        %get3A_544 = arith.index_cast %get3A_542 : i32 to index
        %get3A_545 = arith.index_cast %get3A_543 : i32 to index
        %get3A_546 = arith.index_cast %mul3A_93 : i32 to index
        %get3A_547 = tpu.vector_load %arg6[%get3A_544, %get3A_545, %get3A_546] {strides = array<i32>} : memref<2x32x256xi32, #tpu.memory_space<vmem>>, vector<16xi32>,
        %gather3A_548 = tpu.vector_load_idx %arg5[%broadcast_in_dim3A_16, %get3A_547] : memref<4x10000xi32, #tpu.memory_space<vmem>>[vector<16xi32>, vector<16xi32>], vector<16xi32>,
        %bitcast3A_549 = vector.bitcast %gather3A_548 : vector<16xi32> to vector<32xbf16>
        %max3A_550 = arith.maximumf %max3A_478, %bitcast3A_549 : vector<32xbf16>
        %gather3A_551 = tpu.vector_load_idx %arg5[%broadcast_in_dim3A_18, %get3A_547] : memref<4x10000xi32, #tpu.memory_space<vmem>>[vector<16xi32>, vector<16xi32>], vector<16xi32>,
        %bitcast3A_552 = vector.bitcast %gather3A_551 : vector<16xi32> to vector<32xbf16>
        %max3A_553 = arith.maximumf %max3A_481, %bitcast3A_552 : vector<32xbf16>
        %gather3A_554 = tpu.vector_load_idx %arg5[%broadcast_in_dim3A_20, %get3A_547] : memref<4x10000xi32, #tpu.memory_space<vmem>>[vector<16xi32>, vector<16xi32>], vector<16xi32>,
        %bitcast3A_555 = vector.bitcast %gather3A_554 : vector<16xi32> to vector<32xbf16>
        %max3A_556 = arith.maximumf %max3A_484, %bitcast3A_555 : vector<32xbf16>
        %gather3A_557 = tpu.vector_load_idx %arg5[%broadcast_in_dim3A_22, %get3A_547] : memref<4x10000xi32, #tpu.memory_space<vmem>>[vector<16xi32>, vector<16xi32>], vector<16xi32>,
        %bitcast3A_558 = vector.bitcast %gather3A_557 : vector<16xi32> to vector<32xbf16>
        %max3A_559 = arith.maximumf %max3A_487, %bitcast3A_558 : vector<32xbf16>
        %get3A_560 = arith.constant 0 : i32
        %get3A_561 = arith.constant 27 : i32
        %get3A_562 = arith.index_cast %get3A_560 : i32 to index
        %get3A_563 = arith.index_cast %get3A_561 : i32 to index
        %get3A_564 = arith.index_cast %mul3A_93 : i32 to index
        %get3A_565 = tpu.vector_load %arg6[%get3A_562, %get3A_563, %get3A_564] {strides = array<i32>} : memref<2x32x256xi32, #tpu.memory_space<vmem>>, vector<16xi32>,
        %gather3A_566 = tpu.vector_load_idx %arg5[%broadcast_in_dim3A_16, %get3A_565] : memref<4x10000xi32, #tpu.memory_space<vmem>>[vector<16xi32>, vector<16xi32>], vector<16xi32>,
        %bitcast3A_567 = vector.bitcast %gather3A_566 : vector<16xi32> to vector<32xbf16>
        %max3A_568 = arith.maximumf %max3A_496, %bitcast3A_567 : vector<32xbf16>
        %gather3A_569 = tpu.vector_load_idx %arg5[%broadcast_in_dim3A_18, %get3A_565] : memref<4x10000xi32, #tpu.memory_space<vmem>>[vector<16xi32>, vector<16xi32>], vector<16xi32>,
        %bitcast3A_570 = vector.bitcast %gather3A_569 : vector<16xi32> to vector<32xbf16>
        %max3A_571 = arith.maximumf %max3A_499, %bitcast3A_570 : vector<32xbf16>
        %gather3A_572 = tpu.vector_load_idx %arg5[%broadcast_in_dim3A_20, %get3A_565] : memref<4x10000xi32, #tpu.memory_space<vmem>>[vector<16xi32>, vector<16xi32>], vector<16xi32>,
        %bitcast3A_573 = vector.bitcast %gather3A_572 : vector<16xi32> to vector<32xbf16>
        %max3A_574 = arith.maximumf %max3A_502, %bitcast3A_573 : vector<32xbf16>
        %gather3A_575 = tpu.vector_load_idx %arg5[%broadcast_in_dim3A_22, %get3A_565] : memref<4x10000xi32, #tpu.memory_space<vmem>>[vector<16xi32>, vector<16xi32>], vector<16xi32>,
        %bitcast3A_576 = vector.bitcast %gather3A_575 : vector<16xi32> to vector<32xbf16>
        %max3A_577 = arith.maximumf %max3A_505, %bitcast3A_576 : vector<32xbf16>
        %get3A_578 = arith.constant 0 : i32
        %get3A_579 = arith.constant 28 : i32
        %get3A_580 = arith.index_cast %get3A_578 : i32 to index
        %get3A_581 = arith.index_cast %get3A_579 : i32 to index
        %get3A_582 = arith.index_cast %mul3A_93 : i32 to index
        %get3A_583 = tpu.vector_load %arg6[%get3A_580, %get3A_581, %get3A_582] {strides = array<i32>} : memref<2x32x256xi32, #tpu.memory_space<vmem>>, vector<16xi32>,
        %gather3A_584 = tpu.vector_load_idx %arg5[%broadcast_in_dim3A_16, %get3A_583] : memref<4x10000xi32, #tpu.memory_space<vmem>>[vector<16xi32>, vector<16xi32>], vector<16xi32>,
        %bitcast3A_585 = vector.bitcast %gather3A_584 : vector<16xi32> to vector<32xbf16>
        %max3A_586 = arith.maximumf %max3A_514, %bitcast3A_585 : vector<32xbf16>
        %gather3A_587 = tpu.vector_load_idx %arg5[%broadcast_in_dim3A_18, %get3A_583] : memref<4x10000xi32, #tpu.memory_space<vmem>>[vector<16xi32>, vector<16xi32>], vector<16xi32>,
        %bitcast3A_588 = vector.bitcast %gather3A_587 : vector<16xi32> to vector<32xbf16>
        %max3A_589 = arith.maximumf %max3A_517, %bitcast3A_588 : vector<32xbf16>
        %gather3A_590 = tpu.vector_load_idx %arg5[%broadcast_in_dim3A_20, %get3A_583] : memref<4x10000xi32, #tpu.memory_space<vmem>>[vector<16xi32>, vector<16xi32>], vector<16xi32>,
        %bitcast3A_591 = vector.bitcast %gather3A_590 : vector<16xi32> to vector<32xbf16>
        %max3A_592 = arith.maximumf %max3A_520, %bitcast3A_591 : vector<32xbf16>
        %gather3A_593 = tpu.vector_load_idx %arg5[%broadcast_in_dim3A_22, %get3A_583] : memref<4x10000xi32, #tpu.memory_space<vmem>>[vector<16xi32>, vector<16xi32>], vector<16xi32>,
        %bitcast3A_594 = vector.bitcast %gather3A_593 : vector<16xi32> to vector<32xbf16>
        %max3A_595 = arith.maximumf %max3A_523, %bitcast3A_594 : vector<32xbf16>
        %get3A_596 = arith.constant 0 : i32
        %get3A_597 = arith.constant 29 : i32
        %get3A_598 = arith.index_cast %get3A_596 : i32 to index
        %get3A_599 = arith.index_cast %get3A_597 : i32 to index
        %get3A_600 = arith.index_cast %mul3A_93 : i32 to index
        %get3A_601 = tpu.vector_load %arg6[%get3A_598, %get3A_599, %get3A_600] {strides = array<i32>} : memref<2x32x256xi32, #tpu.memory_space<vmem>>, vector<16xi32>,
        %gather3A_602 = tpu.vector_load_idx %arg5[%broadcast_in_dim3A_16, %get3A_601] : memref<4x10000xi32, #tpu.memory_space<vmem>>[vector<16xi32>, vector<16xi32>], vector<16xi32>,
        %bitcast3A_603 = vector.bitcast %gather3A_602 : vector<16xi32> to vector<32xbf16>
        %max3A_604 = arith.maximumf %max3A_532, %bitcast3A_603 : vector<32xbf16>
        %gather3A_605 = tpu.vector_load_idx %arg5[%broadcast_in_dim3A_18, %get3A_601] : memref<4x10000xi32, #tpu.memory_space<vmem>>[vector<16xi32>, vector<16xi32>], vector<16xi32>,
        %bitcast3A_606 = vector.bitcast %gather3A_605 : vector<16xi32> to vector<32xbf16>
        %max3A_607 = arith.maximumf %max3A_535, %bitcast3A_606 : vector<32xbf16>
        %gather3A_608 = tpu.vector_load_idx %arg5[%broadcast_in_dim3A_20, %get3A_601] : memref<4x10000xi32, #tpu.memory_space<vmem>>[vector<16xi32>, vector<16xi32>], vector<16xi32>,
        %bitcast3A_609 = vector.bitcast %gather3A_608 : vector<16xi32> to vector<32xbf16>
        %max3A_610 = arith.maximumf %max3A_538, %bitcast3A_609 : vector<32xbf16>
        %gather3A_611 = tpu.vector_load_idx %arg5[%broadcast_in_dim3A_22, %get3A_601] : memref<4x10000xi32, #tpu.memory_space<vmem>>[vector<16xi32>, vector<16xi32>], vector<16xi32>,
        %bitcast3A_612 = vector.bitcast %gather3A_611 : vector<16xi32> to vector<32xbf16>
        %max3A_613 = arith.maximumf %max3A_541, %bitcast3A_612 : vector<32xbf16>
        %get3A_614 = arith.constant 0 : i32
        %get3A_615 = arith.constant 30 : i32
        %get3A_616 = arith.index_cast %get3A_614 : i32 to index
        %get3A_617 = arith.index_cast %get3A_615 : i32 to index
        %get3A_618 = arith.index_cast %mul3A_93 : i32 to index
        %get3A_619 = tpu.vector_load %arg6[%get3A_616, %get3A_617, %get3A_618] {strides = array<i32>} : memref<2x32x256xi32, #tpu.memory_space<vmem>>, vector<16xi32>,
        %gather3A_620 = tpu.vector_load_idx %arg5[%broadcast_in_dim3A_16, %get3A_619] : memref<4x10000xi32, #tpu.memory_space<vmem>>[vector<16xi32>, vector<16xi32>], vector<16xi32>,
        %bitcast3A_621 = vector.bitcast %gather3A_620 : vector<16xi32> to vector<32xbf16>
        %max3A_622 = arith.maximumf %max3A_550, %bitcast3A_621 : vector<32xbf16>
        %gather3A_623 = tpu.vector_load_idx %arg5[%broadcast_in_dim3A_18, %get3A_619] : memref<4x10000xi32, #tpu.memory_space<vmem>>[vector<16xi32>, vector<16xi32>], vector<16xi32>,
        %bitcast3A_624 = vector.bitcast %gather3A_623 : vector<16xi32> to vector<32xbf16>
        %max3A_625 = arith.maximumf %max3A_553, %bitcast3A_624 : vector<32xbf16>
        %gather3A_626 = tpu.vector_load_idx %arg5[%broadcast_in_dim3A_20, %get3A_619] : memref<4x10000xi32, #tpu.memory_space<vmem>>[vector<16xi32>, vector<16xi32>], vector<16xi32>,
        %bitcast3A_627 = vector.bitcast %gather3A_626 : vector<16xi32> to vector<32xbf16>
        %max3A_628 = arith.maximumf %max3A_556, %bitcast3A_627 : vector<32xbf16>
        %gather3A_629 = tpu.vector_load_idx %arg5[%broadcast_in_dim3A_22, %get3A_619] : memref<4x10000xi32, #tpu.memory_space<vmem>>[vector<16xi32>, vector<16xi32>], vector<16xi32>,
        %bitcast3A_630 = vector.bitcast %gather3A_629 : vector<16xi32> to vector<32xbf16>
        %max3A_631 = arith.maximumf %max3A_559, %bitcast3A_630 : vector<32xbf16>
        %get3A_632 = arith.constant 0 : i32
        %get3A_633 = arith.constant 31 : i32
        %get3A_634 = arith.index_cast %get3A_632 : i32 to index
        %get3A_635 = arith.index_cast %get3A_633 : i32 to index
        %get3A_636 = arith.index_cast %mul3A_93 : i32 to index
        %get3A_637 = tpu.vector_load %arg6[%get3A_634, %get3A_635, %get3A_636] {strides = array<i32>} : memref<2x32x256xi32, #tpu.memory_space<vmem>>, vector<16xi32>,
        %gather3A_638 = tpu.vector_load_idx %arg5[%broadcast_in_dim3A_16, %get3A_637] : memref<4x10000xi32, #tpu.memory_space<vmem>>[vector<16xi32>, vector<16xi32>], vector<16xi32>,
        %bitcast3A_639 = vector.bitcast %gather3A_638 : vector<16xi32> to vector<32xbf16>
        %max3A_640 = arith.maximumf %max3A_568, %bitcast3A_639 : vector<32xbf16>
        %gather3A_641 = tpu.vector_load_idx %arg5[%broadcast_in_dim3A_18, %get3A_637] : memref<4x10000xi32, #tpu.memory_space<vmem>>[vector<16xi32>, vector<16xi32>], vector<16xi32>,
        %bitcast3A_642 = vector.bitcast %gather3A_641 : vector<16xi32> to vector<32xbf16>
        %max3A_643 = arith.maximumf %max3A_571, %bitcast3A_642 : vector<32xbf16>
        %gather3A_644 = tpu.vector_load_idx %arg5[%broadcast_in_dim3A_20, %get3A_637] : memref<4x10000xi32, #tpu.memory_space<vmem>>[vector<16xi32>, vector<16xi32>], vector<16xi32>,
        %bitcast3A_645 = vector.bitcast %gather3A_644 : vector<16xi32> to vector<32xbf16>
        %max3A_646 = arith.maximumf %max3A_574, %bitcast3A_645 : vector<32xbf16>
        %gather3A_647 = tpu.vector_load_idx %arg5[%broadcast_in_dim3A_22, %get3A_637] : memref<4x10000xi32, #tpu.memory_space<vmem>>[vector<16xi32>, vector<16xi32>], vector<16xi32>,
        %bitcast3A_648 = vector.bitcast %gather3A_647 : vector<16xi32> to vector<32xbf16>
        %max3A_649 = arith.maximumf %max3A_577, %bitcast3A_648 : vector<32xbf16>
        %max3A_650 = arith.maximumf %max3A_586, %max3A_604 : vector<32xbf16>
        %max3A_651 = arith.maximumf %max3A_622, %max3A_640 : vector<32xbf16>
        %max3A_652 = arith.maximumf %max3A_650, %max3A_651 : vector<32xbf16>
        %bitcast3A_653 = vector.bitcast %max3A_652 : vector<32xbf16> to vector<16xi32>
        %mul3A_654 = arith.constant 256 : i32
        %mul3A_655 = arith.muli %add3A_34, %mul3A_654 : i32
        %add3A_656 = arith.addi %mul3A_655, %mul3A_93 : i32
        %swap3A = arith.constant 0 : i32
        %swap3A_657 = arith.index_cast %swap3A : i32 to index
        %swap3A_658 = arith.index_cast %add3A_656 : i32 to index
        %swap3A_659 = tpu.vector_load %arg7[%swap3A_657, %swap3A_658] {strides = array<i32>} : memref<4x5120xi32, #tpu.memory_space<vmem>>, vector<16xi32>,
        tpu.vector_store %arg7[%swap3A_657, %swap3A_658], %bitcast3A_653 {strides = array<i32>} : memref<4x5120xi32, #tpu.memory_space<vmem>>, vector<16xi32>,
        %max3A_660 = arith.maximumf %max3A_589, %max3A_607 : vector<32xbf16>
        %max3A_661 = arith.maximumf %max3A_625, %max3A_643 : vector<32xbf16>
        %max3A_662 = arith.maximumf %max3A_660, %max3A_661 : vector<32xbf16>
        %bitcast3A_663 = vector.bitcast %max3A_662 : vector<32xbf16> to vector<16xi32>
        %mul3A_664 = arith.constant 256 : i32
        %mul3A_665 = arith.muli %add3A_34, %mul3A_664 : i32
        %add3A_666 = arith.addi %mul3A_665, %mul3A_93 : i32
        %swap3A_667 = arith.constant 1 : i32
        %swap3A_668 = arith.index_cast %swap3A_667 : i32 to index
        %swap3A_669 = arith.index_cast %add3A_666 : i32 to index
        %swap3A_670 = tpu.vector_load %arg7[%swap3A_668, %swap3A_669] {strides = array<i32>} : memref<4x5120xi32, #tpu.memory_space<vmem>>, vector<16xi32>,
        tpu.vector_store %arg7[%swap3A_668, %swap3A_669], %bitcast3A_663 {strides = array<i32>} : memref<4x5120xi32, #tpu.memory_space<vmem>>, vector<16xi32>,
        %max3A_671 = arith.maximumf %max3A_592, %max3A_610 : vector<32xbf16>
        %max3A_672 = arith.maximumf %max3A_628, %max3A_646 : vector<32xbf16>
        %max3A_673 = arith.maximumf %max3A_671, %max3A_672 : vector<32xbf16>
        %bitcast3A_674 = vector.bitcast %max3A_673 : vector<32xbf16> to vector<16xi32>
        %mul3A_675 = arith.constant 256 : i32
        %mul3A_676 = arith.muli %add3A_34, %mul3A_675 : i32
        %add3A_677 = arith.addi %mul3A_676, %mul3A_93 : i32
        %swap3A_678 = arith.constant 2 : i32
        %swap3A_679 = arith.index_cast %swap3A_678 : i32 to index
        %swap3A_680 = arith.index_cast %add3A_677 : i32 to index
        %swap3A_681 = tpu.vector_load %arg7[%swap3A_679, %swap3A_680] {strides = array<i32>} : memref<4x5120xi32, #tpu.memory_space<vmem>>, vector<16xi32>,
        tpu.vector_store %arg7[%swap3A_679, %swap3A_680], %bitcast3A_674 {strides = array<i32>} : memref<4x5120xi32, #tpu.memory_space<vmem>>, vector<16xi32>,
        %max3A_682 = arith.maximumf %max3A_595, %max3A_613 : vector<32xbf16>
        %max3A_683 = arith.maximumf %max3A_631, %max3A_649 : vector<32xbf16>
        %max3A_684 = arith.maximumf %max3A_682, %max3A_683 : vector<32xbf16>
        %bitcast3A_685 = vector.bitcast %max3A_684 : vector<32xbf16> to vector<16xi32>
        %mul3A_686 = arith.constant 256 : i32
        %mul3A_687 = arith.muli %add3A_34, %mul3A_686 : i32
        %add3A_688 = arith.addi %mul3A_687, %mul3A_93 : i32
        %swap3A_689 = arith.constant 3 : i32
        %swap3A_690 = arith.index_cast %swap3A_689 : i32 to index
        %swap3A_691 = arith.index_cast %add3A_688 : i32 to index
        %swap3A_692 = tpu.vector_load %arg7[%swap3A_690, %swap3A_691] {strides = array<i32>} : memref<4x5120xi32, #tpu.memory_space<vmem>>, vector<16xi32>,
        tpu.vector_store %arg7[%swap3A_690, %swap3A_691], %bitcast3A_685 {strides = array<i32>} : memref<4x5120xi32, #tpu.memory_space<vmem>>, vector<16xi32>,
      }
      %scan3A_58 = arith.constant 16 : i32
      %mul3A_59 = arith.constant 2 : i32
      %mul3A_60 = arith.muli %scan3A_30, %mul3A_59 : i32
      %add3A_61 = arith.constant 1 : i32
      %add3A_62 = arith.addi %mul3A_60, %add3A_61 : i32
      %add3A_63 = arith.constant 1 : i32
      %add3A_64 = arith.addi %add3A_62, %add3A_63 : i32
      %lt3A_65 = arith.constant 20 : i32
      %lt3A_66 = arith.cmpi slt, %add3A_64, %lt3A_65 : i32
      %convert_element_type3A_67 = arith.extui %lt3A_66 : i1 to i32
      %cond3A_68 = arith.constant 0 : i32
      %cond3A_69 = arith.cmpi ne, %convert_element_type3A_67, %cond3A_68 : i32
      scf.if %cond3A_69 {
        %add3A_91 = arith.constant 1 : i32
        %add3A_92 = arith.addi %add3A_62, %add3A_91 : i32
        %mul3A_93 = arith.constant 256 : i32
        %mul3A_94 = arith.muli %add3A_92, %mul3A_93 : i32
        %add3A_95 = arith.addi %mul3A_0, %mul3A_94 : i32
        %dma_start3A_96 = arith.constant 0 : i32
        %dma_start3A_97 = arith.constant 0 : i32
        %dma_start3A_98 = arith.constant 0 : i32
        %dma_start3A_99 = tpu.memref_slice %arg6[%dma_start3A_96, %dma_start3A_97, %dma_start3A_98] : memref<2x32x256xi32, #tpu.memory_space<vmem>> -> memref<1x32x256xi32, #tpu.memory_space<vmem>>
        %dma_start3A_100 = tpu.memref_squeeze %dma_start3A_99 : memref<1x32x256xi32, #tpu.memory_space<vmem>> -> memref<32x256xi32, #tpu.memory_space<vmem>>
        %dma_start3A_101 = arith.constant 0 : i32
        %dma_start3A_102 = tpu.memref_slice %arg2[%dma_start3A_101, %add3A_95] : memref<32x10240xi32, #tpu.memory_space<hbm>> -> memref<32x256xi32, #tpu.memory_space<hbm>>
        %dma_start3A_103 = arith.constant 0 : i32
        %dma_start3A_104 = arith.constant 0 : i32
        %dma_start3A_105 = tpu.memref_slice %arg6[%dma_start3A_96, %dma_start3A_103, %dma_start3A_104] : memref<2x32x256xi32, #tpu.memory_space<vmem>> -> memref<1x32x256xi32, #tpu.memory_space<vmem>>
        %dma_start3A_106 = tpu.memref_squeeze %dma_start3A_105 : memref<1x32x256xi32, #tpu.memory_space<vmem>> -> memref<32x256xi32, #tpu.memory_space<vmem>>
        %dma_start3A_107 = arith.constant 0 : i32
        %dma_start3A_108 = tpu.memref_slice %arg2[%dma_start3A_107, %add3A_95] : memref<32x10240xi32, #tpu.memory_space<hbm>> -> memref<32x256xi32, #tpu.memory_space<hbm>>
        tpu.enqueue_dma source(%dma_start3A_108 : memref<32x256xi32, #tpu.memory_space<hbm>>) target(%dma_start3A_106 : memref<32x256xi32, #tpu.memory_space<vmem>>) target_semaphore(%arg8 : memref<!tpu.dma_semaphore, #tpu.memory_space<semaphore_mem>>)
      } else {
      }
      %dma_wait3A_70 = arith.constant 1 : i32
      %dma_wait3A_71 = arith.constant 0 : i32
      %dma_wait3A_72 = arith.constant 0 : i32
      %dma_wait3A_73 = tpu.memref_slice %arg6[%dma_wait3A_70, %dma_wait3A_71, %dma_wait3A_72] : memref<2x32x256xi32, #tpu.memory_space<vmem>> -> memref<1x32x256xi32, #tpu.memory_space<vmem>>
      %dma_wait3A_74 = tpu.memref_squeeze %dma_wait3A_73 : memref<1x32x256xi32, #tpu.memory_space<vmem>> -> memref<32x256xi32, #tpu.memory_space<vmem>>
      %dma_wait3A_75 = arith.constant 0 : i32
      %dma_wait3A_76 = arith.constant 0 : i32
      %dma_wait3A_77 = tpu.memref_slice %arg2[%dma_wait3A_75, %dma_wait3A_76] : memref<32x10240xi32, #tpu.memory_space<hbm>> -> memref<32x256xi32, #tpu.memory_space<hbm>>
      %dma_wait3A_78 = arith.constant 0 : i32
      %dma_wait3A_79 = arith.constant 0 : i32
      %dma_wait3A_80 = tpu.memref_slice %arg6[%dma_wait3A_70, %dma_wait3A_78, %dma_wait3A_79] : memref<2x32x256xi32, #tpu.memory_space<vmem>> -> memref<1x32x256xi32, #tpu.memory_space<vmem>>
      %dma_wait3A_81 = tpu.memref_squeeze %dma_wait3A_80 : memref<1x32x256xi32, #tpu.memory_space<vmem>> -> memref<32x256xi32, #tpu.memory_space<vmem>>
      %dma_wait3A_82 = arith.constant 0 : i32
      %dma_wait3A_83 = arith.constant 0 : i32
      %dma_wait3A_84 = tpu.memref_slice %arg2[%dma_wait3A_82, %dma_wait3A_83] : memref<32x10240xi32, #tpu.memory_space<hbm>> -> memref<32x256xi32, #tpu.memory_space<hbm>>
      tpu.wait_dma2 semaphore(%arg9 : memref<!tpu.dma_semaphore, #tpu.memory_space<semaphore_mem>>) src(%dma_wait3A_84 : memref<32x256xi32, #tpu.memory_space<hbm>>) dst(%dma_wait3A_81 : memref<32x256xi32, #tpu.memory_space<vmem>>)
      %scan3A_85 = arith.constant 0 : i32
      %scan3A_86 = arith.constant 0 : i32
      %scan3A_87 = arith.constant 16 : i32
      %scan3A_88 = arith.addi %scan3A_86, %scan3A_87 : i32
      %scan3A_89 = arith.constant 1 : i32
      scf.for %scan3A_91 = %scan3A_86 to %scan3A_88 step %scan3A_89  : i32 {
        %mul3A_92 = arith.constant 16 : i32
        %mul3A_93 = arith.muli %scan3A_91, %mul3A_92 : i32
        %get3A = arith.constant 1 : i32
        %get3A_94 = arith.constant 0 : i32
        %get3A_95 = arith.index_cast %get3A : i32 to index
        %get3A_96 = arith.index_cast %get3A_94 : i32 to index
        %get3A_97 = arith.index_cast %mul3A_93 : i32 to index
        %get3A_98 = tpu.vector_load %arg6[%get3A_95, %get3A_96, %get3A_97] {strides = array<i32>} : memref<2x32x256xi32, #tpu.memory_space<vmem>>, vector<16xi32>,
        %gather3A = tpu.vector_load_idx %arg5[%broadcast_in_dim3A_16, %get3A_98] : memref<4x10000xi32, #tpu.memory_space<vmem>>[vector<16xi32>, vector<16xi32>], vector<16xi32>,
        %bitcast3A = vector.bitcast %gather3A : vector<16xi32> to vector<32xbf16>
        %gather3A_99 = tpu.vector_load_idx %arg5[%broadcast_in_dim3A_18, %get3A_98] : memref<4x10000xi32, #tpu.memory_space<vmem>>[vector<16xi32>, vector<16xi32>], vector<16xi32>,
        %bitcast3A_100 = vector.bitcast %gather3A_99 : vector<16xi32> to vector<32xbf16>
        %gather3A_101 = tpu.vector_load_idx %arg5[%broadcast_in_dim3A_20, %get3A_98] : memref<4x10000xi32, #tpu.memory_space<vmem>>[vector<16xi32>, vector<16xi32>], vector<16xi32>,
        %bitcast3A_102 = vector.bitcast %gather3A_101 : vector<16xi32> to vector<32xbf16>
        %gather3A_103 = tpu.vector_load_idx %arg5[%broadcast_in_dim3A_22, %get3A_98] : memref<4x10000xi32, #tpu.memory_space<vmem>>[vector<16xi32>, vector<16xi32>], vector<16xi32>,
        %bitcast3A_104 = vector.bitcast %gather3A_103 : vector<16xi32> to vector<32xbf16>
        %get3A_105 = arith.constant 1 : i32
        %get3A_106 = arith.constant 1 : i32
        %get3A_107 = arith.index_cast %get3A_105 : i32 to index
        %get3A_108 = arith.index_cast %get3A_106 : i32 to index
        %get3A_109 = arith.index_cast %mul3A_93 : i32 to index
        %get3A_110 = tpu.vector_load %arg6[%get3A_107, %get3A_108, %get3A_109] {strides = array<i32>} : memref<2x32x256xi32, #tpu.memory_space<vmem>>, vector<16xi32>,
        %gather3A_111 = tpu.vector_load_idx %arg5[%broadcast_in_dim3A_16, %get3A_110] : memref<4x10000xi32, #tpu.memory_space<vmem>>[vector<16xi32>, vector<16xi32>], vector<16xi32>,
        %bitcast3A_112 = vector.bitcast %gather3A_111 : vector<16xi32> to vector<32xbf16>
        %gather3A_113 = tpu.vector_load_idx %arg5[%broadcast_in_dim3A_18, %get3A_110] : memref<4x10000xi32, #tpu.memory_space<vmem>>[vector<16xi32>, vector<16xi32>], vector<16xi32>,
        %bitcast3A_114 = vector.bitcast %gather3A_113 : vector<16xi32> to vector<32xbf16>
        %gather3A_115 = tpu.vector_load_idx %arg5[%broadcast_in_dim3A_20, %get3A_110] : memref<4x10000xi32, #tpu.memory_space<vmem>>[vector<16xi32>, vector<16xi32>], vector<16xi32>,
        %bitcast3A_116 = vector.bitcast %gather3A_115 : vector<16xi32> to vector<32xbf16>
        %gather3A_117 = tpu.vector_load_idx %arg5[%broadcast_in_dim3A_22, %get3A_110] : memref<4x10000xi32, #tpu.memory_space<vmem>>[vector<16xi32>, vector<16xi32>], vector<16xi32>,
        %bitcast3A_118 = vector.bitcast %gather3A_117 : vector<16xi32> to vector<32xbf16>
        %get3A_119 = arith.constant 1 : i32
        %get3A_120 = arith.constant 2 : i32
        %get3A_121 = arith.index_cast %get3A_119 : i32 to index
        %get3A_122 = arith.index_cast %get3A_120 : i32 to index
        %get3A_123 = arith.index_cast %mul3A_93 : i32 to index
        %get3A_124 = tpu.vector_load %arg6[%get3A_121, %get3A_122, %get3A_123] {strides = array<i32>} : memref<2x32x256xi32, #tpu.memory_space<vmem>>, vector<16xi32>,
        %gather3A_125 = tpu.vector_load_idx %arg5[%broadcast_in_dim3A_16, %get3A_124] : memref<4x10000xi32, #tpu.memory_space<vmem>>[vector<16xi32>, vector<16xi32>], vector<16xi32>,
        %bitcast3A_126 = vector.bitcast %gather3A_125 : vector<16xi32> to vector<32xbf16>
        %gather3A_127 = tpu.vector_load_idx %arg5[%broadcast_in_dim3A_18, %get3A_124] : memref<4x10000xi32, #tpu.memory_space<vmem>>[vector<16xi32>, vector<16xi32>], vector<16xi32>,
        %bitcast3A_128 = vector.bitcast %gather3A_127 : vector<16xi32> to vector<32xbf16>
        %gather3A_129 = tpu.vector_load_idx %arg5[%broadcast_in_dim3A_20, %get3A_124] : memref<4x10000xi32, #tpu.memory_space<vmem>>[vector<16xi32>, vector<16xi32>], vector<16xi32>,
        %bitcast3A_130 = vector.bitcast %gather3A_129 : vector<16xi32> to vector<32xbf16>
        %gather3A_131 = tpu.vector_load_idx %arg5[%broadcast_in_dim3A_22, %get3A_124] : memref<4x10000xi32, #tpu.memory_space<vmem>>[vector<16xi32>, vector<16xi32>], vector<16xi32>,
        %bitcast3A_132 = vector.bitcast %gather3A_131 : vector<16xi32> to vector<32xbf16>
        %get3A_133 = arith.constant 1 : i32
        %get3A_134 = arith.constant 3 : i32
        %get3A_135 = arith.index_cast %get3A_133 : i32 to index
        %get3A_136 = arith.index_cast %get3A_134 : i32 to index
        %get3A_137 = arith.index_cast %mul3A_93 : i32 to index
        %get3A_138 = tpu.vector_load %arg6[%get3A_135, %get3A_136, %get3A_137] {strides = array<i32>} : memref<2x32x256xi32, #tpu.memory_space<vmem>>, vector<16xi32>,
        %gather3A_139 = tpu.vector_load_idx %arg5[%broadcast_in_dim3A_16, %get3A_138] : memref<4x10000xi32, #tpu.memory_space<vmem>>[vector<16xi32>, vector<16xi32>], vector<16xi32>,
        %bitcast3A_140 = vector.bitcast %gather3A_139 : vector<16xi32> to vector<32xbf16>
        %gather3A_141 = tpu.vector_load_idx %arg5[%broadcast_in_dim3A_18, %get3A_138] : memref<4x10000xi32, #tpu.memory_space<vmem>>[vector<16xi32>, vector<16xi32>], vector<16xi32>,
        %bitcast3A_142 = vector.bitcast %gather3A_141 : vector<16xi32> to vector<32xbf16>
        %gather3A_143 = tpu.vector_load_idx %arg5[%broadcast_in_dim3A_20, %get3A_138] : memref<4x10000xi32, #tpu.memory_space<vmem>>[vector<16xi32>, vector<16xi32>], vector<16xi32>,
        %bitcast3A_144 = vector.bitcast %gather3A_143 : vector<16xi32> to vector<32xbf16>
        %gather3A_145 = tpu.vector_load_idx %arg5[%broadcast_in_dim3A_22, %get3A_138] : memref<4x10000xi32, #tpu.memory_space<vmem>>[vector<16xi32>, vector<16xi32>], vector<16xi32>,
        %bitcast3A_146 = vector.bitcast %gather3A_145 : vector<16xi32> to vector<32xbf16>
        %get3A_147 = arith.constant 1 : i32
        %get3A_148 = arith.constant 4 : i32
        %get3A_149 = arith.index_cast %get3A_147 : i32 to index
        %get3A_150 = arith.index_cast %get3A_148 : i32 to index
        %get3A_151 = arith.index_cast %mul3A_93 : i32 to index
        %get3A_152 = tpu.vector_load %arg6[%get3A_149, %get3A_150, %get3A_151] {strides = array<i32>} : memref<2x32x256xi32, #tpu.memory_space<vmem>>, vector<16xi32>,
        %gather3A_153 = tpu.vector_load_idx %arg5[%broadcast_in_dim3A_16, %get3A_152] : memref<4x10000xi32, #tpu.memory_space<vmem>>[vector<16xi32>, vector<16xi32>], vector<16xi32>,
        %bitcast3A_154 = vector.bitcast %gather3A_153 : vector<16xi32> to vector<32xbf16>
        %max3A = arith.maximumf %bitcast3A, %bitcast3A_154 : vector<32xbf16>
        %gather3A_155 = tpu.vector_load_idx %arg5[%broadcast_in_dim3A_18, %get3A_152] : memref<4x10000xi32, #tpu.memory_space<vmem>>[vector<16xi32>, vector<16xi32>], vector<16xi32>,
        %bitcast3A_156 = vector.bitcast %gather3A_155 : vector<16xi32> to vector<32xbf16>
        %max3A_157 = arith.maximumf %bitcast3A_100, %bitcast3A_156 : vector<32xbf16>
        %gather3A_158 = tpu.vector_load_idx %arg5[%broadcast_in_dim3A_20, %get3A_152] : memref<4x10000xi32, #tpu.memory_space<vmem>>[vector<16xi32>, vector<16xi32>], vector<16xi32>,
        %bitcast3A_159 = vector.bitcast %gather3A_158 : vector<16xi32> to vector<32xbf16>
        %max3A_160 = arith.maximumf %bitcast3A_102, %bitcast3A_159 : vector<32xbf16>
        %gather3A_161 = tpu.vector_load_idx %arg5[%broadcast_in_dim3A_22, %get3A_152] : memref<4x10000xi32, #tpu.memory_space<vmem>>[vector<16xi32>, vector<16xi32>], vector<16xi32>,
        %bitcast3A_162 = vector.bitcast %gather3A_161 : vector<16xi32> to vector<32xbf16>
        %max3A_163 = arith.maximumf %bitcast3A_104, %bitcast3A_162 : vector<32xbf16>
        %get3A_164 = arith.constant 1 : i32
        %get3A_165 = arith.constant 5 : i32
        %get3A_166 = arith.index_cast %get3A_164 : i32 to index
        %get3A_167 = arith.index_cast %get3A_165 : i32 to index
        %get3A_168 = arith.index_cast %mul3A_93 : i32 to index
        %get3A_169 = tpu.vector_load %arg6[%get3A_166, %get3A_167, %get3A_168] {strides = array<i32>} : memref<2x32x256xi32, #tpu.memory_space<vmem>>, vector<16xi32>,
        %gather3A_170 = tpu.vector_load_idx %arg5[%broadcast_in_dim3A_16, %get3A_169] : memref<4x10000xi32, #tpu.memory_space<vmem>>[vector<16xi32>, vector<16xi32>], vector<16xi32>,
        %bitcast3A_171 = vector.bitcast %gather3A_170 : vector<16xi32> to vector<32xbf16>
        %max3A_172 = arith.maximumf %bitcast3A_112, %bitcast3A_171 : vector<32xbf16>
        %gather3A_173 = tpu.vector_load_idx %arg5[%broadcast_in_dim3A_18, %get3A_169] : memref<4x10000xi32, #tpu.memory_space<vmem>>[vector<16xi32>, vector<16xi32>], vector<16xi32>,
        %bitcast3A_174 = vector.bitcast %gather3A_173 : vector<16xi32> to vector<32xbf16>
        %max3A_175 = arith.maximumf %bitcast3A_114, %bitcast3A_174 : vector<32xbf16>
        %gather3A_176 = tpu.vector_load_idx %arg5[%broadcast_in_dim3A_20, %get3A_169] : memref<4x10000xi32, #tpu.memory_space<vmem>>[vector<16xi32>, vector<16xi32>], vector<16xi32>,
        %bitcast3A_177 = vector.bitcast %gather3A_176 : vector<16xi32> to vector<32xbf16>
        %max3A_178 = arith.maximumf %bitcast3A_116, %bitcast3A_177 : vector<32xbf16>
        %gather3A_179 = tpu.vector_load_idx %arg5[%broadcast_in_dim3A_22, %get3A_169] : memref<4x10000xi32, #tpu.memory_space<vmem>>[vector<16xi32>, vector<16xi32>], vector<16xi32>,
        %bitcast3A_180 = vector.bitcast %gather3A_179 : vector<16xi32> to vector<32xbf16>
        %max3A_181 = arith.maximumf %bitcast3A_118, %bitcast3A_180 : vector<32xbf16>
        %get3A_182 = arith.constant 1 : i32
        %get3A_183 = arith.constant 6 : i32
        %get3A_184 = arith.index_cast %get3A_182 : i32 to index
        %get3A_185 = arith.index_cast %get3A_183 : i32 to index
        %get3A_186 = arith.index_cast %mul3A_93 : i32 to index
        %get3A_187 = tpu.vector_load %arg6[%get3A_184, %get3A_185, %get3A_186] {strides = array<i32>} : memref<2x32x256xi32, #tpu.memory_space<vmem>>, vector<16xi32>,
        %gather3A_188 = tpu.vector_load_idx %arg5[%broadcast_in_dim3A_16, %get3A_187] : memref<4x10000xi32, #tpu.memory_space<vmem>>[vector<16xi32>, vector<16xi32>], vector<16xi32>,
        %bitcast3A_189 = vector.bitcast %gather3A_188 : vector<16xi32> to vector<32xbf16>
        %max3A_190 = arith.maximumf %bitcast3A_126, %bitcast3A_189 : vector<32xbf16>
        %gather3A_191 = tpu.vector_load_idx %arg5[%broadcast_in_dim3A_18, %get3A_187] : memref<4x10000xi32, #tpu.memory_space<vmem>>[vector<16xi32>, vector<16xi32>], vector<16xi32>,
        %bitcast3A_192 = vector.bitcast %gather3A_191 : vector<16xi32> to vector<32xbf16>
        %max3A_193 = arith.maximumf %bitcast3A_128, %bitcast3A_192 : vector<32xbf16>
        %gather3A_194 = tpu.vector_load_idx %arg5[%broadcast_in_dim3A_20, %get3A_187] : memref<4x10000xi32, #tpu.memory_space<vmem>>[vector<16xi32>, vector<16xi32>], vector<16xi32>,
        %bitcast3A_195 = vector.bitcast %gather3A_194 : vector<16xi32> to vector<32xbf16>
        %max3A_196 = arith.maximumf %bitcast3A_130, %bitcast3A_195 : vector<32xbf16>
        %gather3A_197 = tpu.vector_load_idx %arg5[%broadcast_in_dim3A_22, %get3A_187] : memref<4x10000xi32, #tpu.memory_space<vmem>>[vector<16xi32>, vector<16xi32>], vector<16xi32>,
        %bitcast3A_198 = vector.bitcast %gather3A_197 : vector<16xi32> to vector<32xbf16>
        %max3A_199 = arith.maximumf %bitcast3A_132, %bitcast3A_198 : vector<32xbf16>
        %get3A_200 = arith.constant 1 : i32
        %get3A_201 = arith.constant 7 : i32
        %get3A_202 = arith.index_cast %get3A_200 : i32 to index
        %get3A_203 = arith.index_cast %get3A_201 : i32 to index
        %get3A_204 = arith.index_cast %mul3A_93 : i32 to index
        %get3A_205 = tpu.vector_load %arg6[%get3A_202, %get3A_203, %get3A_204] {strides = array<i32>} : memref<2x32x256xi32, #tpu.memory_space<vmem>>, vector<16xi32>,
        %gather3A_206 = tpu.vector_load_idx %arg5[%broadcast_in_dim3A_16, %get3A_205] : memref<4x10000xi32, #tpu.memory_space<vmem>>[vector<16xi32>, vector<16xi32>], vector<16xi32>,
        %bitcast3A_207 = vector.bitcast %gather3A_206 : vector<16xi32> to vector<32xbf16>
        %max3A_208 = arith.maximumf %bitcast3A_140, %bitcast3A_207 : vector<32xbf16>
        %gather3A_209 = tpu.vector_load_idx %arg5[%broadcast_in_dim3A_18, %get3A_205] : memref<4x10000xi32, #tpu.memory_space<vmem>>[vector<16xi32>, vector<16xi32>], vector<16xi32>,
        %bitcast3A_210 = vector.bitcast %gather3A_209 : vector<16xi32> to vector<32xbf16>
        %max3A_211 = arith.maximumf %bitcast3A_142, %bitcast3A_210 : vector<32xbf16>
        %gather3A_212 = tpu.vector_load_idx %arg5[%broadcast_in_dim3A_20, %get3A_205] : memref<4x10000xi32, #tpu.memory_space<vmem>>[vector<16xi32>, vector<16xi32>], vector<16xi32>,
        %bitcast3A_213 = vector.bitcast %gather3A_212 : vector<16xi32> to vector<32xbf16>
        %max3A_214 = arith.maximumf %bitcast3A_144, %bitcast3A_213 : vector<32xbf16>
        %gather3A_215 = tpu.vector_load_idx %arg5[%broadcast_in_dim3A_22, %get3A_205] : memref<4x10000xi32, #tpu.memory_space<vmem>>[vector<16xi32>, vector<16xi32>], vector<16xi32>,
        %bitcast3A_216 = vector.bitcast %gather3A_215 : vector<16xi32> to vector<32xbf16>
        %max3A_217 = arith.maximumf %bitcast3A_146, %bitcast3A_216 : vector<32xbf16>
        %get3A_218 = arith.constant 1 : i32
        %get3A_219 = arith.constant 8 : i32
        %get3A_220 = arith.index_cast %get3A_218 : i32 to index
        %get3A_221 = arith.index_cast %get3A_219 : i32 to index
        %get3A_222 = arith.index_cast %mul3A_93 : i32 to index
        %get3A_223 = tpu.vector_load %arg6[%get3A_220, %get3A_221, %get3A_222] {strides = array<i32>} : memref<2x32x256xi32, #tpu.memory_space<vmem>>, vector<16xi32>,
        %gather3A_224 = tpu.vector_load_idx %arg5[%broadcast_in_dim3A_16, %get3A_223] : memref<4x10000xi32, #tpu.memory_space<vmem>>[vector<16xi32>, vector<16xi32>], vector<16xi32>,
        %bitcast3A_225 = vector.bitcast %gather3A_224 : vector<16xi32> to vector<32xbf16>
        %max3A_226 = arith.maximumf %max3A, %bitcast3A_225 : vector<32xbf16>
        %gather3A_227 = tpu.vector_load_idx %arg5[%broadcast_in_dim3A_18, %get3A_223] : memref<4x10000xi32, #tpu.memory_space<vmem>>[vector<16xi32>, vector<16xi32>], vector<16xi32>,
        %bitcast3A_228 = vector.bitcast %gather3A_227 : vector<16xi32> to vector<32xbf16>
        %max3A_229 = arith.maximumf %max3A_157, %bitcast3A_228 : vector<32xbf16>
        %gather3A_230 = tpu.vector_load_idx %arg5[%broadcast_in_dim3A_20, %get3A_223] : memref<4x10000xi32, #tpu.memory_space<vmem>>[vector<16xi32>, vector<16xi32>], vector<16xi32>,
        %bitcast3A_231 = vector.bitcast %gather3A_230 : vector<16xi32> to vector<32xbf16>
        %max3A_232 = arith.maximumf %max3A_160, %bitcast3A_231 : vector<32xbf16>
        %gather3A_233 = tpu.vector_load_idx %arg5[%broadcast_in_dim3A_22, %get3A_223] : memref<4x10000xi32, #tpu.memory_space<vmem>>[vector<16xi32>, vector<16xi32>], vector<16xi32>,
        %bitcast3A_234 = vector.bitcast %gather3A_233 : vector<16xi32> to vector<32xbf16>
        %max3A_235 = arith.maximumf %max3A_163, %bitcast3A_234 : vector<32xbf16>
        %get3A_236 = arith.constant 1 : i32
        %get3A_237 = arith.constant 9 : i32
        %get3A_238 = arith.index_cast %get3A_236 : i32 to index
        %get3A_239 = arith.index_cast %get3A_237 : i32 to index
        %get3A_240 = arith.index_cast %mul3A_93 : i32 to index
        %get3A_241 = tpu.vector_load %arg6[%get3A_238, %get3A_239, %get3A_240] {strides = array<i32>} : memref<2x32x256xi32, #tpu.memory_space<vmem>>, vector<16xi32>,
        %gather3A_242 = tpu.vector_load_idx %arg5[%broadcast_in_dim3A_16, %get3A_241] : memref<4x10000xi32, #tpu.memory_space<vmem>>[vector<16xi32>, vector<16xi32>], vector<16xi32>,
        %bitcast3A_243 = vector.bitcast %gather3A_242 : vector<16xi32> to vector<32xbf16>
        %max3A_244 = arith.maximumf %max3A_172, %bitcast3A_243 : vector<32xbf16>
        %gather3A_245 = tpu.vector_load_idx %arg5[%broadcast_in_dim3A_18, %get3A_241] : memref<4x10000xi32, #tpu.memory_space<vmem>>[vector<16xi32>, vector<16xi32>], vector<16xi32>,
        %bitcast3A_246 = vector.bitcast %gather3A_245 : vector<16xi32> to vector<32xbf16>
        %max3A_247 = arith.maximumf %max3A_175, %bitcast3A_246 : vector<32xbf16>
        %gather3A_248 = tpu.vector_load_idx %arg5[%broadcast_in_dim3A_20, %get3A_241] : memref<4x10000xi32, #tpu.memory_space<vmem>>[vector<16xi32>, vector<16xi32>], vector<16xi32>,
        %bitcast3A_249 = vector.bitcast %gather3A_248 : vector<16xi32> to vector<32xbf16>
        %max3A_250 = arith.maximumf %max3A_178, %bitcast3A_249 : vector<32xbf16>
        %gather3A_251 = tpu.vector_load_idx %arg5[%broadcast_in_dim3A_22, %get3A_241] : memref<4x10000xi32, #tpu.memory_space<vmem>>[vector<16xi32>, vector<16xi32>], vector<16xi32>,
        %bitcast3A_252 = vector.bitcast %gather3A_251 : vector<16xi32> to vector<32xbf16>
        %max3A_253 = arith.maximumf %max3A_181, %bitcast3A_252 : vector<32xbf16>
        %get3A_254 = arith.constant 1 : i32
        %get3A_255 = arith.constant 10 : i32
        %get3A_256 = arith.index_cast %get3A_254 : i32 to index
        %get3A_257 = arith.index_cast %get3A_255 : i32 to index
        %get3A_258 = arith.index_cast %mul3A_93 : i32 to index
        %get3A_259 = tpu.vector_load %arg6[%get3A_256, %get3A_257, %get3A_258] {strides = array<i32>} : memref<2x32x256xi32, #tpu.memory_space<vmem>>, vector<16xi32>,
        %gather3A_260 = tpu.vector_load_idx %arg5[%broadcast_in_dim3A_16, %get3A_259] : memref<4x10000xi32, #tpu.memory_space<vmem>>[vector<16xi32>, vector<16xi32>], vector<16xi32>,
        %bitcast3A_261 = vector.bitcast %gather3A_260 : vector<16xi32> to vector<32xbf16>
        %max3A_262 = arith.maximumf %max3A_190, %bitcast3A_261 : vector<32xbf16>
        %gather3A_263 = tpu.vector_load_idx %arg5[%broadcast_in_dim3A_18, %get3A_259] : memref<4x10000xi32, #tpu.memory_space<vmem>>[vector<16xi32>, vector<16xi32>], vector<16xi32>,
        %bitcast3A_264 = vector.bitcast %gather3A_263 : vector<16xi32> to vector<32xbf16>
        %max3A_265 = arith.maximumf %max3A_193, %bitcast3A_264 : vector<32xbf16>
        %gather3A_266 = tpu.vector_load_idx %arg5[%broadcast_in_dim3A_20, %get3A_259] : memref<4x10000xi32, #tpu.memory_space<vmem>>[vector<16xi32>, vector<16xi32>], vector<16xi32>,
        %bitcast3A_267 = vector.bitcast %gather3A_266 : vector<16xi32> to vector<32xbf16>
        %max3A_268 = arith.maximumf %max3A_196, %bitcast3A_267 : vector<32xbf16>
        %gather3A_269 = tpu.vector_load_idx %arg5[%broadcast_in_dim3A_22, %get3A_259] : memref<4x10000xi32, #tpu.memory_space<vmem>>[vector<16xi32>, vector<16xi32>], vector<16xi32>,
        %bitcast3A_270 = vector.bitcast %gather3A_269 : vector<16xi32> to vector<32xbf16>
        %max3A_271 = arith.maximumf %max3A_199, %bitcast3A_270 : vector<32xbf16>
        %get3A_272 = arith.constant 1 : i32
        %get3A_273 = arith.constant 11 : i32
        %get3A_274 = arith.index_cast %get3A_272 : i32 to index
        %get3A_275 = arith.index_cast %get3A_273 : i32 to index
        %get3A_276 = arith.index_cast %mul3A_93 : i32 to index
        %get3A_277 = tpu.vector_load %arg6[%get3A_274, %get3A_275, %get3A_276] {strides = array<i32>} : memref<2x32x256xi32, #tpu.memory_space<vmem>>, vector<16xi32>,
        %gather3A_278 = tpu.vector_load_idx %arg5[%broadcast_in_dim3A_16, %get3A_277] : memref<4x10000xi32, #tpu.memory_space<vmem>>[vector<16xi32>, vector<16xi32>], vector<16xi32>,
        %bitcast3A_279 = vector.bitcast %gather3A_278 : vector<16xi32> to vector<32xbf16>
        %max3A_280 = arith.maximumf %max3A_208, %bitcast3A_279 : vector<32xbf16>
        %gather3A_281 = tpu.vector_load_idx %arg5[%broadcast_in_dim3A_18, %get3A_277] : memref<4x10000xi32, #tpu.memory_space<vmem>>[vector<16xi32>, vector<16xi32>], vector<16xi32>,
        %bitcast3A_282 = vector.bitcast %gather3A_281 : vector<16xi32> to vector<32xbf16>
        %max3A_283 = arith.maximumf %max3A_211, %bitcast3A_282 : vector<32xbf16>
        %gather3A_284 = tpu.vector_load_idx %arg5[%broadcast_in_dim3A_20, %get3A_277] : memref<4x10000xi32, #tpu.memory_space<vmem>>[vector<16xi32>, vector<16xi32>], vector<16xi32>,
        %bitcast3A_285 = vector.bitcast %gather3A_284 : vector<16xi32> to vector<32xbf16>
        %max3A_286 = arith.maximumf %max3A_214, %bitcast3A_285 : vector<32xbf16>
        %gather3A_287 = tpu.vector_load_idx %arg5[%broadcast_in_dim3A_22, %get3A_277] : memref<4x10000xi32, #tpu.memory_space<vmem>>[vector<16xi32>, vector<16xi32>], vector<16xi32>,
        %bitcast3A_288 = vector.bitcast %gather3A_287 : vector<16xi32> to vector<32xbf16>
        %max3A_289 = arith.maximumf %max3A_217, %bitcast3A_288 : vector<32xbf16>
        %get3A_290 = arith.constant 1 : i32
        %get3A_291 = arith.constant 12 : i32
        %get3A_292 = arith.index_cast %get3A_290 : i32 to index
        %get3A_293 = arith.index_cast %get3A_291 : i32 to index
        %get3A_294 = arith.index_cast %mul3A_93 : i32 to index
        %get3A_295 = tpu.vector_load %arg6[%get3A_292, %get3A_293, %get3A_294] {strides = array<i32>} : memref<2x32x256xi32, #tpu.memory_space<vmem>>, vector<16xi32>,
        %gather3A_296 = tpu.vector_load_idx %arg5[%broadcast_in_dim3A_16, %get3A_295] : memref<4x10000xi32, #tpu.memory_space<vmem>>[vector<16xi32>, vector<16xi32>], vector<16xi32>,
        %bitcast3A_297 = vector.bitcast %gather3A_296 : vector<16xi32> to vector<32xbf16>
        %max3A_298 = arith.maximumf %max3A_226, %bitcast3A_297 : vector<32xbf16>
        %gather3A_299 = tpu.vector_load_idx %arg5[%broadcast_in_dim3A_18, %get3A_295] : memref<4x10000xi32, #tpu.memory_space<vmem>>[vector<16xi32>, vector<16xi32>], vector<16xi32>,
        %bitcast3A_300 = vector.bitcast %gather3A_299 : vector<16xi32> to vector<32xbf16>
        %max3A_301 = arith.maximumf %max3A_229, %bitcast3A_300 : vector<32xbf16>
        %gather3A_302 = tpu.vector_load_idx %arg5[%broadcast_in_dim3A_20, %get3A_295] : memref<4x10000xi32, #tpu.memory_space<vmem>>[vector<16xi32>, vector<16xi32>], vector<16xi32>,
        %bitcast3A_303 = vector.bitcast %gather3A_302 : vector<16xi32> to vector<32xbf16>
        %max3A_304 = arith.maximumf %max3A_232, %bitcast3A_303 : vector<32xbf16>
        %gather3A_305 = tpu.vector_load_idx %arg5[%broadcast_in_dim3A_22, %get3A_295] : memref<4x10000xi32, #tpu.memory_space<vmem>>[vector<16xi32>, vector<16xi32>], vector<16xi32>,
        %bitcast3A_306 = vector.bitcast %gather3A_305 : vector<16xi32> to vector<32xbf16>
        %max3A_307 = arith.maximumf %max3A_235, %bitcast3A_306 : vector<32xbf16>
        %get3A_308 = arith.constant 1 : i32
        %get3A_309 = arith.constant 13 : i32
        %get3A_310 = arith.index_cast %get3A_308 : i32 to index
        %get3A_311 = arith.index_cast %get3A_309 : i32 to index
        %get3A_312 = arith.index_cast %mul3A_93 : i32 to index
        %get3A_313 = tpu.vector_load %arg6[%get3A_310, %get3A_311, %get3A_312] {strides = array<i32>} : memref<2x32x256xi32, #tpu.memory_space<vmem>>, vector<16xi32>,
        %gather3A_314 = tpu.vector_load_idx %arg5[%broadcast_in_dim3A_16, %get3A_313] : memref<4x10000xi32, #tpu.memory_space<vmem>>[vector<16xi32>, vector<16xi32>], vector<16xi32>,
        %bitcast3A_315 = vector.bitcast %gather3A_314 : vector<16xi32> to vector<32xbf16>
        %max3A_316 = arith.maximumf %max3A_244, %bitcast3A_315 : vector<32xbf16>
        %gather3A_317 = tpu.vector_load_idx %arg5[%broadcast_in_dim3A_18, %get3A_313] : memref<4x10000xi32, #tpu.memory_space<vmem>>[vector<16xi32>, vector<16xi32>], vector<16xi32>,
        %bitcast3A_318 = vector.bitcast %gather3A_317 : vector<16xi32> to vector<32xbf16>
        %max3A_319 = arith.maximumf %max3A_247, %bitcast3A_318 : vector<32xbf16>
        %gather3A_320 = tpu.vector_load_idx %arg5[%broadcast_in_dim3A_20, %get3A_313] : memref<4x10000xi32, #tpu.memory_space<vmem>>[vector<16xi32>, vector<16xi32>], vector<16xi32>,
        %bitcast3A_321 = vector.bitcast %gather3A_320 : vector<16xi32> to vector<32xbf16>
        %max3A_322 = arith.maximumf %max3A_250, %bitcast3A_321 : vector<32xbf16>
        %gather3A_323 = tpu.vector_load_idx %arg5[%broadcast_in_dim3A_22, %get3A_313] : memref<4x10000xi32, #tpu.memory_space<vmem>>[vector<16xi32>, vector<16xi32>], vector<16xi32>,
        %bitcast3A_324 = vector.bitcast %gather3A_323 : vector<16xi32> to vector<32xbf16>
        %max3A_325 = arith.maximumf %max3A_253, %bitcast3A_324 : vector<32xbf16>
        %get3A_326 = arith.constant 1 : i32
        %get3A_327 = arith.constant 14 : i32
        %get3A_328 = arith.index_cast %get3A_326 : i32 to index
        %get3A_329 = arith.index_cast %get3A_327 : i32 to index
        %get3A_330 = arith.index_cast %mul3A_93 : i32 to index
        %get3A_331 = tpu.vector_load %arg6[%get3A_328, %get3A_329, %get3A_330] {strides = array<i32>} : memref<2x32x256xi32, #tpu.memory_space<vmem>>, vector<16xi32>,
        %gather3A_332 = tpu.vector_load_idx %arg5[%broadcast_in_dim3A_16, %get3A_331] : memref<4x10000xi32, #tpu.memory_space<vmem>>[vector<16xi32>, vector<16xi32>], vector<16xi32>,
        %bitcast3A_333 = vector.bitcast %gather3A_332 : vector<16xi32> to vector<32xbf16>
        %max3A_334 = arith.maximumf %max3A_262, %bitcast3A_333 : vector<32xbf16>
        %gather3A_335 = tpu.vector_load_idx %arg5[%broadcast_in_dim3A_18, %get3A_331] : memref<4x10000xi32, #tpu.memory_space<vmem>>[vector<16xi32>, vector<16xi32>], vector<16xi32>,
        %bitcast3A_336 = vector.bitcast %gather3A_335 : vector<16xi32> to vector<32xbf16>
        %max3A_337 = arith.maximumf %max3A_265, %bitcast3A_336 : vector<32xbf16>
        %gather3A_338 = tpu.vector_load_idx %arg5[%broadcast_in_dim3A_20, %get3A_331] : memref<4x10000xi32, #tpu.memory_space<vmem>>[vector<16xi32>, vector<16xi32>], vector<16xi32>,
        %bitcast3A_339 = vector.bitcast %gather3A_338 : vector<16xi32> to vector<32xbf16>
        %max3A_340 = arith.maximumf %max3A_268, %bitcast3A_339 : vector<32xbf16>
        %gather3A_341 = tpu.vector_load_idx %arg5[%broadcast_in_dim3A_22, %get3A_331] : memref<4x10000xi32, #tpu.memory_space<vmem>>[vector<16xi32>, vector<16xi32>], vector<16xi32>,
        %bitcast3A_342 = vector.bitcast %gather3A_341 : vector<16xi32> to vector<32xbf16>
        %max3A_343 = arith.maximumf %max3A_271, %bitcast3A_342 : vector<32xbf16>
        %get3A_344 = arith.constant 1 : i32
        %get3A_345 = arith.constant 15 : i32
        %get3A_346 = arith.index_cast %get3A_344 : i32 to index
        %get3A_347 = arith.index_cast %get3A_345 : i32 to index
        %get3A_348 = arith.index_cast %mul3A_93 : i32 to index
        %get3A_349 = tpu.vector_load %arg6[%get3A_346, %get3A_347, %get3A_348] {strides = array<i32>} : memref<2x32x256xi32, #tpu.memory_space<vmem>>, vector<16xi32>,
        %gather3A_350 = tpu.vector_load_idx %arg5[%broadcast_in_dim3A_16, %get3A_349] : memref<4x10000xi32, #tpu.memory_space<vmem>>[vector<16xi32>, vector<16xi32>], vector<16xi32>,
        %bitcast3A_351 = vector.bitcast %gather3A_350 : vector<16xi32> to vector<32xbf16>
        %max3A_352 = arith.maximumf %max3A_280, %bitcast3A_351 : vector<32xbf16>
        %gather3A_353 = tpu.vector_load_idx %arg5[%broadcast_in_dim3A_18, %get3A_349] : memref<4x10000xi32, #tpu.memory_space<vmem>>[vector<16xi32>, vector<16xi32>], vector<16xi32>,
        %bitcast3A_354 = vector.bitcast %gather3A_353 : vector<16xi32> to vector<32xbf16>
        %max3A_355 = arith.maximumf %max3A_283, %bitcast3A_354 : vector<32xbf16>
        %gather3A_356 = tpu.vector_load_idx %arg5[%broadcast_in_dim3A_20, %get3A_349] : memref<4x10000xi32, #tpu.memory_space<vmem>>[vector<16xi32>, vector<16xi32>], vector<16xi32>,
        %bitcast3A_357 = vector.bitcast %gather3A_356 : vector<16xi32> to vector<32xbf16>
        %max3A_358 = arith.maximumf %max3A_286, %bitcast3A_357 : vector<32xbf16>
        %gather3A_359 = tpu.vector_load_idx %arg5[%broadcast_in_dim3A_22, %get3A_349] : memref<4x10000xi32, #tpu.memory_space<vmem>>[vector<16xi32>, vector<16xi32>], vector<16xi32>,
        %bitcast3A_360 = vector.bitcast %gather3A_359 : vector<16xi32> to vector<32xbf16>
        %max3A_361 = arith.maximumf %max3A_289, %bitcast3A_360 : vector<32xbf16>
        %get3A_362 = arith.constant 1 : i32
        %get3A_363 = arith.constant 16 : i32
        %get3A_364 = arith.index_cast %get3A_362 : i32 to index
        %get3A_365 = arith.index_cast %get3A_363 : i32 to index
        %get3A_366 = arith.index_cast %mul3A_93 : i32 to index
        %get3A_367 = tpu.vector_load %arg6[%get3A_364, %get3A_365, %get3A_366] {strides = array<i32>} : memref<2x32x256xi32, #tpu.memory_space<vmem>>, vector<16xi32>,
        %gather3A_368 = tpu.vector_load_idx %arg5[%broadcast_in_dim3A_16, %get3A_367] : memref<4x10000xi32, #tpu.memory_space<vmem>>[vector<16xi32>, vector<16xi32>], vector<16xi32>,
        %bitcast3A_369 = vector.bitcast %gather3A_368 : vector<16xi32> to vector<32xbf16>
        %max3A_370 = arith.maximumf %max3A_298, %bitcast3A_369 : vector<32xbf16>
        %gather3A_371 = tpu.vector_load_idx %arg5[%broadcast_in_dim3A_18, %get3A_367] : memref<4x10000xi32, #tpu.memory_space<vmem>>[vector<16xi32>, vector<16xi32>], vector<16xi32>,
        %bitcast3A_372 = vector.bitcast %gather3A_371 : vector<16xi32> to vector<32xbf16>
        %max3A_373 = arith.maximumf %max3A_301, %bitcast3A_372 : vector<32xbf16>
        %gather3A_374 = tpu.vector_load_idx %arg5[%broadcast_in_dim3A_20, %get3A_367] : memref<4x10000xi32, #tpu.memory_space<vmem>>[vector<16xi32>, vector<16xi32>], vector<16xi32>,
        %bitcast3A_375 = vector.bitcast %gather3A_374 : vector<16xi32> to vector<32xbf16>
        %max3A_376 = arith.maximumf %max3A_304, %bitcast3A_375 : vector<32xbf16>
        %gather3A_377 = tpu.vector_load_idx %arg5[%broadcast_in_dim3A_22, %get3A_367] : memref<4x10000xi32, #tpu.memory_space<vmem>>[vector<16xi32>, vector<16xi32>], vector<16xi32>,
        %bitcast3A_378 = vector.bitcast %gather3A_377 : vector<16xi32> to vector<32xbf16>
        %max3A_379 = arith.maximumf %max3A_307, %bitcast3A_378 : vector<32xbf16>
        %get3A_380 = arith.constant 1 : i32
        %get3A_381 = arith.constant 17 : i32
        %get3A_382 = arith.index_cast %get3A_380 : i32 to index
        %get3A_383 = arith.index_cast %get3A_381 : i32 to index
        %get3A_384 = arith.index_cast %mul3A_93 : i32 to index
        %get3A_385 = tpu.vector_load %arg6[%get3A_382, %get3A_383, %get3A_384] {strides = array<i32>} : memref<2x32x256xi32, #tpu.memory_space<vmem>>, vector<16xi32>,
        %gather3A_386 = tpu.vector_load_idx %arg5[%broadcast_in_dim3A_16, %get3A_385] : memref<4x10000xi32, #tpu.memory_space<vmem>>[vector<16xi32>, vector<16xi32>], vector<16xi32>,
        %bitcast3A_387 = vector.bitcast %gather3A_386 : vector<16xi32> to vector<32xbf16>
        %max3A_388 = arith.maximumf %max3A_316, %bitcast3A_387 : vector<32xbf16>
        %gather3A_389 = tpu.vector_load_idx %arg5[%broadcast_in_dim3A_18, %get3A_385] : memref<4x10000xi32, #tpu.memory_space<vmem>>[vector<16xi32>, vector<16xi32>], vector<16xi32>,
        %bitcast3A_390 = vector.bitcast %gather3A_389 : vector<16xi32> to vector<32xbf16>
        %max3A_391 = arith.maximumf %max3A_319, %bitcast3A_390 : vector<32xbf16>
        %gather3A_392 = tpu.vector_load_idx %arg5[%broadcast_in_dim3A_20, %get3A_385] : memref<4x10000xi32, #tpu.memory_space<vmem>>[vector<16xi32>, vector<16xi32>], vector<16xi32>,
        %bitcast3A_393 = vector.bitcast %gather3A_392 : vector<16xi32> to vector<32xbf16>
        %max3A_394 = arith.maximumf %max3A_322, %bitcast3A_393 : vector<32xbf16>
        %gather3A_395 = tpu.vector_load_idx %arg5[%broadcast_in_dim3A_22, %get3A_385] : memref<4x10000xi32, #tpu.memory_space<vmem>>[vector<16xi32>, vector<16xi32>], vector<16xi32>,
        %bitcast3A_396 = vector.bitcast %gather3A_395 : vector<16xi32> to vector<32xbf16>
        %max3A_397 = arith.maximumf %max3A_325, %bitcast3A_396 : vector<32xbf16>
        %get3A_398 = arith.constant 1 : i32
        %get3A_399 = arith.constant 18 : i32
        %get3A_400 = arith.index_cast %get3A_398 : i32 to index
        %get3A_401 = arith.index_cast %get3A_399 : i32 to index
        %get3A_402 = arith.index_cast %mul3A_93 : i32 to index
        %get3A_403 = tpu.vector_load %arg6[%get3A_400, %get3A_401, %get3A_402] {strides = array<i32>} : memref<2x32x256xi32, #tpu.memory_space<vmem>>, vector<16xi32>,
        %gather3A_404 = tpu.vector_load_idx %arg5[%broadcast_in_dim3A_16, %get3A_403] : memref<4x10000xi32, #tpu.memory_space<vmem>>[vector<16xi32>, vector<16xi32>], vector<16xi32>,
        %bitcast3A_405 = vector.bitcast %gather3A_404 : vector<16xi32> to vector<32xbf16>
        %max3A_406 = arith.maximumf %max3A_334, %bitcast3A_405 : vector<32xbf16>
        %gather3A_407 = tpu.vector_load_idx %arg5[%broadcast_in_dim3A_18, %get3A_403] : memref<4x10000xi32, #tpu.memory_space<vmem>>[vector<16xi32>, vector<16xi32>], vector<16xi32>,
        %bitcast3A_408 = vector.bitcast %gather3A_407 : vector<16xi32> to vector<32xbf16>
        %max3A_409 = arith.maximumf %max3A_337, %bitcast3A_408 : vector<32xbf16>
        %gather3A_410 = tpu.vector_load_idx %arg5[%broadcast_in_dim3A_20, %get3A_403] : memref<4x10000xi32, #tpu.memory_space<vmem>>[vector<16xi32>, vector<16xi32>], vector<16xi32>,
        %bitcast3A_411 = vector.bitcast %gather3A_410 : vector<16xi32> to vector<32xbf16>
        %max3A_412 = arith.maximumf %max3A_340, %bitcast3A_411 : vector<32xbf16>
        %gather3A_413 = tpu.vector_load_idx %arg5[%broadcast_in_dim3A_22, %get3A_403] : memref<4x10000xi32, #tpu.memory_space<vmem>>[vector<16xi32>, vector<16xi32>], vector<16xi32>,
        %bitcast3A_414 = vector.bitcast %gather3A_413 : vector<16xi32> to vector<32xbf16>
        %max3A_415 = arith.maximumf %max3A_343, %bitcast3A_414 : vector<32xbf16>
        %get3A_416 = arith.constant 1 : i32
        %get3A_417 = arith.constant 19 : i32
        %get3A_418 = arith.index_cast %get3A_416 : i32 to index
        %get3A_419 = arith.index_cast %get3A_417 : i32 to index
        %get3A_420 = arith.index_cast %mul3A_93 : i32 to index
        %get3A_421 = tpu.vector_load %arg6[%get3A_418, %get3A_419, %get3A_420] {strides = array<i32>} : memref<2x32x256xi32, #tpu.memory_space<vmem>>, vector<16xi32>,
        %gather3A_422 = tpu.vector_load_idx %arg5[%broadcast_in_dim3A_16, %get3A_421] : memref<4x10000xi32, #tpu.memory_space<vmem>>[vector<16xi32>, vector<16xi32>], vector<16xi32>,
        %bitcast3A_423 = vector.bitcast %gather3A_422 : vector<16xi32> to vector<32xbf16>
        %max3A_424 = arith.maximumf %max3A_352, %bitcast3A_423 : vector<32xbf16>
        %gather3A_425 = tpu.vector_load_idx %arg5[%broadcast_in_dim3A_18, %get3A_421] : memref<4x10000xi32, #tpu.memory_space<vmem>>[vector<16xi32>, vector<16xi32>], vector<16xi32>,
        %bitcast3A_426 = vector.bitcast %gather3A_425 : vector<16xi32> to vector<32xbf16>
        %max3A_427 = arith.maximumf %max3A_355, %bitcast3A_426 : vector<32xbf16>
        %gather3A_428 = tpu.vector_load_idx %arg5[%broadcast_in_dim3A_20, %get3A_421] : memref<4x10000xi32, #tpu.memory_space<vmem>>[vector<16xi32>, vector<16xi32>], vector<16xi32>,
        %bitcast3A_429 = vector.bitcast %gather3A_428 : vector<16xi32> to vector<32xbf16>
        %max3A_430 = arith.maximumf %max3A_358, %bitcast3A_429 : vector<32xbf16>
        %gather3A_431 = tpu.vector_load_idx %arg5[%broadcast_in_dim3A_22, %get3A_421] : memref<4x10000xi32, #tpu.memory_space<vmem>>[vector<16xi32>, vector<16xi32>], vector<16xi32>,
        %bitcast3A_432 = vector.bitcast %gather3A_431 : vector<16xi32> to vector<32xbf16>
        %max3A_433 = arith.maximumf %max3A_361, %bitcast3A_432 : vector<32xbf16>
        %get3A_434 = arith.constant 1 : i32
        %get3A_435 = arith.constant 20 : i32
        %get3A_436 = arith.index_cast %get3A_434 : i32 to index
        %get3A_437 = arith.index_cast %get3A_435 : i32 to index
        %get3A_438 = arith.index_cast %mul3A_93 : i32 to index
        %get3A_439 = tpu.vector_load %arg6[%get3A_436, %get3A_437, %get3A_438] {strides = array<i32>} : memref<2x32x256xi32, #tpu.memory_space<vmem>>, vector<16xi32>,
        %gather3A_440 = tpu.vector_load_idx %arg5[%broadcast_in_dim3A_16, %get3A_439] : memref<4x10000xi32, #tpu.memory_space<vmem>>[vector<16xi32>, vector<16xi32>], vector<16xi32>,
        %bitcast3A_441 = vector.bitcast %gather3A_440 : vector<16xi32> to vector<32xbf16>
        %max3A_442 = arith.maximumf %max3A_370, %bitcast3A_441 : vector<32xbf16>
        %gather3A_443 = tpu.vector_load_idx %arg5[%broadcast_in_dim3A_18, %get3A_439] : memref<4x10000xi32, #tpu.memory_space<vmem>>[vector<16xi32>, vector<16xi32>], vector<16xi32>,
        %bitcast3A_444 = vector.bitcast %gather3A_443 : vector<16xi32> to vector<32xbf16>
        %max3A_445 = arith.maximumf %max3A_373, %bitcast3A_444 : vector<32xbf16>
        %gather3A_446 = tpu.vector_load_idx %arg5[%broadcast_in_dim3A_20, %get3A_439] : memref<4x10000xi32, #tpu.memory_space<vmem>>[vector<16xi32>, vector<16xi32>], vector<16xi32>,
        %bitcast3A_447 = vector.bitcast %gather3A_446 : vector<16xi32> to vector<32xbf16>
        %max3A_448 = arith.maximumf %max3A_376, %bitcast3A_447 : vector<32xbf16>
        %gather3A_449 = tpu.vector_load_idx %arg5[%broadcast_in_dim3A_22, %get3A_439] : memref<4x10000xi32, #tpu.memory_space<vmem>>[vector<16xi32>, vector<16xi32>], vector<16xi32>,
        %bitcast3A_450 = vector.bitcast %gather3A_449 : vector<16xi32> to vector<32xbf16>
        %max3A_451 = arith.maximumf %max3A_379, %bitcast3A_450 : vector<32xbf16>
        %get3A_452 = arith.constant 1 : i32
        %get3A_453 = arith.constant 21 : i32
        %get3A_454 = arith.index_cast %get3A_452 : i32 to index
        %get3A_455 = arith.index_cast %get3A_453 : i32 to index
        %get3A_456 = arith.index_cast %mul3A_93 : i32 to index
        %get3A_457 = tpu.vector_load %arg6[%get3A_454, %get3A_455, %get3A_456] {strides = array<i32>} : memref<2x32x256xi32, #tpu.memory_space<vmem>>, vector<16xi32>,
        %gather3A_458 = tpu.vector_load_idx %arg5[%broadcast_in_dim3A_16, %get3A_457] : memref<4x10000xi32, #tpu.memory_space<vmem>>[vector<16xi32>, vector<16xi32>], vector<16xi32>,
        %bitcast3A_459 = vector.bitcast %gather3A_458 : vector<16xi32> to vector<32xbf16>
        %max3A_460 = arith.maximumf %max3A_388, %bitcast3A_459 : vector<32xbf16>
        %gather3A_461 = tpu.vector_load_idx %arg5[%broadcast_in_dim3A_18, %get3A_457] : memref<4x10000xi32, #tpu.memory_space<vmem>>[vector<16xi32>, vector<16xi32>], vector<16xi32>,
        %bitcast3A_462 = vector.bitcast %gather3A_461 : vector<16xi32> to vector<32xbf16>
        %max3A_463 = arith.maximumf %max3A_391, %bitcast3A_462 : vector<32xbf16>
        %gather3A_464 = tpu.vector_load_idx %arg5[%broadcast_in_dim3A_20, %get3A_457] : memref<4x10000xi32, #tpu.memory_space<vmem>>[vector<16xi32>, vector<16xi32>], vector<16xi32>,
        %bitcast3A_465 = vector.bitcast %gather3A_464 : vector<16xi32> to vector<32xbf16>
        %max3A_466 = arith.maximumf %max3A_394, %bitcast3A_465 : vector<32xbf16>
        %gather3A_467 = tpu.vector_load_idx %arg5[%broadcast_in_dim3A_22, %get3A_457] : memref<4x10000xi32, #tpu.memory_space<vmem>>[vector<16xi32>, vector<16xi32>], vector<16xi32>,
        %bitcast3A_468 = vector.bitcast %gather3A_467 : vector<16xi32> to vector<32xbf16>
        %max3A_469 = arith.maximumf %max3A_397, %bitcast3A_468 : vector<32xbf16>
        %get3A_470 = arith.constant 1 : i32
        %get3A_471 = arith.constant 22 : i32
        %get3A_472 = arith.index_cast %get3A_470 : i32 to index
        %get3A_473 = arith.index_cast %get3A_471 : i32 to index
        %get3A_474 = arith.index_cast %mul3A_93 : i32 to index
        %get3A_475 = tpu.vector_load %arg6[%get3A_472, %get3A_473, %get3A_474] {strides = array<i32>} : memref<2x32x256xi32, #tpu.memory_space<vmem>>, vector<16xi32>,
        %gather3A_476 = tpu.vector_load_idx %arg5[%broadcast_in_dim3A_16, %get3A_475] : memref<4x10000xi32, #tpu.memory_space<vmem>>[vector<16xi32>, vector<16xi32>], vector<16xi32>,
        %bitcast3A_477 = vector.bitcast %gather3A_476 : vector<16xi32> to vector<32xbf16>
        %max3A_478 = arith.maximumf %max3A_406, %bitcast3A_477 : vector<32xbf16>
        %gather3A_479 = tpu.vector_load_idx %arg5[%broadcast_in_dim3A_18, %get3A_475] : memref<4x10000xi32, #tpu.memory_space<vmem>>[vector<16xi32>, vector<16xi32>], vector<16xi32>,
        %bitcast3A_480 = vector.bitcast %gather3A_479 : vector<16xi32> to vector<32xbf16>
        %max3A_481 = arith.maximumf %max3A_409, %bitcast3A_480 : vector<32xbf16>
        %gather3A_482 = tpu.vector_load_idx %arg5[%broadcast_in_dim3A_20, %get3A_475] : memref<4x10000xi32, #tpu.memory_space<vmem>>[vector<16xi32>, vector<16xi32>], vector<16xi32>,
        %bitcast3A_483 = vector.bitcast %gather3A_482 : vector<16xi32> to vector<32xbf16>
        %max3A_484 = arith.maximumf %max3A_412, %bitcast3A_483 : vector<32xbf16>
        %gather3A_485 = tpu.vector_load_idx %arg5[%broadcast_in_dim3A_22, %get3A_475] : memref<4x10000xi32, #tpu.memory_space<vmem>>[vector<16xi32>, vector<16xi32>], vector<16xi32>,
        %bitcast3A_486 = vector.bitcast %gather3A_485 : vector<16xi32> to vector<32xbf16>
        %max3A_487 = arith.maximumf %max3A_415, %bitcast3A_486 : vector<32xbf16>
        %get3A_488 = arith.constant 1 : i32
        %get3A_489 = arith.constant 23 : i32
        %get3A_490 = arith.index_cast %get3A_488 : i32 to index
        %get3A_491 = arith.index_cast %get3A_489 : i32 to index
        %get3A_492 = arith.index_cast %mul3A_93 : i32 to index
        %get3A_493 = tpu.vector_load %arg6[%get3A_490, %get3A_491, %get3A_492] {strides = array<i32>} : memref<2x32x256xi32, #tpu.memory_space<vmem>>, vector<16xi32>,
        %gather3A_494 = tpu.vector_load_idx %arg5[%broadcast_in_dim3A_16, %get3A_493] : memref<4x10000xi32, #tpu.memory_space<vmem>>[vector<16xi32>, vector<16xi32>], vector<16xi32>,
        %bitcast3A_495 = vector.bitcast %gather3A_494 : vector<16xi32> to vector<32xbf16>
        %max3A_496 = arith.maximumf %max3A_424, %bitcast3A_495 : vector<32xbf16>
        %gather3A_497 = tpu.vector_load_idx %arg5[%broadcast_in_dim3A_18, %get3A_493] : memref<4x10000xi32, #tpu.memory_space<vmem>>[vector<16xi32>, vector<16xi32>], vector<16xi32>,
        %bitcast3A_498 = vector.bitcast %gather3A_497 : vector<16xi32> to vector<32xbf16>
        %max3A_499 = arith.maximumf %max3A_427, %bitcast3A_498 : vector<32xbf16>
        %gather3A_500 = tpu.vector_load_idx %arg5[%broadcast_in_dim3A_20, %get3A_493] : memref<4x10000xi32, #tpu.memory_space<vmem>>[vector<16xi32>, vector<16xi32>], vector<16xi32>,
        %bitcast3A_501 = vector.bitcast %gather3A_500 : vector<16xi32> to vector<32xbf16>
        %max3A_502 = arith.maximumf %max3A_430, %bitcast3A_501 : vector<32xbf16>
        %gather3A_503 = tpu.vector_load_idx %arg5[%broadcast_in_dim3A_22, %get3A_493] : memref<4x10000xi32, #tpu.memory_space<vmem>>[vector<16xi32>, vector<16xi32>], vector<16xi32>,
        %bitcast3A_504 = vector.bitcast %gather3A_503 : vector<16xi32> to vector<32xbf16>
        %max3A_505 = arith.maximumf %max3A_433, %bitcast3A_504 : vector<32xbf16>
        %get3A_506 = arith.constant 1 : i32
        %get3A_507 = arith.constant 24 : i32
        %get3A_508 = arith.index_cast %get3A_506 : i32 to index
        %get3A_509 = arith.index_cast %get3A_507 : i32 to index
        %get3A_510 = arith.index_cast %mul3A_93 : i32 to index
        %get3A_511 = tpu.vector_load %arg6[%get3A_508, %get3A_509, %get3A_510] {strides = array<i32>} : memref<2x32x256xi32, #tpu.memory_space<vmem>>, vector<16xi32>,
        %gather3A_512 = tpu.vector_load_idx %arg5[%broadcast_in_dim3A_16, %get3A_511] : memref<4x10000xi32, #tpu.memory_space<vmem>>[vector<16xi32>, vector<16xi32>], vector<16xi32>,
        %bitcast3A_513 = vector.bitcast %gather3A_512 : vector<16xi32> to vector<32xbf16>
        %max3A_514 = arith.maximumf %max3A_442, %bitcast3A_513 : vector<32xbf16>
        %gather3A_515 = tpu.vector_load_idx %arg5[%broadcast_in_dim3A_18, %get3A_511] : memref<4x10000xi32, #tpu.memory_space<vmem>>[vector<16xi32>, vector<16xi32>], vector<16xi32>,
        %bitcast3A_516 = vector.bitcast %gather3A_515 : vector<16xi32> to vector<32xbf16>
        %max3A_517 = arith.maximumf %max3A_445, %bitcast3A_516 : vector<32xbf16>
        %gather3A_518 = tpu.vector_load_idx %arg5[%broadcast_in_dim3A_20, %get3A_511] : memref<4x10000xi32, #tpu.memory_space<vmem>>[vector<16xi32>, vector<16xi32>], vector<16xi32>,
        %bitcast3A_519 = vector.bitcast %gather3A_518 : vector<16xi32> to vector<32xbf16>
        %max3A_520 = arith.maximumf %max3A_448, %bitcast3A_519 : vector<32xbf16>
        %gather3A_521 = tpu.vector_load_idx %arg5[%broadcast_in_dim3A_22, %get3A_511] : memref<4x10000xi32, #tpu.memory_space<vmem>>[vector<16xi32>, vector<16xi32>], vector<16xi32>,
        %bitcast3A_522 = vector.bitcast %gather3A_521 : vector<16xi32> to vector<32xbf16>
        %max3A_523 = arith.maximumf %max3A_451, %bitcast3A_522 : vector<32xbf16>
        %get3A_524 = arith.constant 1 : i32
        %get3A_525 = arith.constant 25 : i32
        %get3A_526 = arith.index_cast %get3A_524 : i32 to index
        %get3A_527 = arith.index_cast %get3A_525 : i32 to index
        %get3A_528 = arith.index_cast %mul3A_93 : i32 to index
        %get3A_529 = tpu.vector_load %arg6[%get3A_526, %get3A_527, %get3A_528] {strides = array<i32>} : memref<2x32x256xi32, #tpu.memory_space<vmem>>, vector<16xi32>,
        %gather3A_530 = tpu.vector_load_idx %arg5[%broadcast_in_dim3A_16, %get3A_529] : memref<4x10000xi32, #tpu.memory_space<vmem>>[vector<16xi32>, vector<16xi32>], vector<16xi32>,
        %bitcast3A_531 = vector.bitcast %gather3A_530 : vector<16xi32> to vector<32xbf16>
        %max3A_532 = arith.maximumf %max3A_460, %bitcast3A_531 : vector<32xbf16>
        %gather3A_533 = tpu.vector_load_idx %arg5[%broadcast_in_dim3A_18, %get3A_529] : memref<4x10000xi32, #tpu.memory_space<vmem>>[vector<16xi32>, vector<16xi32>], vector<16xi32>,
        %bitcast3A_534 = vector.bitcast %gather3A_533 : vector<16xi32> to vector<32xbf16>
        %max3A_535 = arith.maximumf %max3A_463, %bitcast3A_534 : vector<32xbf16>
        %gather3A_536 = tpu.vector_load_idx %arg5[%broadcast_in_dim3A_20, %get3A_529] : memref<4x10000xi32, #tpu.memory_space<vmem>>[vector<16xi32>, vector<16xi32>], vector<16xi32>,
        %bitcast3A_537 = vector.bitcast %gather3A_536 : vector<16xi32> to vector<32xbf16>
        %max3A_538 = arith.maximumf %max3A_466, %bitcast3A_537 : vector<32xbf16>
        %gather3A_539 = tpu.vector_load_idx %arg5[%broadcast_in_dim3A_22, %get3A_529] : memref<4x10000xi32, #tpu.memory_space<vmem>>[vector<16xi32>, vector<16xi32>], vector<16xi32>,
        %bitcast3A_540 = vector.bitcast %gather3A_539 : vector<16xi32> to vector<32xbf16>
        %max3A_541 = arith.maximumf %max3A_469, %bitcast3A_540 : vector<32xbf16>
        %get3A_542 = arith.constant 1 : i32
        %get3A_543 = arith.constant 26 : i32
        %get3A_544 = arith.index_cast %get3A_542 : i32 to index
        %get3A_545 = arith.index_cast %get3A_543 : i32 to index
        %get3A_546 = arith.index_cast %mul3A_93 : i32 to index
        %get3A_547 = tpu.vector_load %arg6[%get3A_544, %get3A_545, %get3A_546] {strides = array<i32>} : memref<2x32x256xi32, #tpu.memory_space<vmem>>, vector<16xi32>,
        %gather3A_548 = tpu.vector_load_idx %arg5[%broadcast_in_dim3A_16, %get3A_547] : memref<4x10000xi32, #tpu.memory_space<vmem>>[vector<16xi32>, vector<16xi32>], vector<16xi32>,
        %bitcast3A_549 = vector.bitcast %gather3A_548 : vector<16xi32> to vector<32xbf16>
        %max3A_550 = arith.maximumf %max3A_478, %bitcast3A_549 : vector<32xbf16>
        %gather3A_551 = tpu.vector_load_idx %arg5[%broadcast_in_dim3A_18, %get3A_547] : memref<4x10000xi32, #tpu.memory_space<vmem>>[vector<16xi32>, vector<16xi32>], vector<16xi32>,
        %bitcast3A_552 = vector.bitcast %gather3A_551 : vector<16xi32> to vector<32xbf16>
        %max3A_553 = arith.maximumf %max3A_481, %bitcast3A_552 : vector<32xbf16>
        %gather3A_554 = tpu.vector_load_idx %arg5[%broadcast_in_dim3A_20, %get3A_547] : memref<4x10000xi32, #tpu.memory_space<vmem>>[vector<16xi32>, vector<16xi32>], vector<16xi32>,
        %bitcast3A_555 = vector.bitcast %gather3A_554 : vector<16xi32> to vector<32xbf16>
        %max3A_556 = arith.maximumf %max3A_484, %bitcast3A_555 : vector<32xbf16>
        %gather3A_557 = tpu.vector_load_idx %arg5[%broadcast_in_dim3A_22, %get3A_547] : memref<4x10000xi32, #tpu.memory_space<vmem>>[vector<16xi32>, vector<16xi32>], vector<16xi32>,
        %bitcast3A_558 = vector.bitcast %gather3A_557 : vector<16xi32> to vector<32xbf16>
        %max3A_559 = arith.maximumf %max3A_487, %bitcast3A_558 : vector<32xbf16>
        %get3A_560 = arith.constant 1 : i32
        %get3A_561 = arith.constant 27 : i32
        %get3A_562 = arith.index_cast %get3A_560 : i32 to index
        %get3A_563 = arith.index_cast %get3A_561 : i32 to index
        %get3A_564 = arith.index_cast %mul3A_93 : i32 to index
        %get3A_565 = tpu.vector_load %arg6[%get3A_562, %get3A_563, %get3A_564] {strides = array<i32>} : memref<2x32x256xi32, #tpu.memory_space<vmem>>, vector<16xi32>,
        %gather3A_566 = tpu.vector_load_idx %arg5[%broadcast_in_dim3A_16, %get3A_565] : memref<4x10000xi32, #tpu.memory_space<vmem>>[vector<16xi32>, vector<16xi32>], vector<16xi32>,
        %bitcast3A_567 = vector.bitcast %gather3A_566 : vector<16xi32> to vector<32xbf16>
        %max3A_568 = arith.maximumf %max3A_496, %bitcast3A_567 : vector<32xbf16>
        %gather3A_569 = tpu.vector_load_idx %arg5[%broadcast_in_dim3A_18, %get3A_565] : memref<4x10000xi32, #tpu.memory_space<vmem>>[vector<16xi32>, vector<16xi32>], vector<16xi32>,
        %bitcast3A_570 = vector.bitcast %gather3A_569 : vector<16xi32> to vector<32xbf16>
        %max3A_571 = arith.maximumf %max3A_499, %bitcast3A_570 : vector<32xbf16>
        %gather3A_572 = tpu.vector_load_idx %arg5[%broadcast_in_dim3A_20, %get3A_565] : memref<4x10000xi32, #tpu.memory_space<vmem>>[vector<16xi32>, vector<16xi32>], vector<16xi32>,
        %bitcast3A_573 = vector.bitcast %gather3A_572 : vector<16xi32> to vector<32xbf16>
        %max3A_574 = arith.maximumf %max3A_502, %bitcast3A_573 : vector<32xbf16>
        %gather3A_575 = tpu.vector_load_idx %arg5[%broadcast_in_dim3A_22, %get3A_565] : memref<4x10000xi32, #tpu.memory_space<vmem>>[vector<16xi32>, vector<16xi32>], vector<16xi32>,
        %bitcast3A_576 = vector.bitcast %gather3A_575 : vector<16xi32> to vector<32xbf16>
        %max3A_577 = arith.maximumf %max3A_505, %bitcast3A_576 : vector<32xbf16>
        %get3A_578 = arith.constant 1 : i32
        %get3A_579 = arith.constant 28 : i32
        %get3A_580 = arith.index_cast %get3A_578 : i32 to index
        %get3A_581 = arith.index_cast %get3A_579 : i32 to index
        %get3A_582 = arith.index_cast %mul3A_93 : i32 to index
        %get3A_583 = tpu.vector_load %arg6[%get3A_580, %get3A_581, %get3A_582] {strides = array<i32>} : memref<2x32x256xi32, #tpu.memory_space<vmem>>, vector<16xi32>,
        %gather3A_584 = tpu.vector_load_idx %arg5[%broadcast_in_dim3A_16, %get3A_583] : memref<4x10000xi32, #tpu.memory_space<vmem>>[vector<16xi32>, vector<16xi32>], vector<16xi32>,
        %bitcast3A_585 = vector.bitcast %gather3A_584 : vector<16xi32> to vector<32xbf16>
        %max3A_586 = arith.maximumf %max3A_514, %bitcast3A_585 : vector<32xbf16>
        %gather3A_587 = tpu.vector_load_idx %arg5[%broadcast_in_dim3A_18, %get3A_583] : memref<4x10000xi32, #tpu.memory_space<vmem>>[vector<16xi32>, vector<16xi32>], vector<16xi32>,
        %bitcast3A_588 = vector.bitcast %gather3A_587 : vector<16xi32> to vector<32xbf16>
        %max3A_589 = arith.maximumf %max3A_517, %bitcast3A_588 : vector<32xbf16>
        %gather3A_590 = tpu.vector_load_idx %arg5[%broadcast_in_dim3A_20, %get3A_583] : memref<4x10000xi32, #tpu.memory_space<vmem>>[vector<16xi32>, vector<16xi32>], vector<16xi32>,
        %bitcast3A_591 = vector.bitcast %gather3A_590 : vector<16xi32> to vector<32xbf16>
        %max3A_592 = arith.maximumf %max3A_520, %bitcast3A_591 : vector<32xbf16>
        %gather3A_593 = tpu.vector_load_idx %arg5[%broadcast_in_dim3A_22, %get3A_583] : memref<4x10000xi32, #tpu.memory_space<vmem>>[vector<16xi32>, vector<16xi32>], vector<16xi32>,
        %bitcast3A_594 = vector.bitcast %gather3A_593 : vector<16xi32> to vector<32xbf16>
        %max3A_595 = arith.maximumf %max3A_523, %bitcast3A_594 : vector<32xbf16>
        %get3A_596 = arith.constant 1 : i32
        %get3A_597 = arith.constant 29 : i32
        %get3A_598 = arith.index_cast %get3A_596 : i32 to index
        %get3A_599 = arith.index_cast %get3A_597 : i32 to index
        %get3A_600 = arith.index_cast %mul3A_93 : i32 to index
        %get3A_601 = tpu.vector_load %arg6[%get3A_598, %get3A_599, %get3A_600] {strides = array<i32>} : memref<2x32x256xi32, #tpu.memory_space<vmem>>, vector<16xi32>,
        %gather3A_602 = tpu.vector_load_idx %arg5[%broadcast_in_dim3A_16, %get3A_601] : memref<4x10000xi32, #tpu.memory_space<vmem>>[vector<16xi32>, vector<16xi32>], vector<16xi32>,
        %bitcast3A_603 = vector.bitcast %gather3A_602 : vector<16xi32> to vector<32xbf16>
        %max3A_604 = arith.maximumf %max3A_532, %bitcast3A_603 : vector<32xbf16>
        %gather3A_605 = tpu.vector_load_idx %arg5[%broadcast_in_dim3A_18, %get3A_601] : memref<4x10000xi32, #tpu.memory_space<vmem>>[vector<16xi32>, vector<16xi32>], vector<16xi32>,
        %bitcast3A_606 = vector.bitcast %gather3A_605 : vector<16xi32> to vector<32xbf16>
        %max3A_607 = arith.maximumf %max3A_535, %bitcast3A_606 : vector<32xbf16>
        %gather3A_608 = tpu.vector_load_idx %arg5[%broadcast_in_dim3A_20, %get3A_601] : memref<4x10000xi32, #tpu.memory_space<vmem>>[vector<16xi32>, vector<16xi32>], vector<16xi32>,
        %bitcast3A_609 = vector.bitcast %gather3A_608 : vector<16xi32> to vector<32xbf16>
        %max3A_610 = arith.maximumf %max3A_538, %bitcast3A_609 : vector<32xbf16>
        %gather3A_611 = tpu.vector_load_idx %arg5[%broadcast_in_dim3A_22, %get3A_601] : memref<4x10000xi32, #tpu.memory_space<vmem>>[vector<16xi32>, vector<16xi32>], vector<16xi32>,
        %bitcast3A_612 = vector.bitcast %gather3A_611 : vector<16xi32> to vector<32xbf16>
        %max3A_613 = arith.maximumf %max3A_541, %bitcast3A_612 : vector<32xbf16>
        %get3A_614 = arith.constant 1 : i32
        %get3A_615 = arith.constant 30 : i32
        %get3A_616 = arith.index_cast %get3A_614 : i32 to index
        %get3A_617 = arith.index_cast %get3A_615 : i32 to index
        %get3A_618 = arith.index_cast %mul3A_93 : i32 to index
        %get3A_619 = tpu.vector_load %arg6[%get3A_616, %get3A_617, %get3A_618] {strides = array<i32>} : memref<2x32x256xi32, #tpu.memory_space<vmem>>, vector<16xi32>,
        %gather3A_620 = tpu.vector_load_idx %arg5[%broadcast_in_dim3A_16, %get3A_619] : memref<4x10000xi32, #tpu.memory_space<vmem>>[vector<16xi32>, vector<16xi32>], vector<16xi32>,
        %bitcast3A_621 = vector.bitcast %gather3A_620 : vector<16xi32> to vector<32xbf16>
        %max3A_622 = arith.maximumf %max3A_550, %bitcast3A_621 : vector<32xbf16>
        %gather3A_623 = tpu.vector_load_idx %arg5[%broadcast_in_dim3A_18, %get3A_619] : memref<4x10000xi32, #tpu.memory_space<vmem>>[vector<16xi32>, vector<16xi32>], vector<16xi32>,
        %bitcast3A_624 = vector.bitcast %gather3A_623 : vector<16xi32> to vector<32xbf16>
        %max3A_625 = arith.maximumf %max3A_553, %bitcast3A_624 : vector<32xbf16>
        %gather3A_626 = tpu.vector_load_idx %arg5[%broadcast_in_dim3A_20, %get3A_619] : memref<4x10000xi32, #tpu.memory_space<vmem>>[vector<16xi32>, vector<16xi32>], vector<16xi32>,
        %bitcast3A_627 = vector.bitcast %gather3A_626 : vector<16xi32> to vector<32xbf16>
        %max3A_628 = arith.maximumf %max3A_556, %bitcast3A_627 : vector<32xbf16>
        %gather3A_629 = tpu.vector_load_idx %arg5[%broadcast_in_dim3A_22, %get3A_619] : memref<4x10000xi32, #tpu.memory_space<vmem>>[vector<16xi32>, vector<16xi32>], vector<16xi32>,
        %bitcast3A_630 = vector.bitcast %gather3A_629 : vector<16xi32> to vector<32xbf16>
        %max3A_631 = arith.maximumf %max3A_559, %bitcast3A_630 : vector<32xbf16>
        %get3A_632 = arith.constant 1 : i32
        %get3A_633 = arith.constant 31 : i32
        %get3A_634 = arith.index_cast %get3A_632 : i32 to index
        %get3A_635 = arith.index_cast %get3A_633 : i32 to index
        %get3A_636 = arith.index_cast %mul3A_93 : i32 to index
        %get3A_637 = tpu.vector_load %arg6[%get3A_634, %get3A_635, %get3A_636] {strides = array<i32>} : memref<2x32x256xi32, #tpu.memory_space<vmem>>, vector<16xi32>,
        %gather3A_638 = tpu.vector_load_idx %arg5[%broadcast_in_dim3A_16, %get3A_637] : memref<4x10000xi32, #tpu.memory_space<vmem>>[vector<16xi32>, vector<16xi32>], vector<16xi32>,
        %bitcast3A_639 = vector.bitcast %gather3A_638 : vector<16xi32> to vector<32xbf16>
        %max3A_640 = arith.maximumf %max3A_568, %bitcast3A_639 : vector<32xbf16>
        %gather3A_641 = tpu.vector_load_idx %arg5[%broadcast_in_dim3A_18, %get3A_637] : memref<4x10000xi32, #tpu.memory_space<vmem>>[vector<16xi32>, vector<16xi32>], vector<16xi32>,
        %bitcast3A_642 = vector.bitcast %gather3A_641 : vector<16xi32> to vector<32xbf16>
        %max3A_643 = arith.maximumf %max3A_571, %bitcast3A_642 : vector<32xbf16>
        %gather3A_644 = tpu.vector_load_idx %arg5[%broadcast_in_dim3A_20, %get3A_637] : memref<4x10000xi32, #tpu.memory_space<vmem>>[vector<16xi32>, vector<16xi32>], vector<16xi32>,
        %bitcast3A_645 = vector.bitcast %gather3A_644 : vector<16xi32> to vector<32xbf16>
        %max3A_646 = arith.maximumf %max3A_574, %bitcast3A_645 : vector<32xbf16>
        %gather3A_647 = tpu.vector_load_idx %arg5[%broadcast_in_dim3A_22, %get3A_637] : memref<4x10000xi32, #tpu.memory_space<vmem>>[vector<16xi32>, vector<16xi32>], vector<16xi32>,
        %bitcast3A_648 = vector.bitcast %gather3A_647 : vector<16xi32> to vector<32xbf16>
        %max3A_649 = arith.maximumf %max3A_577, %bitcast3A_648 : vector<32xbf16>
        %max3A_650 = arith.maximumf %max3A_586, %max3A_604 : vector<32xbf16>
        %max3A_651 = arith.maximumf %max3A_622, %max3A_640 : vector<32xbf16>
        %max3A_652 = arith.maximumf %max3A_650, %max3A_651 : vector<32xbf16>
        %bitcast3A_653 = vector.bitcast %max3A_652 : vector<32xbf16> to vector<16xi32>
        %mul3A_654 = arith.constant 256 : i32
        %mul3A_655 = arith.muli %add3A_62, %mul3A_654 : i32
        %add3A_656 = arith.addi %mul3A_655, %mul3A_93 : i32
        %swap3A = arith.constant 0 : i32
        %swap3A_657 = arith.index_cast %swap3A : i32 to index
        %swap3A_658 = arith.index_cast %add3A_656 : i32 to index
        %swap3A_659 = tpu.vector_load %arg7[%swap3A_657, %swap3A_658] {strides = array<i32>} : memref<4x5120xi32, #tpu.memory_space<vmem>>, vector<16xi32>,
        tpu.vector_store %arg7[%swap3A_657, %swap3A_658], %bitcast3A_653 {strides = array<i32>} : memref<4x5120xi32, #tpu.memory_space<vmem>>, vector<16xi32>,
        %max3A_660 = arith.maximumf %max3A_589, %max3A_607 : vector<32xbf16>
        %max3A_661 = arith.maximumf %max3A_625, %max3A_643 : vector<32xbf16>
        %max3A_662 = arith.maximumf %max3A_660, %max3A_661 : vector<32xbf16>
        %bitcast3A_663 = vector.bitcast %max3A_662 : vector<32xbf16> to vector<16xi32>
        %mul3A_664 = arith.constant 256 : i32
        %mul3A_665 = arith.muli %add3A_62, %mul3A_664 : i32
        %add3A_666 = arith.addi %mul3A_665, %mul3A_93 : i32
        %swap3A_667 = arith.constant 1 : i32
        %swap3A_668 = arith.index_cast %swap3A_667 : i32 to index
        %swap3A_669 = arith.index_cast %add3A_666 : i32 to index
        %swap3A_670 = tpu.vector_load %arg7[%swap3A_668, %swap3A_669] {strides = array<i32>} : memref<4x5120xi32, #tpu.memory_space<vmem>>, vector<16xi32>,
        tpu.vector_store %arg7[%swap3A_668, %swap3A_669], %bitcast3A_663 {strides = array<i32>} : memref<4x5120xi32, #tpu.memory_space<vmem>>, vector<16xi32>,
        %max3A_671 = arith.maximumf %max3A_592, %max3A_610 : vector<32xbf16>
        %max3A_672 = arith.maximumf %max3A_628, %max3A_646 : vector<32xbf16>
        %max3A_673 = arith.maximumf %max3A_671, %max3A_672 : vector<32xbf16>
        %bitcast3A_674 = vector.bitcast %max3A_673 : vector<32xbf16> to vector<16xi32>
        %mul3A_675 = arith.constant 256 : i32
        %mul3A_676 = arith.muli %add3A_62, %mul3A_675 : i32
        %add3A_677 = arith.addi %mul3A_676, %mul3A_93 : i32
        %swap3A_678 = arith.constant 2 : i32
        %swap3A_679 = arith.index_cast %swap3A_678 : i32 to index
        %swap3A_680 = arith.index_cast %add3A_677 : i32 to index
        %swap3A_681 = tpu.vector_load %arg7[%swap3A_679, %swap3A_680] {strides = array<i32>} : memref<4x5120xi32, #tpu.memory_space<vmem>>, vector<16xi32>,
        tpu.vector_store %arg7[%swap3A_679, %swap3A_680], %bitcast3A_674 {strides = array<i32>} : memref<4x5120xi32, #tpu.memory_space<vmem>>, vector<16xi32>,
        %max3A_682 = arith.maximumf %max3A_595, %max3A_613 : vector<32xbf16>
        %max3A_683 = arith.maximumf %max3A_631, %max3A_649 : vector<32xbf16>
        %max3A_684 = arith.maximumf %max3A_682, %max3A_683 : vector<32xbf16>
        %bitcast3A_685 = vector.bitcast %max3A_684 : vector<32xbf16> to vector<16xi32>
        %mul3A_686 = arith.constant 256 : i32
        %mul3A_687 = arith.muli %add3A_62, %mul3A_686 : i32
        %add3A_688 = arith.addi %mul3A_687, %mul3A_93 : i32
        %swap3A_689 = arith.constant 3 : i32
        %swap3A_690 = arith.index_cast %swap3A_689 : i32 to index
        %swap3A_691 = arith.index_cast %add3A_688 : i32 to index
        %swap3A_692 = tpu.vector_load %arg7[%swap3A_690, %swap3A_691] {strides = array<i32>} : memref<4x5120xi32, #tpu.memory_space<vmem>>, vector<16xi32>,
        tpu.vector_store %arg7[%swap3A_690, %swap3A_691], %bitcast3A_685 {strides = array<i32>} : memref<4x5120xi32, #tpu.memory_space<vmem>>, vector<16xi32>,
      }
      %scan3A_90 = arith.constant 16 : i32
    }
    %scan3A_27 = arith.constant 10 : i32
    %mul3A_28 = arith.constant 4 : i32
    %mul3A_29 = arith.muli %arg1, %mul3A_28 : i32
    "tpu.region"() ({
      %run_scoped3A = tpu.sem_alloc : memref<!tpu.dma_semaphore, #tpu.memory_space<semaphore_mem>>
      %dma_start3A_30 = tpu.memref_slice %arg4[%mul3A_29, %mul3A_0] : memref<64x10240xi32, #tpu.memory_space<hbm>> -> memref<4x5120xi32, #tpu.memory_space<hbm>>
      %dma_start3A_31 = tpu.memref_slice %arg4[%mul3A_29, %mul3A_0] : memref<64x10240xi32, #tpu.memory_space<hbm>> -> memref<4x5120xi32, #tpu.memory_space<hbm>>
      tpu.enqueue_dma source(%arg7 : memref<4x5120xi32, #tpu.memory_space<vmem>>) target(%dma_start3A_31 : memref<4x5120xi32, #tpu.memory_space<hbm>>) target_semaphore(%run_scoped3A : memref<!tpu.dma_semaphore, #tpu.memory_space<semaphore_mem>>)
      %dma_wait3A = tpu.memref_slice %arg4[%mul3A_29, %mul3A_0] : memref<64x10240xi32, #tpu.memory_space<hbm>> -> memref<4x5120xi32, #tpu.memory_space<hbm>>
      %dma_wait3A_32 = tpu.memref_slice %arg4[%mul3A_29, %mul3A_0] : memref<64x10240xi32, #tpu.memory_space<hbm>> -> memref<4x5120xi32, #tpu.memory_space<hbm>>
      tpu.wait_dma2 semaphore(%run_scoped3A : memref<!tpu.dma_semaphore, #tpu.memory_space<semaphore_mem>>) src(%arg7 : memref<4x5120xi32, #tpu.memory_space<vmem>>) dst(%dma_wait3A_32 : memref<4x5120xi32, #tpu.memory_space<hbm>>)
      tpu.yield
    }) : () -> ()
    return
  }
}

module attributes {stable_mosaic.version = 14 : i64} {
  func.func @_tc_mid_body(%arg0: memref<10000x128xf32, #tpu.memory_space<vmem>>, %arg1: memref<128x128xf32, #tpu.memory_space<vmem>>, %arg2: memref<1x128xf32, #tpu.memory_space<vmem>>, %arg3: memref<1x128xf32, #tpu.memory_space<vmem>>, %arg4: memref<128x128xf32, #tpu.memory_space<vmem>>, %arg5: memref<1x128xf32, #tpu.memory_space<vmem>>, %arg6: memref<1x128xf32, #tpu.memory_space<vmem>>, %arg7: memref<1x128xf32, #tpu.memory_space<vmem>>, %arg8: memref<128x128xf32, #tpu.memory_space<vmem>>, %arg9: memref<1x128xf32, #tpu.memory_space<vmem>>, %arg10: memref<1x128xf32, #tpu.memory_space<vmem>>, %arg11: memref<1x128xf32, #tpu.memory_space<vmem>>, %arg12: memref<32x10000xf32, #tpu.memory_space<vmem>>, %arg13: memref<64x10000xi32, #tpu.memory_space<vmem>>) attributes {dimension_semantics = [], scalar_prefetch = 0 : i64, scratch_operands = 0 : i64, tpu.core_type = #tpu.core_type<tc>} {
    %get3A = arith.constant 0 : index
    %get3A_0 = arith.constant 0 : index
    %get3A_1 = vector.load %arg0[%get3A, %get3A_0] : memref<10000x128xf32, #tpu.memory_space<vmem>>, vector<10000x128xf32>
    %get3A_2 = arith.constant 0 : index
    %get3A_3 = arith.constant 0 : index
    %get3A_4 = vector.load %arg1[%get3A_2, %get3A_3] : memref<128x128xf32, #tpu.memory_space<vmem>>, vector<128x128xf32>
    %dot_general3A = arith.constant dense<0.000000e+00> : vector<10000x128xf32>
    %dot_general3A_5 = tpu.matmul %get3A_1, %get3A_4, %dot_general3A {dimension_numbers = #tpu.dot_dimension_numbers<[1], [0], [0], [1], [0, 0, 1, 1], [], []>, transpose_lhs_hint = false} : vector<10000x128xf32>, vector<128x128xf32>, vector<10000x128xf32> -> vector<10000x128xf32>
    %reduce_sum3A = arith.constant dense<0.000000e+00> : vector<128xf32>
    %reduce_sum3A_6 = vector.multi_reduction <add>, %dot_general3A_5, %reduce_sum3A [0] : vector<10000x128xf32> to vector<128xf32>
    %broadcast_in_dim3A = vector.shape_cast %reduce_sum3A_6 : vector<128xf32> to vector<1x128xf32>
    %div3A = arith.constant 1.000000e+04 : f32
    %div3A_7 = vector.broadcast %div3A : f32 to vector<1x128xf32>
    %div3A_8 = arith.divf %broadcast_in_dim3A, %div3A_7 : vector<1x128xf32>
    %sub3A = vector.broadcast %div3A_8 : vector<1x128xf32> to vector<10000x128xf32>
    %sub3A_9 = arith.subf %dot_general3A_5, %sub3A : vector<10000x128xf32>
    %integer_pow3A = arith.mulf %sub3A_9, %sub3A_9 : vector<10000x128xf32>
    %reduce_sum3A_10 = arith.constant dense<0.000000e+00> : vector<128xf32>
    %reduce_sum3A_11 = vector.multi_reduction <add>, %integer_pow3A, %reduce_sum3A_10 [0] : vector<10000x128xf32> to vector<128xf32>
    %broadcast_in_dim3A_12 = vector.shape_cast %reduce_sum3A_11 : vector<128xf32> to vector<1x128xf32>
    %div3A_13 = arith.constant 1.000000e+04 : f32
    %div3A_14 = vector.broadcast %div3A_13 : f32 to vector<1x128xf32>
    %div3A_15 = arith.divf %broadcast_in_dim3A_12, %div3A_14 : vector<1x128xf32>
    %get3A_16 = arith.constant 0 : index
    %get3A_17 = arith.constant 0 : index
    %get3A_18 = vector.load %arg2[%get3A_16, %get3A_17] : memref<1x128xf32, #tpu.memory_space<vmem>>, vector<1x128xf32>
    %get3A_19 = arith.constant 0 : index
    %get3A_20 = arith.constant 0 : index
    %get3A_21 = vector.load %arg3[%get3A_19, %get3A_20] : memref<1x128xf32, #tpu.memory_space<vmem>>, vector<1x128xf32>
    %sub3A_22 = vector.broadcast %div3A_8 : vector<1x128xf32> to vector<10000x128xf32>
    %sub3A_23 = arith.subf %dot_general3A_5, %sub3A_22 : vector<10000x128xf32>
    %add3A = arith.constant 9.99999974E-6 : f32
    %add3A_24 = vector.broadcast %add3A : f32 to vector<1x128xf32>
    %add3A_25 = arith.addf %div3A_15, %add3A_24 : vector<1x128xf32>
    %rsqrt3A = math.rsqrt %add3A_25 : vector<1x128xf32>
    %mul3A = vector.broadcast %rsqrt3A : vector<1x128xf32> to vector<10000x128xf32>
    %mul3A_26 = arith.mulf %sub3A_23, %mul3A : vector<10000x128xf32>
    %mul3A_27 = vector.broadcast %get3A_18 : vector<1x128xf32> to vector<10000x128xf32>
    %mul3A_28 = arith.mulf %mul3A_26, %mul3A_27 : vector<10000x128xf32>
    %add3A_29 = vector.broadcast %get3A_21 : vector<1x128xf32> to vector<10000x128xf32>
    %add3A_30 = arith.addf %mul3A_28, %add3A_29 : vector<10000x128xf32>
    %max3A = arith.constant 0.000000e+00 : f32
    %max3A_31 = vector.broadcast %max3A : f32 to vector<10000x128xf32>
    %max3A_32 = arith.maximumf %add3A_30, %max3A_31 : vector<10000x128xf32>
    %get3A_33 = arith.constant 0 : index
    %get3A_34 = arith.constant 0 : index
    %get3A_35 = vector.load %arg4[%get3A_33, %get3A_34] : memref<128x128xf32, #tpu.memory_space<vmem>>, vector<128x128xf32>
    %dot_general3A_36 = arith.constant dense<0.000000e+00> : vector<10000x128xf32>
    %dot_general3A_37 = tpu.matmul %max3A_32, %get3A_35, %dot_general3A_36 {dimension_numbers = #tpu.dot_dimension_numbers<[1], [0], [0], [1], [0, 0, 1, 1], [], []>, transpose_lhs_hint = false} : vector<10000x128xf32>, vector<128x128xf32>, vector<10000x128xf32> -> vector<10000x128xf32>
    %get3A_38 = arith.constant 0 : index
    %get3A_39 = arith.constant 0 : index
    %get3A_40 = vector.load %arg5[%get3A_38, %get3A_39] : memref<1x128xf32, #tpu.memory_space<vmem>>, vector<1x128xf32>
    %add3A_41 = vector.broadcast %get3A_40 : vector<1x128xf32> to vector<10000x128xf32>
    %add3A_42 = arith.addf %dot_general3A_37, %add3A_41 : vector<10000x128xf32>
    %get3A_43 = arith.constant 0 : index
    %get3A_44 = arith.constant 0 : index
    %get3A_45 = vector.load %arg12[%get3A_43, %get3A_44] : memref<32x10000xf32, #tpu.memory_space<vmem>>, vector<32x10000xf32>
    %reduce_sum3A_46 = arith.constant dense<0.000000e+00> : vector<10000xf32>
    %reduce_sum3A_47 = vector.multi_reduction <add>, %get3A_45, %reduce_sum3A_46 [0] : vector<32x10000xf32> to vector<10000xf32>
    %broadcast_in_dim3A_48 = vector.shape_cast %reduce_sum3A_47 : vector<10000xf32> to vector<1x10000xf32>
    %dot_general3A_49 = arith.constant dense<0.000000e+00> : vector<1x128xf32>
    %dot_general3A_50 = tpu.matmul %broadcast_in_dim3A_48, %add3A_42, %dot_general3A_49 {dimension_numbers = #tpu.dot_dimension_numbers<[1], [0], [0], [1], [0, 0, 1, 1], [], []>, transpose_lhs_hint = false} : vector<1x10000xf32>, vector<10000x128xf32>, vector<1x128xf32> -> vector<1x128xf32>
    %div3A_51 = arith.constant 3.200000e+05 : f32
    %div3A_52 = vector.broadcast %div3A_51 : f32 to vector<1x128xf32>
    %div3A_53 = arith.divf %dot_general3A_50, %div3A_52 : vector<1x128xf32>
    %sub3A_54 = vector.broadcast %div3A_53 : vector<1x128xf32> to vector<10000x128xf32>
    %sub3A_55 = arith.subf %add3A_42, %sub3A_54 : vector<10000x128xf32>
    %integer_pow3A_56 = arith.mulf %sub3A_55, %sub3A_55 : vector<10000x128xf32>
    %dot_general3A_57 = arith.constant dense<0.000000e+00> : vector<1x128xf32>
    %dot_general3A_58 = tpu.matmul %broadcast_in_dim3A_48, %integer_pow3A_56, %dot_general3A_57 {dimension_numbers = #tpu.dot_dimension_numbers<[1], [0], [0], [1], [0, 0, 1, 1], [], []>, transpose_lhs_hint = false} : vector<1x10000xf32>, vector<10000x128xf32>, vector<1x128xf32> -> vector<1x128xf32>
    %div3A_59 = arith.constant 3.200000e+05 : f32
    %div3A_60 = vector.broadcast %div3A_59 : f32 to vector<1x128xf32>
    %div3A_61 = arith.divf %dot_general3A_58, %div3A_60 : vector<1x128xf32>
    %get3A_62 = arith.constant 0 : index
    %get3A_63 = arith.constant 0 : index
    %get3A_64 = vector.load %arg6[%get3A_62, %get3A_63] : memref<1x128xf32, #tpu.memory_space<vmem>>, vector<1x128xf32>
    %get3A_65 = arith.constant 0 : index
    %get3A_66 = arith.constant 0 : index
    %get3A_67 = vector.load %arg7[%get3A_65, %get3A_66] : memref<1x128xf32, #tpu.memory_space<vmem>>, vector<1x128xf32>
    %sub3A_68 = vector.broadcast %div3A_53 : vector<1x128xf32> to vector<10000x128xf32>
    %sub3A_69 = arith.subf %add3A_42, %sub3A_68 : vector<10000x128xf32>
    %add3A_70 = arith.constant 9.99999974E-6 : f32
    %add3A_71 = vector.broadcast %add3A_70 : f32 to vector<1x128xf32>
    %add3A_72 = arith.addf %div3A_61, %add3A_71 : vector<1x128xf32>
    %rsqrt3A_73 = math.rsqrt %add3A_72 : vector<1x128xf32>
    %mul3A_74 = vector.broadcast %rsqrt3A_73 : vector<1x128xf32> to vector<10000x128xf32>
    %mul3A_75 = arith.mulf %sub3A_69, %mul3A_74 : vector<10000x128xf32>
    %mul3A_76 = vector.broadcast %get3A_64 : vector<1x128xf32> to vector<10000x128xf32>
    %mul3A_77 = arith.mulf %mul3A_75, %mul3A_76 : vector<10000x128xf32>
    %add3A_78 = vector.broadcast %get3A_67 : vector<1x128xf32> to vector<10000x128xf32>
    %add3A_79 = arith.addf %mul3A_77, %add3A_78 : vector<10000x128xf32>
    %max3A_80 = arith.constant 0.000000e+00 : f32
    %max3A_81 = vector.broadcast %max3A_80 : f32 to vector<10000x128xf32>
    %max3A_82 = arith.maximumf %add3A_79, %max3A_81 : vector<10000x128xf32>
    %get3A_83 = arith.constant 0 : index
    %get3A_84 = arith.constant 0 : index
    %get3A_85 = vector.load %arg8[%get3A_83, %get3A_84] : memref<128x128xf32, #tpu.memory_space<vmem>>, vector<128x128xf32>
    %dot_general3A_86 = arith.constant dense<0.000000e+00> : vector<10000x128xf32>
    %dot_general3A_87 = tpu.matmul %max3A_82, %get3A_85, %dot_general3A_86 {dimension_numbers = #tpu.dot_dimension_numbers<[1], [0], [0], [1], [0, 0, 1, 1], [], []>, transpose_lhs_hint = false} : vector<10000x128xf32>, vector<128x128xf32>, vector<10000x128xf32> -> vector<10000x128xf32>
    %get3A_88 = arith.constant 0 : index
    %get3A_89 = arith.constant 0 : index
    %get3A_90 = vector.load %arg9[%get3A_88, %get3A_89] : memref<1x128xf32, #tpu.memory_space<vmem>>, vector<1x128xf32>
    %add3A_91 = vector.broadcast %get3A_90 : vector<1x128xf32> to vector<10000x128xf32>
    %add3A_92 = arith.addf %dot_general3A_87, %add3A_91 : vector<10000x128xf32>
    %dot_general3A_93 = arith.constant dense<0.000000e+00> : vector<1x128xf32>
    %dot_general3A_94 = tpu.matmul %broadcast_in_dim3A_48, %add3A_92, %dot_general3A_93 {dimension_numbers = #tpu.dot_dimension_numbers<[1], [0], [0], [1], [0, 0, 1, 1], [], []>, transpose_lhs_hint = false} : vector<1x10000xf32>, vector<10000x128xf32>, vector<1x128xf32> -> vector<1x128xf32>
    %div3A_95 = arith.constant 3.200000e+05 : f32
    %div3A_96 = vector.broadcast %div3A_95 : f32 to vector<1x128xf32>
    %div3A_97 = arith.divf %dot_general3A_94, %div3A_96 : vector<1x128xf32>
    %sub3A_98 = vector.broadcast %div3A_97 : vector<1x128xf32> to vector<10000x128xf32>
    %sub3A_99 = arith.subf %add3A_92, %sub3A_98 : vector<10000x128xf32>
    %integer_pow3A_100 = arith.mulf %sub3A_99, %sub3A_99 : vector<10000x128xf32>
    %dot_general3A_101 = arith.constant dense<0.000000e+00> : vector<1x128xf32>
    %dot_general3A_102 = tpu.matmul %broadcast_in_dim3A_48, %integer_pow3A_100, %dot_general3A_101 {dimension_numbers = #tpu.dot_dimension_numbers<[1], [0], [0], [1], [0, 0, 1, 1], [], []>, transpose_lhs_hint = false} : vector<1x10000xf32>, vector<10000x128xf32>, vector<1x128xf32> -> vector<1x128xf32>
    %div3A_103 = arith.constant 3.200000e+05 : f32
    %div3A_104 = vector.broadcast %div3A_103 : f32 to vector<1x128xf32>
    %div3A_105 = arith.divf %dot_general3A_102, %div3A_104 : vector<1x128xf32>
    %get3A_106 = arith.constant 0 : index
    %get3A_107 = arith.constant 0 : index
    %get3A_108 = vector.load %arg10[%get3A_106, %get3A_107] : memref<1x128xf32, #tpu.memory_space<vmem>>, vector<1x128xf32>
    %get3A_109 = arith.constant 0 : index
    %get3A_110 = arith.constant 0 : index
    %get3A_111 = vector.load %arg11[%get3A_109, %get3A_110] : memref<1x128xf32, #tpu.memory_space<vmem>>, vector<1x128xf32>
    %sub3A_112 = vector.broadcast %div3A_97 : vector<1x128xf32> to vector<10000x128xf32>
    %sub3A_113 = arith.subf %add3A_92, %sub3A_112 : vector<10000x128xf32>
    %add3A_114 = arith.constant 9.99999974E-6 : f32
    %add3A_115 = vector.broadcast %add3A_114 : f32 to vector<1x128xf32>
    %add3A_116 = arith.addf %div3A_105, %add3A_115 : vector<1x128xf32>
    %rsqrt3A_117 = math.rsqrt %add3A_116 : vector<1x128xf32>
    %mul3A_118 = vector.broadcast %rsqrt3A_117 : vector<1x128xf32> to vector<10000x128xf32>
    %mul3A_119 = arith.mulf %sub3A_113, %mul3A_118 : vector<10000x128xf32>
    %mul3A_120 = vector.broadcast %get3A_108 : vector<1x128xf32> to vector<10000x128xf32>
    %mul3A_121 = arith.mulf %mul3A_119, %mul3A_120 : vector<10000x128xf32>
    %add3A_122 = vector.broadcast %get3A_111 : vector<1x128xf32> to vector<10000x128xf32>
    %add3A_123 = arith.addf %mul3A_121, %add3A_122 : vector<10000x128xf32>
    %max3A_124 = arith.constant 0.000000e+00 : f32
    %max3A_125 = vector.broadcast %max3A_124 : f32 to vector<10000x128xf32>
    %max3A_126 = arith.maximumf %add3A_123, %max3A_125 : vector<10000x128xf32>
    %reduce_max3A = arith.constant dense<0xFF800000> : vector<128xf32>
    %reduce_max3A_127 = vector.multi_reduction <maximumf>, %max3A_126, %reduce_max3A [0] : vector<10000x128xf32> to vector<128xf32>
    %broadcast_in_dim3A_128 = vector.shape_cast %reduce_max3A_127 : vector<128xf32> to vector<1x128xf32>
    %sub3A_129 = vector.broadcast %broadcast_in_dim3A_128 : vector<1x128xf32> to vector<10000x128xf32>
    %sub3A_130 = arith.subf %max3A_126, %sub3A_129 : vector<10000x128xf32>
    %convert_element_type3A = arith.truncf %sub3A_130 : vector<10000x128xf32> to vector<10000x128xbf16>
    %slice3A = vector.extract_strided_slice %convert_element_type3A {offsets = [0, 0], sizes = [10000, 64], strides = [1, 1]} : vector<10000x128xbf16> to vector<10000x64xbf16>
    %bitcast_convert_type3A = tpu.bitcast %slice3A : vector<10000x64xbf16> -> vector<10000x64xi16>
    %convert_element_type3A_131 = arith.extui %bitcast_convert_type3A : vector<10000x64xi16> to vector<10000x64xi32>
    %slice3A_132 = vector.extract_strided_slice %convert_element_type3A {offsets = [0, 64], sizes = [10000, 64], strides = [1, 1]} : vector<10000x128xbf16> to vector<10000x64xbf16>
    %bitcast_convert_type3A_133 = tpu.bitcast %slice3A_132 : vector<10000x64xbf16> -> vector<10000x64xi16>
    %convert_element_type3A_134 = arith.extui %bitcast_convert_type3A_133 : vector<10000x64xi16> to vector<10000x64xi32>
    %shift_left3A = arith.constant 16 : i32
    %shift_left3A_135 = vector.broadcast %shift_left3A : i32 to vector<10000x64xi32>
    %shift_left3A_136 = arith.shli %convert_element_type3A_134, %shift_left3A_135 : vector<10000x64xi32>
    %or3A = arith.ori %convert_element_type3A_131, %shift_left3A_136 : vector<10000x64xi32>
    %bitcast_convert_type3A_137 = tpu.bitcast %or3A : vector<10000x64xi32> -> vector<10000x64xi32>
    %transpose3A = tpu.transpose %bitcast_convert_type3A_137, [1, 0] : vector<10000x64xi32> -> vector<64x10000xi32>
    %swap3A = arith.constant 0 : index
    %swap3A_138 = arith.constant 0 : index
    %swap3A_139 = vector.load %arg13[%swap3A, %swap3A_138] : memref<64x10000xi32, #tpu.memory_space<vmem>>, vector<64x10000xi32>
    tpu.vector_store %arg13[%swap3A, %swap3A_138], %transpose3A {strides = array<i32>} : memref<64x10000xi32, #tpu.memory_space<vmem>>, vector<64x10000xi32>,
    return
  }
}

module attributes {stable_mosaic.version = 14 : i64} {
  func.func @_tc_tail_body(%arg0: memref<64x10240xi32, #tpu.memory_space<vmem>>, %arg1: memref<10000x128xf32, #tpu.memory_space<vmem>>, %arg2: memref<1x128xf32, #tpu.memory_space<vmem>>, %arg3: memref<1x128xf32, #tpu.memory_space<vmem>>, %arg4: memref<128x128xf32, #tpu.memory_space<vmem>>, %arg5: memref<1x128xf32, #tpu.memory_space<vmem>>, %arg6: memref<1x128xf32, #tpu.memory_space<vmem>>, %arg7: memref<10000x128xf32, #tpu.memory_space<vmem>>) attributes {dimension_semantics = [], scalar_prefetch = 0 : i64, scratch_operands = 0 : i64, tpu.core_type = #tpu.core_type<tc>} {
    %get3A = arith.constant 0 : index
    %get3A_0 = arith.constant 0 : index
    %get3A_1 = vector.load %arg0[%get3A, %get3A_0] : memref<64x10240xi32, #tpu.memory_space<vmem>>, vector<64x10240xi32>
    %transpose3A = tpu.transpose %get3A_1, [1, 0] : vector<64x10240xi32> -> vector<10240x64xi32>
    %slice3A = vector.extract_strided_slice %transpose3A {offsets = [0, 0], sizes = [10000, 64], strides = [1, 1]} : vector<10240x64xi32> to vector<10000x64xi32>
    %bitcast_convert_type3A = tpu.bitcast %slice3A : vector<10000x64xi32> -> vector<10000x64xi32>
    %and3A = arith.constant 65535 : i32
    %and3A_2 = vector.broadcast %and3A : i32 to vector<10000x64xi32>
    %and3A_3 = arith.andi %bitcast_convert_type3A, %and3A_2 : vector<10000x64xi32>
    %convert_element_type3A = arith.trunci %and3A_3 : vector<10000x64xi32> to vector<10000x64xi16>
    %bitcast_convert_type3A_4 = tpu.bitcast %convert_element_type3A : vector<10000x64xi16> -> vector<10000x64xbf16>
    %shift_right_logical3A = arith.constant 16 : i32
    %shift_right_logical3A_5 = vector.broadcast %shift_right_logical3A : i32 to vector<10000x64xi32>
    %shift_right_logical3A_6 = arith.shrui %bitcast_convert_type3A, %shift_right_logical3A_5 : vector<10000x64xi32>
    %convert_element_type3A_7 = arith.trunci %shift_right_logical3A_6 : vector<10000x64xi32> to vector<10000x64xi16>
    %bitcast_convert_type3A_8 = tpu.bitcast %convert_element_type3A_7 : vector<10000x64xi16> -> vector<10000x64xbf16>
    %convert_element_type3A_9 = arith.extf %bitcast_convert_type3A_4 : vector<10000x64xbf16> to vector<10000x64xf32>
    %convert_element_type3A_10 = arith.extf %bitcast_convert_type3A_8 : vector<10000x64xbf16> to vector<10000x64xf32>
    %concatenate3A = tpu.concatenate %convert_element_type3A_9, %convert_element_type3A_10 in 1 : vector<10000x64xf32>, vector<10000x64xf32> -> vector<10000x128xf32>
    %reduce_sum3A = arith.constant dense<0.000000e+00> : vector<128xf32>
    %reduce_sum3A_11 = vector.multi_reduction <add>, %concatenate3A, %reduce_sum3A [0] : vector<10000x128xf32> to vector<128xf32>
    %broadcast_in_dim3A = vector.shape_cast %reduce_sum3A_11 : vector<128xf32> to vector<1x128xf32>
    %div3A = arith.constant 1.000000e+04 : f32
    %div3A_12 = vector.broadcast %div3A : f32 to vector<1x128xf32>
    %div3A_13 = arith.divf %broadcast_in_dim3A, %div3A_12 : vector<1x128xf32>
    %sub3A = vector.broadcast %div3A_13 : vector<1x128xf32> to vector<10000x128xf32>
    %sub3A_14 = arith.subf %concatenate3A, %sub3A : vector<10000x128xf32>
    %integer_pow3A = arith.mulf %sub3A_14, %sub3A_14 : vector<10000x128xf32>
    %reduce_sum3A_15 = arith.constant dense<0.000000e+00> : vector<128xf32>
    %reduce_sum3A_16 = vector.multi_reduction <add>, %integer_pow3A, %reduce_sum3A_15 [0] : vector<10000x128xf32> to vector<128xf32>
    %broadcast_in_dim3A_17 = vector.shape_cast %reduce_sum3A_16 : vector<128xf32> to vector<1x128xf32>
    %div3A_18 = arith.constant 1.000000e+04 : f32
    %div3A_19 = vector.broadcast %div3A_18 : f32 to vector<1x128xf32>
    %div3A_20 = arith.divf %broadcast_in_dim3A_17, %div3A_19 : vector<1x128xf32>
    %get3A_21 = arith.constant 0 : index
    %get3A_22 = arith.constant 0 : index
    %get3A_23 = vector.load %arg2[%get3A_21, %get3A_22] : memref<1x128xf32, #tpu.memory_space<vmem>>, vector<1x128xf32>
    %get3A_24 = arith.constant 0 : index
    %get3A_25 = arith.constant 0 : index
    %get3A_26 = vector.load %arg3[%get3A_24, %get3A_25] : memref<1x128xf32, #tpu.memory_space<vmem>>, vector<1x128xf32>
    %sub3A_27 = vector.broadcast %div3A_13 : vector<1x128xf32> to vector<10000x128xf32>
    %sub3A_28 = arith.subf %concatenate3A, %sub3A_27 : vector<10000x128xf32>
    %add3A = arith.constant 9.99999974E-6 : f32
    %add3A_29 = vector.broadcast %add3A : f32 to vector<1x128xf32>
    %add3A_30 = arith.addf %div3A_20, %add3A_29 : vector<1x128xf32>
    %rsqrt3A = math.rsqrt %add3A_30 : vector<1x128xf32>
    %mul3A = vector.broadcast %rsqrt3A : vector<1x128xf32> to vector<10000x128xf32>
    %mul3A_31 = arith.mulf %sub3A_28, %mul3A : vector<10000x128xf32>
    %mul3A_32 = vector.broadcast %get3A_23 : vector<1x128xf32> to vector<10000x128xf32>
    %mul3A_33 = arith.mulf %mul3A_31, %mul3A_32 : vector<10000x128xf32>
    %add3A_34 = vector.broadcast %get3A_26 : vector<1x128xf32> to vector<10000x128xf32>
    %add3A_35 = arith.addf %mul3A_33, %add3A_34 : vector<10000x128xf32>
    %max3A = arith.constant 0.000000e+00 : f32
    %max3A_36 = vector.broadcast %max3A : f32 to vector<10000x128xf32>
    %max3A_37 = arith.maximumf %add3A_35, %max3A_36 : vector<10000x128xf32>
    %get3A_38 = arith.constant 0 : index
    %get3A_39 = arith.constant 0 : index
    %get3A_40 = vector.load %arg4[%get3A_38, %get3A_39] : memref<128x128xf32, #tpu.memory_space<vmem>>, vector<128x128xf32>
    %dot_general3A = arith.constant dense<0.000000e+00> : vector<10000x128xf32>
    %dot_general3A_41 = tpu.matmul %max3A_37, %get3A_40, %dot_general3A {dimension_numbers = #tpu.dot_dimension_numbers<[1], [0], [0], [1], [0, 0, 1, 1], [], []>, transpose_lhs_hint = false} : vector<10000x128xf32>, vector<128x128xf32>, vector<10000x128xf32> -> vector<10000x128xf32>
    %reduce_sum3A_42 = arith.constant dense<0.000000e+00> : vector<128xf32>
    %reduce_sum3A_43 = vector.multi_reduction <add>, %dot_general3A_41, %reduce_sum3A_42 [0] : vector<10000x128xf32> to vector<128xf32>
    %broadcast_in_dim3A_44 = vector.shape_cast %reduce_sum3A_43 : vector<128xf32> to vector<1x128xf32>
    %div3A_45 = arith.constant 1.000000e+04 : f32
    %div3A_46 = vector.broadcast %div3A_45 : f32 to vector<1x128xf32>
    %div3A_47 = arith.divf %broadcast_in_dim3A_44, %div3A_46 : vector<1x128xf32>
    %sub3A_48 = vector.broadcast %div3A_47 : vector<1x128xf32> to vector<10000x128xf32>
    %sub3A_49 = arith.subf %dot_general3A_41, %sub3A_48 : vector<10000x128xf32>
    %integer_pow3A_50 = arith.mulf %sub3A_49, %sub3A_49 : vector<10000x128xf32>
    %reduce_sum3A_51 = arith.constant dense<0.000000e+00> : vector<128xf32>
    %reduce_sum3A_52 = vector.multi_reduction <add>, %integer_pow3A_50, %reduce_sum3A_51 [0] : vector<10000x128xf32> to vector<128xf32>
    %broadcast_in_dim3A_53 = vector.shape_cast %reduce_sum3A_52 : vector<128xf32> to vector<1x128xf32>
    %div3A_54 = arith.constant 1.000000e+04 : f32
    %div3A_55 = vector.broadcast %div3A_54 : f32 to vector<1x128xf32>
    %div3A_56 = arith.divf %broadcast_in_dim3A_53, %div3A_55 : vector<1x128xf32>
    %get3A_57 = arith.constant 0 : index
    %get3A_58 = arith.constant 0 : index
    %get3A_59 = vector.load %arg1[%get3A_57, %get3A_58] : memref<10000x128xf32, #tpu.memory_space<vmem>>, vector<10000x128xf32>
    %get3A_60 = arith.constant 0 : index
    %get3A_61 = arith.constant 0 : index
    %get3A_62 = vector.load %arg5[%get3A_60, %get3A_61] : memref<1x128xf32, #tpu.memory_space<vmem>>, vector<1x128xf32>
    %get3A_63 = arith.constant 0 : index
    %get3A_64 = arith.constant 0 : index
    %get3A_65 = vector.load %arg6[%get3A_63, %get3A_64] : memref<1x128xf32, #tpu.memory_space<vmem>>, vector<1x128xf32>
    %sub3A_66 = vector.broadcast %div3A_47 : vector<1x128xf32> to vector<10000x128xf32>
    %sub3A_67 = arith.subf %dot_general3A_41, %sub3A_66 : vector<10000x128xf32>
    %add3A_68 = arith.constant 9.99999974E-6 : f32
    %add3A_69 = vector.broadcast %add3A_68 : f32 to vector<1x128xf32>
    %add3A_70 = arith.addf %div3A_56, %add3A_69 : vector<1x128xf32>
    %rsqrt3A_71 = math.rsqrt %add3A_70 : vector<1x128xf32>
    %mul3A_72 = vector.broadcast %rsqrt3A_71 : vector<1x128xf32> to vector<10000x128xf32>
    %mul3A_73 = arith.mulf %sub3A_67, %mul3A_72 : vector<10000x128xf32>
    %mul3A_74 = vector.broadcast %get3A_62 : vector<1x128xf32> to vector<10000x128xf32>
    %mul3A_75 = arith.mulf %mul3A_73, %mul3A_74 : vector<10000x128xf32>
    %add3A_76 = vector.broadcast %get3A_65 : vector<1x128xf32> to vector<10000x128xf32>
    %add3A_77 = arith.addf %mul3A_75, %add3A_76 : vector<10000x128xf32>
    %add3A_78 = arith.addf %get3A_59, %add3A_77 : vector<10000x128xf32>
    %max3A_79 = arith.constant 0.000000e+00 : f32
    %max3A_80 = vector.broadcast %max3A_79 : f32 to vector<10000x128xf32>
    %max3A_81 = arith.maximumf %add3A_78, %max3A_80 : vector<10000x128xf32>
    %swap3A = arith.constant 0 : index
    %swap3A_82 = arith.constant 0 : index
    %swap3A_83 = vector.load %arg7[%swap3A, %swap3A_82] : memref<10000x128xf32, #tpu.memory_space<vmem>>, vector<10000x128xf32>
    tpu.vector_store %arg7[%swap3A, %swap3A_82], %max3A_81 {strides = array<i32>} : memref<10000x128xf32, #tpu.memory_space<vmem>>, vector<10000x128xf32>,
    return
  }
}

</mosaic_0001>

<sc_bundles>
// kernel: kernel.6.cloned.1.call-start
scs
__scs_entry_jumppad:
0x0: {  	(pc) =	sbr.rel $0x88, $3  }
0x1: {  	(tag) =	ssettag $0x0;
	lr =	simm.s32 $0x1  }
0x2: {  	[smem:$0x3F8F] =	sst lr;
	_ =	strace $0xD0000000  }
0x3: {  	_ = 	snop  }
0x4: {  	_ = 	snop  }
0x5: {  	_ = 	snop  }
0x6: {  	_ = 	snop  }
0x7: {  	_ = 	snop  }
__scs_overlays_trampoline_lowered:
0x8: {  	[smem:$0x3F9E] =	sst s0  }
0x9: {  	[smem:$0x3F9F] =	sst s1  }
0xa: {  	[smem:$0x3FA0] =	sst s2  }
0xb: {  	[smem:$0x3FA1] =	sst s3  }
0xc: {  	[smem:$0x3FA2] =	sst s4  }
0xd: {  	[smem:$0x3FA3] =	sst s5  }
0xe: {  	[smem:$0x3FA4] =	sst s6  }
0xf: {  	[smem:$0x3FA5] =	sst s7  }
0x10: {  	[smem:$0x3FA6] =	sst s8  }
0x11: {  	[smem:$0x3FA7] =	sst s9;
	s0 =	simm.s32 @!p0 $0x0  }
0x12: {  	s1 =	sld [smem:$0x3F8D];
	s0 =	simm.s32 @p0 $0x1  }
0x13: {  	[smem:$0x3FA8] =	sst s0;
	s0 =	simm.s32 @!p1 $0x0  }
0x14: {  	s2 =	sld [smem:$0x3F8C];
	s0 =	simm.s32 @p1 $0x1  }
0x15: {  	[smem:$0x3FA9] =	sst s0;
	s0 =	simm.s32 @!p2 $0x0  }
0x16: {  	s3 =	sld [smem:$0x3FDB];
	s0 =	simm.s32 @p2 $0x1  }
0x17: {  	s4 =	simm.s32 $0x1BF5;
	[smem:$0x3FAB] =	sst s0  }
0x18: {  	s0 =	sld [smem:$0x3F8E];
	_ =	swait.ge [sflag:s4], $0x0  }
0x19: {  	s7 =	sld [smem:$0x3F8F]  }
0x1a: {  	s8 =	sadd.s32 $0xFFFFE003, lr  }
0x1b: {  	s9 =	sadd.s32 $0xFFFFFEF7, lr;
	s5 =	simm.s32 $0xFFFFFFFF;
	p2 =	slt.u32 s8, $0xFFFFF086  }
0x1c: {  	p1 =	slt.u32 s9, $0xF7A;
	s5 =	simm.s32 @!p2 $0x0  }
0x1d: {  	s5 =	simm.s32 @p1 $0x1;
	p0 =	seq.s32 s7, s2  }
0x1e: {  	s7 =	smul.u32 @!p0 $0xF7A, s2;
	p2 =	seq.s32 @!p0 s5, $0x0  }
0x1f: {  	s9 =	smul.u32 $0xF7A, s1;
	s8 =	simm.s32 @!p0 $0x1BF5;
	p2 =	por !p2, p0  }
0x20: {  	[sflag:s8] =	ssyncset.s32 @!p0 $0xFFFFF086;
	s6 =	sadd.s32 @!p0 s3, s7;
	s7 =	simm.s32 @!p0 $0x108  }
0x21: {  	s3 =	sadd.s32 s3, s9;
	s6 =	sadd.s32 @!p0 $0x88, s6;
	s7 =	simm.s32 @p2 $0x1082  }
0x22: {  	[simem:s7], [sflag:s8] =	dma.local @!p0 [hbm:s6], $0xF7A  }
0x23: {  	s9 =	sor.u32 $0xD0000000, s2;
	s6 =	simm.s32 $0x108;
	_ =	swait.ge @!p0 [sflag:s8], $0x0  }
0x24: {  	s3 =	sadd.s32 $0x88, s3;
	s6 =	simm.s32 @!p1 $0x1082;
	[sflag:s4] =	ssyncset.s32 $0xFFFFF086  }
0x25: {  	[simem:s6], [sflag:s4] =	dma.local [hbm:s3], $0xF7A  }
0x26: {  	[smem:$0x3F8F] =	sst s1;
	(tag) =	ssettag s2;
	_ =	strace s9  }
0x27: {  	s1 =	sld [smem:$0x3F9F]  }
0x28: {  	s2 =	sld [smem:$0x3FA0]  }
0x29: {  	s4 =	sld [smem:$0x3FA2]  }
0x2a: {  	p0 =	seq.s32 s5, $0x0;
	s5 =	sld [smem:$0x3FA3]  }
0x2b: {  	s6 =	sld [smem:$0x3FA4]  }
0x2c: {  	s7 =	sld [smem:$0x3FA5]  }
0x2d: {  	s3 =	simm.s32 $0x108;
	s8 =	sld [smem:$0x3FA6]  }
0x2e: {  	s3 =	simm.s32 @!p0 $0x1082;
	s9 =	sld [smem:$0x3FA7]  }
0x2f: {  	lr =	sadd.s32 s0, s3;
	s0 =	sld [smem:$0x3F9E]  }
0x30: {  	s3 =	sld [smem:$0x3FA1]  }
0x31: {  	[smem:$0x3FAA] =	sst s10  }
0x32: {  	s10 =	sld [smem:$0x3FA8];
	_ =	sdelay $0x3  }
0x33: {  	p0 =	seq.s32 s10, $0x1;
	s10 =	sld [smem:$0x3FAA];
	_ =	sdelay $0x3  }
0x34: {  	[smem:$0x3FAA] =	sst s10  }
0x35: {  	s10 =	sld [smem:$0x3FA9];
	_ =	sdelay $0x3  }
0x36: {  	p1 =	seq.s32 s10, $0x1;
	s10 =	sld [smem:$0x3FAA];
	_ =	sdelay $0x3  }
0x37: {  	[smem:$0x3FAA] =	sst s10  }
0x38: {  	s10 =	sld [smem:$0x3FAB]  }
0x39: {  	_ = 	snop;
	(pc) =	sbr.ind lr, $3  }
0x3a: {  	_ = 	snop  }
0x3b: {  	_ = 	snop  }
0x3c: {  	p2 =	seq.s32 s10, $0x1;
	s10 =	sld [smem:$0x3FAA]  }
0x3d: {  	_ =	shalt  }
0x3e: {  	_ =	shalt  }
0x3f: {  	_ =	shalt  }
0x40: {  	_ =	shalt  }
0x41: {  	_ =	shalt  }
0x42: {  	_ =	shalt  }
0x43: {  	_ =	shalt  }
0x44: {  	_ =	shalt  }
0x45: {  	_ =	shalt  }
0x46: {  	_ =	shalt  }
0x47: {  	_ =	shalt  }
0x48: {  	_ =	shalt  }
0x49: {  	_ =	shalt  }
0x4a: {  	_ =	shalt  }
0x4b: {  	_ =	shalt  }
0x4c: {  	_ =	shalt  }
0x4d: {  	_ =	shalt  }
0x4e: {  	_ =	shalt  }
0x4f: {  	_ =	shalt  }
0x50: {  	_ =	shalt  }
0x51: {  	_ =	shalt  }
0x52: {  	_ =	shalt  }
0x53: {  	_ =	shalt  }
0x54: {  	_ =	shalt  }
0x55: {  	_ =	shalt  }
0x56: {  	_ =	shalt  }
0x57: {  	_ =	shalt  }
0x58: {  	_ =	shalt  }
0x59: {  	_ =	shalt  }
0x5a: {  	_ =	shalt  }
0x5b: {  	_ =	shalt  }
0x5c: {  	_ =	shalt  }
0x5d: {  	_ =	shalt  }
0x5e: {  	_ =	shalt  }
0x5f: {  	_ =	shalt  }
0x60: {  	_ =	shalt  }
0x61: {  	_ =	shalt  }
0x62: {  	_ =	shalt  }
0x63: {  	_ =	shalt  }
0x64: {  	_ =	shalt  }
0x65: {  	_ =	shalt  }
0x66: {  	_ =	shalt  }
0x67: {  	_ =	shalt  }
0x68: {  	_ =	shalt  }
0x69: {  	_ =	shalt  }
0x6a: {  	_ =	shalt  }
0x6b: {  	_ =	shalt  }
0x6c: {  	_ =	shalt  }
0x6d: {  	_ =	shalt  }
0x6e: {  	_ =	shalt  }
0x6f: {  	_ =	shalt  }
0x70: {  	_ =	shalt  }
0x71: {  	_ =	shalt  }
0x72: {  	_ =	shalt  }
0x73: {  	_ =	shalt  }
0x74: {  	_ =	shalt  }
0x75: {  	_ =	shalt  }
0x76: {  	_ =	shalt  }
0x77: {  	_ =	shalt  }
0x78: {  	_ =	shalt  }
0x79: {  	_ =	shalt  }
0x7a: {  	_ =	shalt  }
0x7b: {  	_ =	shalt  }
0x7c: {  	_ =	shalt  }
0x7d: {  	_ =	shalt  }
0x7e: {  	_ =	shalt  }
0x7f: {  	_ =	shalt  }
0x80: {  	_ =	shalt  }
0x81: {  	_ =	shalt  }
0x82: {  	_ =	shalt  }
0x83: {  	_ =	shalt  }
0x84: {  	_ =	shalt  }
0x85: {  	_ =	shalt  }
0x86: {  	_ =	shalt  }
0x87: {  	_ =	shalt  }
.Lfunc_end0:
.L_simem_size_0:
called_computation_lowered:
.L_overlay_start_0:
0x88: {  	s2 =	sld [smem:$0x3FD9]  }
0x89: {  	s3 =	sld [smem:$0x3FFE];
	_ =	sdelay $0x1  }
0x8a: {  	s1 =	srdreg.scid  }
0x8b: {  	s0 =	sand.u32 $0x1, s1  }
0x8c: {  	s17 =	sshll.u32 s0, $0xA;
	s2 =	sadd.s32 s3, s2  }
0x8d: {  	s2 =	sadd.s32 s2, s17  }
0x8e: {  	[smem:$0x3FB6] =	sst s2  }
0x8f: {  	_ = 	snop  }
0x90: {  	s2 =	sld [smem:$0x3FD0];
	(tm) =	ssettm $0x1  }
0x91: {  	s18 =	sld [smem:$0x3FFB];
	_ =	sdelay $0x3  }
0x92: {  	_ =	strace s18  }
0x93: {  	s3 =	sld [smem:$0x3FFC];
	_ =	sdelay $0x3  }
0x94: {  	_ =	strace s3  }
0x95: {  	s3 =	sld [smem:$0x3FFD];
	_ =	sdelay $0x3  }
0x96: {  	_ =	strace s3  }
0x97: {  	_ =	strace $0x8FFFFFFF  }
0x98: {  	s19 =	sld [smem:$0x3FDB];
	_ =	sdelay $0x1  }
0x99: {  	s4 =	simm.s32 $_scs_section_size  }
0x9a: {  	s5 =	simm.s32 $_size__tile_overlayer_lowered;
	s6 =	simm.s32 $_tile_overlayer_lowered  }
0x9b: {  	s22 =	simm.s32 $0x1BFF;
	s21 =	sshll.u32 s6, $0x1;
	s3 =	sadd.s32 s4, s19  }
0x9c: {  	s7 =	simm.s32 $0x0;
	s20 =	sshll.u32 s5, $0x1;
	s5 =	sadd.s32 s21, s3  }
0x9d: {  	[timem:s7], [sflag:s22] =	dma.local [hbm:s5], s20  }
0x9e: {  	_ =	swait.ge [sflag:s22], s20  }
0x9f: {  	s4 =	ssub.s32 $0x0, s20;
	[sflag:s22] =	ssyncset.done $0x0  }
0xa0: {  	[sflag:s22] =	ssyncadd.s32 s4;
	_ =	sdelay $0x1  }
0xa1: {  	s23 =	simm.s32 $0x1B8B  }
0xa2: {  	_ =	swait.ge [sflag:s23], $0x1  }
0xa3: {  	[sflag:s23] =	ssyncset.done $0x0  }
0xa4: {  	s25 =	simm.s32 $0x1B8E;
	s24 =	sld [smem:$0x3FFE];
	[sflag:s23] =	ssyncadd.s32 $0xFFFFFFFF  }
0xa5: {  	s26 =	simm.s32 $execute0_lowered;
	[smem:$0x3FD2] =	sst s25  }
0xa6: {  	s5 =	sshll.u32 s26, $0x1;
	_ =	strace $0x80000046;
	[dreg:$0x1] =	wrdreg $0xFFFFFFFF  }
0xa7: {  	s28 =	simm.s32 $_size_execute0_lowered;
	s3 =	sadd.s32 s3, s5;
	[dreg:$0x0] =	wrdreg $0x0  }
0xa8: {  	s5 =	sshll.u32 s28, $0x1;
	[dreg:$0x2] =	wrdreg s3  }
0xa9: {  	[dreg:$0x3] =	wrdreg s5  }
0xaa: {  	[dreg:$0x4] =	wrdreg $0xC0  }
0xab: {  	_ =	task [dreg:s7], $0x5FFFF  }
0xac: {  	[dreg:$0x1] =	wrdreg $0xFFFFFFFF  }
0xad: {  	[dreg:$0x0] =	wrdreg $0x60  }
0xae: {  	[dreg:$0x2] =	wrdreg s24  }
0xaf: {  	[dreg:$0x3] =	wrdreg s2  }
0xb0: {  	[dreg:$0x4] =	wrdreg $0x9  }
0xb1: {  	_ =	task.clear_ibuf [dreg:s7], $0x5FFFF;
	_ =	strace $0x90000046  }
0xb2: {  	s29 =	simm.s32 $0x9;
	_ =	strace $0x80000048  }
0xb3: {  	_ =	swait.ge [sflag:s29], $0x1  }
0xb4: {  	[sflag:s29] =	ssyncadd.s32 $0xFFFFFFFF  }
0xb5: {  	_ =	strace $0x90000048  }
0xb6: {  	_ =	sfence  }
0xb7: {  	s30 =	sld [smem:$0x0];
	_ =	sdelay $0x2  }
0xb8: {  	s31 =	sshll.u32 s1, $0xD;
	s1 =	sshrl.u32 s1, $0x2  }
0xb9: {  	s3 =	sand.u32 $0x4000, s31;
	s1 =	sadd.s32 s1, s30  }
0xba: {  	s0 =	sor.u32 s3, s0;
	s1 =	sshll.u32 s1, $0x11  }
0xbb: {  	s0 =	sor.u32 s1, s0  }
0xbc: {  	s0 =	sadd.s32 $0x8F2B, s0  }
0xbd: {  	[sflag:s0] =	ssyncadd.remote.s32 $0x1  }
0xbe: {  	_ =	sfence.sel $0xFFFF  }
0xbf: {  	[dreg:$0x0] =	wrdreg $0xFFFFFFFF;
	(pc) =	sbr.abs _section_cstart, $3  }
0xc0: {  	[dreg:$0x1] =	wrdreg $0xFFFFFFFF  }
0xc1: {  	_ =	task.clear_ibuf [dreg:s7], $0x2FFFF;
	_ =	strace $0x9FFFFFFF  }
0xc2: {  	(tm) =	ssettm $0x7FFFFFFF  }
0xc3: {  	_ =	shalt  }
tec
execute0_lowered:
.L_overlay_start_1:
0x0: {  	(tag) =	ssettag $0x1  }
0x1: {  	s3 =	rddreg [dreg:$0x0];
	s1 =	srdreg.scid  }
0x2: {  	s0 =	stileid.u32;
	s4 =	rddreg [dreg:$0x1];
	s9 =	simm.s32 $0x400  }
0x3: {  	s5 =	sand.u32 $0x1, s1;
	s2 =	sshll.u32 s0, $0x1;
	s8 =	sshrl.u32 s0, $0x2  }
0x4: {  	s1 =	rddreg [dreg:$0x2];
	s6 =	sor.u32 s5, s2;
	s8 =	smul.u32 $0x13C00, s8  }
0x5: {  	s2 =	simm.s32 $0x0;
	s5 =	ssub.s32 $0x2, s5;
	s7 =	smul.u32 $0x4E2, s6  }
0x6: {  	[smem:$0x7FF] =	sst s2;
	s6 =	sshll.u32 s6, $0x7;
	s31 =	sshrl.u32 s5, $0x1  }
0x7: {  	_ =	strace $0x80000047;
	s6 =	sand.u32 $0x380, s6;
	s5 =	ssub.s32 s5, s31  }
0x8: {  	s3 =	sadd.s32 s7, s3;
	s6 =	sor.u32 s8, s6;
	s5 =	smax.u32 s5, $0x1  }
0x9: {  	s7 =	simm.s32 $0x2780;
	s8 =	simm.s32 $0x80;
	s6 =	sshrl.u32 s6, $0x3  }
0xa: {  	v0 =	vimm.f32 $0.0e+00;
	v1 =	vimm.f32 $1.000000000e+00;
	s3 =	sadd.s32 $0x3400, s3;
	s4 =	sadd.s32 s4, s6;
	s6 =	simm.s32 $0x1  }
.LBB2_1:
0xb: {  	s10 =	simm.s32 $0x40;
	s11 =	simm.s32 $0x0  }
.LBB2_2:
0xc: {  	p0 =	sne.s32 s10, $0x9C00;
	[tilespmem:s11+$0x2780] =	vst v0;
	s11 =	smov.u32 s10;
	s10 =	sadd.s32 $0x40, s10  }
.Ltmp0:
0xd: {  	(pc) =	sbr.rel @p0 .LBB2_2-.Ltmp0, $2  }
0xe: {  	_ =	sdelay $0x2  }
0xf: {  	s11 =	sshra.s32 s11, $0x2  }
0x10: {  	[tilespmem:s11+$0x2780] =	vst v0;
	s10 =	simm.s32 $0x0  }
0x11: {  	[tilespmem:s10], [sflag:$0x1] =	stream.linear.gather [hbm4b:s3+s10], $0x2710, $0x38;
	[tilespmem:$0x4F00] =	vst v63  }
0x12: {  	_ =	swait.ge [sflag:s6], $0x2710  }
0x13: {  	[sflag:s6] =	ssyncset.done $0x0  }
0x14: {  	s11 =	simm.s32 $0x0;
	s10 =	simm.s32 $0x40;
	[sflag:s6] =	ssyncadd.s32 $0xFFFFD8F0  }
.LBB2_4:
0x15: {  	p0 =	sne.s32 s10, $0x9C00;
	v2 =	vld [tilespmem:s11+$0x0];
	_ =	sdelay $0x3  }
.Ltmp1:
0x16: {  	(pc) =	sbr.rel @p0 .LBB2_4-.Ltmp1, $2  }
0x17: {  	_ =	sdelay $0x2  }
0x18: {  	s11 =	sshra.s32 s10, $0x2;
	s10 =	sadd.s32 $0x40, s10;
	[tilespmem:v2+s7+$0x0] =	vst.idx.add.f32.msk $0xffff, v1  }
0x19: {  	v2 =	vld [tilespmem:s11+$0x0];
	_ =	sdelay $0x5  }
0x1a: {  	s2 =	sadd.s32 $0x1, s2  }
0x1b: {  	p0 =	sne.s32 s2, s5  }
.Ltmp2:
0x1c: {  	[tilespmem:v2+s7+$0x0] =	vst.idx.add.f32.msk $0xffff, v1;
	(pc) =	sbr.rel @p0 .LBB2_1-.Ltmp2, $4  }
0x1d: {  	[hbm4b:s4+s8] =	stream.strided.scatter [tilespmem:s7], [sflag:$0x1], $0x2780, s9, s8, $0x38;
	[tilespmem:$0x4F00] =	vst v63  }
0x1e: {  	_ =	swait.ge [sflag:s6], $0x2780  }
0x1f: {  	[sflag:s6] =	ssyncset.done $0x0  }
0x20: {  	[sflag:s6] =	ssyncadd.s32 $0xFFFFD880  }
0x21: {  	_ =	sfence.sel $0x180000  }
0x22: {  	[bflag:$0x0] =	sbarrier.arrive $0xFFFF  }
0x23: {  	p0 =	sne.s32 s0, $0x0;
	_ =	strace $0x90000047  }
0x24: {  	s0 =	sadd.s32 @!p0 $0x100000, s1;
	[bflag:$0x2] =	sbarrier.arrive $0xFFFF  }
0x25: {  	[sflag:s0] =	ssyncadd.tile.s32 @!p0 $0x1;
	_ =	shalt  }
.Lfunc_end2:
_tile_overlayer_lowered:
.L_overlay_start_2:
0x26: {  	(tag) =	ssettag $0x2  }
0x27: {  	s0 =	rddreg [dreg:$0x0];
	s2 =	stileid.u32  }
0x28: {  	s1 =	rddreg [dreg:$0x1];
	p0 =	sne.s32 s2, $0x0  }
0x29: {  	s3 =	rddreg [dreg:$0x2];
	[bflag:$0x3] =	sbarrier.arrive $0xFFFF;
	s2 =	simm.s32 @!p0 $0x1C01  }
0x2a: {  	[timem:s3], [sflag:s2] =	dma.local @!p0 [hbm:s0], s1  }
0x2b: {  	s0 =	simm.s32 @!p0 $0x1  }
0x2c: {  	_ =	swait.ge @!p0 [sflag:s0], s1  }
0x2d: {  	s1 =	ssub.s32 @!p0 $0x0, s1;
	[sflag:s0] =	ssyncset.done @!p0 $0x0  }
0x2e: {  	[sflag:s0] =	ssyncadd.s32 @!p0 s1  }
0x2f: {  	[bflag:$0x3] =	sbarrier.arrive $0xFFFF  }
0x30: {  	_ =	shalt  }

// kernel: kernel.9.cloned.1.call-start
scs
__scs_entry_jumppad:
0x0: {  	(pc) =	sbr.rel $0x88, $3  }
0x1: {  	(tag) =	ssettag $0x0;
	lr =	simm.s32 $0x1  }
0x2: {  	[smem:$0x3F8F] =	sst lr;
	_ =	strace $0xD0000000  }
0x3: {  	_ = 	snop  }
0x4: {  	_ = 	snop  }
0x5: {  	_ = 	snop  }
0x6: {  	_ = 	snop  }
0x7: {  	_ = 	snop  }
__scs_overlays_trampoline_lowered:
0x8: {  	[smem:$0x3F9E] =	sst s0  }
0x9: {  	[smem:$0x3F9F] =	sst s1  }
0xa: {  	[smem:$0x3FA0] =	sst s2  }
0xb: {  	[smem:$0x3FA1] =	sst s3  }
0xc: {  	[smem:$0x3FA2] =	sst s4  }
0xd: {  	[smem:$0x3FA3] =	sst s5  }
0xe: {  	[smem:$0x3FA4] =	sst s6  }
0xf: {  	[smem:$0x3FA5] =	sst s7  }
0x10: {  	[smem:$0x3FA6] =	sst s8  }
0x11: {  	[smem:$0x3FA7] =	sst s9;
	s0 =	simm.s32 @!p0 $0x0  }
0x12: {  	s1 =	sld [smem:$0x3F8D];
	s0 =	simm.s32 @p0 $0x1  }
0x13: {  	[smem:$0x3FA8] =	sst s0;
	s0 =	simm.s32 @!p1 $0x0  }
0x14: {  	s2 =	sld [smem:$0x3F8C];
	s0 =	simm.s32 @p1 $0x1  }
0x15: {  	[smem:$0x3FA9] =	sst s0;
	s0 =	simm.s32 @!p2 $0x0  }
0x16: {  	s3 =	sld [smem:$0x3FDB];
	s0 =	simm.s32 @p2 $0x1  }
0x17: {  	s4 =	simm.s32 $0x1BF5;
	[smem:$0x3FAB] =	sst s0  }
0x18: {  	s0 =	sld [smem:$0x3F8E];
	_ =	swait.ge [sflag:s4], $0x0  }
0x19: {  	s7 =	sld [smem:$0x3F8F]  }
0x1a: {  	s8 =	sadd.s32 $0xFFFFE003, lr  }
0x1b: {  	s9 =	sadd.s32 $0xFFFFFEF7, lr;
	s5 =	simm.s32 $0xFFFFFFFF;
	p2 =	slt.u32 s8, $0xFFFFF086  }
0x1c: {  	p1 =	slt.u32 s9, $0xF7A;
	s5 =	simm.s32 @!p2 $0x0  }
0x1d: {  	s5 =	simm.s32 @p1 $0x1;
	p0 =	seq.s32 s7, s2  }
0x1e: {  	s7 =	smul.u32 @!p0 $0xF7A, s2;
	p2 =	seq.s32 @!p0 s5, $0x0  }
0x1f: {  	s9 =	smul.u32 $0xF7A, s1;
	s8 =	simm.s32 @!p0 $0x1BF5;
	p2 =	por !p2, p0  }
0x20: {  	[sflag:s8] =	ssyncset.s32 @!p0 $0xFFFFF086;
	s6 =	sadd.s32 @!p0 s3, s7;
	s7 =	simm.s32 @!p0 $0x108  }
0x21: {  	s3 =	sadd.s32 s3, s9;
	s6 =	sadd.s32 @!p0 $0x88, s6;
	s7 =	simm.s32 @p2 $0x1082  }
0x22: {  	[simem:s7], [sflag:s8] =	dma.local @!p0 [hbm:s6], $0xF7A  }
0x23: {  	s9 =	sor.u32 $0xD0000000, s2;
	s6 =	simm.s32 $0x108;
	_ =	swait.ge @!p0 [sflag:s8], $0x0  }
0x24: {  	s3 =	sadd.s32 $0x88, s3;
	s6 =	simm.s32 @!p1 $0x1082;
	[sflag:s4] =	ssyncset.s32 $0xFFFFF086  }
0x25: {  	[simem:s6], [sflag:s4] =	dma.local [hbm:s3], $0xF7A  }
0x26: {  	[smem:$0x3F8F] =	sst s1;
	(tag) =	ssettag s2;
	_ =	strace s9  }
0x27: {  	s1 =	sld [smem:$0x3F9F]  }
0x28: {  	s2 =	sld [smem:$0x3FA0]  }
0x29: {  	s4 =	sld [smem:$0x3FA2]  }
0x2a: {  	p0 =	seq.s32 s5, $0x0;
	s5 =	sld [smem:$0x3FA3]  }
0x2b: {  	s6 =	sld [smem:$0x3FA4]  }
0x2c: {  	s7 =	sld [smem:$0x3FA5]  }
0x2d: {  	s3 =	simm.s32 $0x108;
	s8 =	sld [smem:$0x3FA6]  }
0x2e: {  	s3 =	simm.s32 @!p0 $0x1082;
	s9 =	sld [smem:$0x3FA7]  }
0x2f: {  	lr =	sadd.s32 s0, s3;
	s0 =	sld [smem:$0x3F9E]  }
0x30: {  	s3 =	sld [smem:$0x3FA1]  }
0x31: {  	[smem:$0x3FAA] =	sst s10  }
0x32: {  	s10 =	sld [smem:$0x3FA8];
	_ =	sdelay $0x3  }
0x33: {  	p0 =	seq.s32 s10, $0x1;
	s10 =	sld [smem:$0x3FAA];
	_ =	sdelay $0x3  }
0x34: {  	[smem:$0x3FAA] =	sst s10  }
0x35: {  	s10 =	sld [smem:$0x3FA9];
	_ =	sdelay $0x3  }
0x36: {  	p1 =	seq.s32 s10, $0x1;
	s10 =	sld [smem:$0x3FAA];
	_ =	sdelay $0x3  }
0x37: {  	[smem:$0x3FAA] =	sst s10  }
0x38: {  	s10 =	sld [smem:$0x3FAB]  }
0x39: {  	_ = 	snop;
	(pc) =	sbr.ind lr, $3  }
0x3a: {  	_ = 	snop  }
0x3b: {  	_ = 	snop  }
0x3c: {  	p2 =	seq.s32 s10, $0x1;
	s10 =	sld [smem:$0x3FAA]  }
0x3d: {  	_ =	shalt  }
0x3e: {  	_ =	shalt  }
0x3f: {  	_ =	shalt  }
0x40: {  	_ =	shalt  }
0x41: {  	_ =	shalt  }
0x42: {  	_ =	shalt  }
0x43: {  	_ =	shalt  }
0x44: {  	_ =	shalt  }
0x45: {  	_ =	shalt  }
0x46: {  	_ =	shalt  }
0x47: {  	_ =	shalt  }
0x48: {  	_ =	shalt  }
0x49: {  	_ =	shalt  }
0x4a: {  	_ =	shalt  }
0x4b: {  	_ =	shalt  }
0x4c: {  	_ =	shalt  }
0x4d: {  	_ =	shalt  }
0x4e: {  	_ =	shalt  }
0x4f: {  	_ =	shalt  }
0x50: {  	_ =	shalt  }
0x51: {  	_ =	shalt  }
0x52: {  	_ =	shalt  }
0x53: {  	_ =	shalt  }
0x54: {  	_ =	shalt  }
0x55: {  	_ =	shalt  }
0x56: {  	_ =	shalt  }
0x57: {  	_ =	shalt  }
0x58: {  	_ =	shalt  }
0x59: {  	_ =	shalt  }
0x5a: {  	_ =	shalt  }
0x5b: {  	_ =	shalt  }
0x5c: {  	_ =	shalt  }
0x5d: {  	_ =	shalt  }
0x5e: {  	_ =	shalt  }
0x5f: {  	_ =	shalt  }
0x60: {  	_ =	shalt  }
0x61: {  	_ =	shalt  }
0x62: {  	_ =	shalt  }
0x63: {  	_ =	shalt  }
0x64: {  	_ =	shalt  }
0x65: {  	_ =	shalt  }
0x66: {  	_ =	shalt  }
0x67: {  	_ =	shalt  }
0x68: {  	_ =	shalt  }
0x69: {  	_ =	shalt  }
0x6a: {  	_ =	shalt  }
0x6b: {  	_ =	shalt  }
0x6c: {  	_ =	shalt  }
0x6d: {  	_ =	shalt  }
0x6e: {  	_ =	shalt  }
0x6f: {  	_ =	shalt  }
0x70: {  	_ =	shalt  }
0x71: {  	_ =	shalt  }
0x72: {  	_ =	shalt  }
0x73: {  	_ =	shalt  }
0x74: {  	_ =	shalt  }
0x75: {  	_ =	shalt  }
0x76: {  	_ =	shalt  }
0x77: {  	_ =	shalt  }
0x78: {  	_ =	shalt  }
0x79: {  	_ =	shalt  }
0x7a: {  	_ =	shalt  }
0x7b: {  	_ =	shalt  }
0x7c: {  	_ =	shalt  }
0x7d: {  	_ =	shalt  }
0x7e: {  	_ =	shalt  }
0x7f: {  	_ =	shalt  }
0x80: {  	_ =	shalt  }
0x81: {  	_ =	shalt  }
0x82: {  	_ =	shalt  }
0x83: {  	_ =	shalt  }
0x84: {  	_ =	shalt  }
0x85: {  	_ =	shalt  }
0x86: {  	_ =	shalt  }
0x87: {  	_ =	shalt  }
.Lfunc_end0:
.L_simem_size_0:
called_computation.1_lowered:
.L_overlay_start_0:
0x88: {  	s2 =	sld [smem:$0x3FD9]  }
0x89: {  	s3 =	sld [smem:$0x3FFE];
	_ =	sdelay $0x1  }
0x8a: {  	s1 =	srdreg.scid  }
0x8b: {  	s0 =	sand.u32 $0x1, s1  }
0x8c: {  	s17 =	sshll.u32 s0, $0xA;
	s2 =	sadd.s32 s3, s2  }
0x8d: {  	s2 =	sadd.s32 s2, s17  }
0x8e: {  	[smem:$0x3FB6] =	sst s2  }
0x8f: {  	_ = 	snop  }
0x90: {  	s2 =	sld [smem:$0x3FD0];
	(tm) =	ssettm $0x1  }
0x91: {  	s18 =	sld [smem:$0x3FFB];
	_ =	sdelay $0x3  }
0x92: {  	_ =	strace s18  }
0x93: {  	s3 =	sld [smem:$0x3FFC];
	_ =	sdelay $0x3  }
0x94: {  	_ =	strace s3  }
0x95: {  	s3 =	sld [smem:$0x3FFD];
	_ =	sdelay $0x3  }
0x96: {  	_ =	strace s3  }
0x97: {  	_ =	strace $0x8FFFFFFF  }
0x98: {  	s19 =	sld [smem:$0x3FDB];
	_ =	sdelay $0x1  }
0x99: {  	s4 =	simm.s32 $_scs_section_size  }
0x9a: {  	s5 =	simm.s32 $_size__tile_overlayer_lowered;
	s6 =	simm.s32 $_tile_overlayer_lowered  }
0x9b: {  	s22 =	simm.s32 $0x1BFF;
	s21 =	sshll.u32 s6, $0x1;
	s3 =	sadd.s32 s4, s19  }
0x9c: {  	s7 =	simm.s32 $0x0;
	s20 =	sshll.u32 s5, $0x1;
	s5 =	sadd.s32 s21, s3  }
0x9d: {  	[timem:s7], [sflag:s22] =	dma.local [hbm:s5], s20  }
0x9e: {  	_ =	swait.ge [sflag:s22], s20  }
0x9f: {  	s4 =	ssub.s32 $0x0, s20;
	[sflag:s22] =	ssyncset.done $0x0  }
0xa0: {  	[sflag:s22] =	ssyncadd.s32 s4;
	_ =	sdelay $0x1  }
0xa1: {  	s23 =	simm.s32 $0x1B8B  }
0xa2: {  	_ =	swait.ge [sflag:s23], $0x1  }
0xa3: {  	[sflag:s23] =	ssyncset.done $0x0  }
0xa4: {  	s25 =	simm.s32 $0x1B8E;
	s24 =	sld [smem:$0x3FFE];
	[sflag:s23] =	ssyncadd.s32 $0xFFFFFFFF  }
0xa5: {  	s26 =	simm.s32 $execute0_lowered;
	[smem:$0x3FD2] =	sst s25  }
0xa6: {  	s5 =	sshll.u32 s26, $0x1;
	_ =	strace $0x80000049;
	[dreg:$0x1] =	wrdreg $0xFFFFFFFF  }
0xa7: {  	s28 =	simm.s32 $_size_execute0_lowered;
	s3 =	sadd.s32 s3, s5;
	[dreg:$0x0] =	wrdreg $0x0  }
0xa8: {  	s5 =	sshll.u32 s28, $0x1;
	[dreg:$0x2] =	wrdreg s3  }
0xa9: {  	[dreg:$0x3] =	wrdreg s5  }
0xaa: {  	[dreg:$0x4] =	wrdreg $0xC0  }
0xab: {  	_ =	task [dreg:s7], $0x5FFFF  }
0xac: {  	[dreg:$0x1] =	wrdreg $0xFFFFFFFF  }
0xad: {  	[dreg:$0x0] =	wrdreg $0x60  }
0xae: {  	[dreg:$0x2] =	wrdreg s24  }
0xaf: {  	[dreg:$0x3] =	wrdreg s2  }
0xb0: {  	[dreg:$0x4] =	wrdreg $0x9  }
0xb1: {  	_ =	task.clear_ibuf [dreg:s7], $0x5FFFF;
	_ =	strace $0x90000049  }
0xb2: {  	s29 =	simm.s32 $0x9;
	_ =	strace $0x8000004B  }
0xb3: {  	_ =	swait.ge [sflag:s29], $0x1  }
0xb4: {  	[sflag:s29] =	ssyncadd.s32 $0xFFFFFFFF  }
0xb5: {  	_ =	strace $0x9000004B  }
0xb6: {  	_ =	sfence  }
0xb7: {  	s30 =	sld [smem:$0x0];
	_ =	sdelay $0x2  }
0xb8: {  	s31 =	sshll.u32 s1, $0xD;
	s1 =	sshrl.u32 s1, $0x2  }
0xb9: {  	s3 =	sand.u32 $0x4000, s31;
	s1 =	sadd.s32 s1, s30  }
0xba: {  	s0 =	sor.u32 s3, s0;
	s1 =	sshll.u32 s1, $0x11  }
0xbb: {  	s0 =	sor.u32 s1, s0  }
0xbc: {  	s0 =	sadd.s32 $0x8F2B, s0  }
0xbd: {  	[sflag:s0] =	ssyncadd.remote.s32 $0x1  }
0xbe: {  	_ =	sfence.sel $0xFFFF  }
0xbf: {  	[dreg:$0x0] =	wrdreg $0xFFFFFFFF;
	(pc) =	sbr.abs _section_cstart, $3  }
0xc0: {  	[dreg:$0x1] =	wrdreg $0xFFFFFFFF  }
0xc1: {  	_ =	task.clear_ibuf [dreg:s7], $0x2FFFF;
	_ =	strace $0x9FFFFFFF  }
0xc2: {  	(tm) =	ssettm $0x7FFFFFFF  }
0xc3: {  	_ =	shalt  }
tec
execute0_lowered:
.L_overlay_start_1:
0x0: {  	(tag) =	ssettag $0x1  }
0x1: {  	s5 =	rddreg [dreg:$0x0]  }
0x2: {  	s8 =	rddreg [dreg:$0x1]  }
0x3: {  	s0 =	rddreg [dreg:$0x2]  }
0x4: {  	s1 =	stileid.u32;
	s3 =	srdreg.scid  }
0x5: {  	s2 =	simm.s32 $0x0;
	s11 =	simm.s32 $0x100;
	s12 =	simm.s32 $0x2800  }
0x6: {  	s13 =	simm.s32 $0x9C40;
	s14 =	simm.s32 $0xBC40;
	s15 =	simm.s32 $0x1  }
0x7: {  	s16 =	simm.s32 $0x2;
	s17 =	simm.s32 $0x1400;
	s18 =	simm.s32 $0xDC40  }
0x8: {  	s19 =	simm.s32 $0x0;
	s6 =	smul.u32 $0x1388, s1;
	s3 =	sand.u32 $0x1, s3  }
0x9: {  	[smem:$0x7FF] =	sst s2;
	s10 =	smul.u32 $0xA000, s1;
	s7 =	ssub.s32 $0x2, s3  }
0xa: {  	s4 =	sadd.s32 $0xD200, s5;
	s3 =	smul.u32 $0x1400, s3;
	s9 =	sshrl.u32 s7, $0x1  }
0xb: {  	_ =	strace $0x8000004A;
	s5 =	sadd.s32 s6, s5;
	s9 =	ssub.s32 s7, s9  }
0xc: {  	s5 =	sadd.s32 $0x17200, s5;
	s31 =	sshrl.u32 s3, $0x3;
	s10 =	sor.u32 s3, s10  }
0xd: {  	s7 =	sor.u32 $0x200, s3;
	s6 =	sadd.s32 s4, s31;
	s10 =	sshrl.u32 s10, $0x3  }
0xe: {  	s9 =	smax.u32 s9, $0x1;
	s8 =	sadd.s32 s8, s10;
	s10 =	simm.s32 $0x3  }
.LBB2_1:
0xf: {  	[tilespmem:s2], [sflag:$0x3] =	stream.linear.gather [hbm4b:s5+s2], $0x9C40, $0x38;
	[tilespmem:$0x12C40] =	vst v63  }
0x10: {  	_ =	swait.ge [sflag:s10], $0x9C40  }
0x11: {  	s20 =	simm.s32 $0x10440;
	[sflag:s10] =	ssyncset.done $0x0  }
0x12: {  	s21 =	simm.s32 $0x10540;
	s22 =	simm.s32 $0x0;
	[sflag:s10] =	ssyncadd.s32 $0xFFFF63C0  }
0x13: {  	[tilespmem:s13], [sflag:$0x1] =	stream.strided.gather [hbm4b:s6+s11], $0x2000, s12, s11, $0x38;
	[tilespmem:$0x12C40] =	vst v63  }
.LBB2_2:
0x14: {  	s23 =	sshll.u32 s22, $0x9  }
0x15: {  	s24 =	sadd.s32 s23, s3  }
0x16: {  	s24 =	sadd.s32 $0x100, s24  }
0x17: {  	s24 =	sshrl.u32 s24, $0x3  }
0x18: {  	s24 =	sadd.s32 s4, s24  }
0x19: {  	[tilespmem:s14], [sflag:$0x2] =	stream.strided.gather [hbm4b:s24+s11], $0x2000, s12, s11, $0x38;
	[tilespmem:$0x12C40] =	vst v63  }
0x1a: {  	_ =	swait.ge [sflag:s15], $0x2000  }
0x1b: {  	v0 =	vmov s20;
	[sflag:s15] =	ssyncset.done $0x0  }
0x1c: {  	s24 =	simm.s32 $0x0;
	[tilespmem:$0x1FFF0] =	vst v0;
	[sflag:s15] =	ssyncadd.s32 $0xFFFFE000  }
.LBB2_3:
0x1d: {  	s25 =	sshra.s32 s24, $0x2  }
0x1e: {  	v0 =	vld [tilespmem:s25+$0x9C40]  }
0x1f: {  	v2 =	vld [tilespmem:s25+$0x9D40]  }
0x20: {  	v43 =	vld [tilespmem:s25+$0x9E40]  }
0x21: {  	v5 =	vld [tilespmem:s25+$0x9F40]  }
0x22: {  	v51 =	vld [tilespmem:s25+$0xA040]  }
0x23: {  	v55 =	vld [tilespmem:s25+$0xA140]  }
0x24: {  	v58 =	vld [tilespmem:s25+$0xA240]  }
0x25: {  	v63 =	vld [tilespmem:s25+$0xA340]  }
0x26: {  	v36 =	vld [tilespmem:s25+$0xA440]  }
0x27: {  	v41 =	vld [tilespmem:s25+$0xA540]  }
0x28: {  	v6 =	vld.idx.msk [tilespmem:v0+s2+$0x0], $0xffff  }
0x29: {  	v11 =	vld.idx.msk [tilespmem:v2+s2+$0x0], $0xffff  }
0x2a: {  	v15 =	vld.idx.msk [tilespmem:v43+s2+$0x0], $0xffff  }
0x2b: {  	v24 =	vld.idx.msk [tilespmem:v5+s2+$0x0], $0xffff  }
0x2c: {  	v9 =	vld.idx.msk [tilespmem:v51+s2+$0x0], $0xffff  }
0x2d: {  	v1 =	vadd.s32 $0x2710, v0;
	v17 =	vld.idx.msk [tilespmem:v55+s2+$0x0], $0xffff  }
0x2e: {  	v3 =	vadd.s32 $0x4E20, v0;
	v29 =	vld.idx.msk [tilespmem:v58+s2+$0x0], $0xffff  }
0x2f: {  	v4 =	vadd.s32 $0x7530, v0;
	v44 =	vadd.s32 $0x2710, v2;
	v45 =	vadd.s32 $0x4E20, v2;
	v39 =	vld.idx.msk [tilespmem:v63+s2+$0x0], $0xffff  }
0x30: {  	v59 =	vadd.s32 $0x2710, v55;
	v60 =	vadd.s32 $0x4E20, v55;
	v61 =	vadd.s32 $0x7530, v55;
	v55 =	vld [tilespmem:s25+$0xA840]  }
0x31: {  	v35 =	vadd.s32 $0x2710, v63;
	v37 =	vadd.s32 $0x4E20, v63;
	v38 =	vadd.s32 $0x7530, v63;
	v63 =	vld [tilespmem:s25+$0xAA40]  }
0x32: {  	v46 =	vadd.s32 $0x7530, v2;
	v8 =	vld.idx.msk [tilespmem:v1+s2+$0x0], $0xffff  }
0x33: {  	v47 =	vadd.s32 $0x2710, v43;
	v10 =	vld.idx.msk [tilespmem:v3+s2+$0x0], $0xffff  }
0x34: {  	v48 =	vadd.s32 $0x4E20, v43;
	v14 =	vld.idx.msk [tilespmem:v4+s2+$0x0], $0xffff  }
0x35: {  	v49 =	vadd.s32 $0x7530, v43;
	v18 =	vld.idx.msk [tilespmem:v44+s2+$0x0], $0xffff  }
0x36: {  	v50 =	vadd.s32 $0x2710, v5;
	v13 =	vld.idx.msk [tilespmem:v45+s2+$0x0], $0xffff  }
0x37: {  	v52 =	vadd.s32 $0x4E20, v5;
	v20 =	vld.idx.msk [tilespmem:v46+s2+$0x0], $0xffff  }
0x38: {  	v53 =	vadd.s32 $0x7530, v5;
	v19 =	vld.idx.msk [tilespmem:v47+s2+$0x0], $0xffff  }
0x39: {  	v54 =	vadd.s32 $0x2710, v51;
	v22 =	vld.idx.msk [tilespmem:v48+s2+$0x0], $0xffff  }
0x3a: {  	v56 =	vadd.s32 $0x4E20, v51;
	v23 =	vld.idx.msk [tilespmem:v49+s2+$0x0], $0xffff  }
0x3b: {  	v57 =	vadd.s32 $0x7530, v51;
	v25 =	vld.idx.msk [tilespmem:v50+s2+$0x0], $0xffff  }
0x3c: {  	v26 =	vld.idx.msk [tilespmem:v52+s2+$0x0], $0xffff  }
0x3d: {  	v27 =	vld.idx.msk [tilespmem:v53+s2+$0x0], $0xffff  }
0x3e: {  	v12 =	vld.idx.msk [tilespmem:v54+s2+$0x0], $0xffff  }
0x3f: {  	v62 =	vadd.s32 $0x2710, v58;
	v16 =	vld.idx.msk [tilespmem:v56+s2+$0x0], $0xffff  }
0x40: {  	v21 =	vadd.s32 $0x4E20, v58;
	v31 =	vld.idx.msk [tilespmem:v57+s2+$0x0], $0xffff  }
0x41: {  	v34 =	vadd.s32 $0x7530, v58;
	v33 =	vld.idx.msk [tilespmem:v59+s2+$0x0], $0xffff  }
0x42: {  	v28 =	vld.idx.msk [tilespmem:v60+s2+$0x0], $0xffff  }
0x43: {  	v32 =	vld.idx.msk [tilespmem:v61+s2+$0x0], $0xffff  }
0x44: {  	v30 =	vld.idx.msk [tilespmem:v62+s2+$0x0], $0xffff  }
0x45: {  	v0 =	vld.idx.msk [tilespmem:v21+s2+$0x0], $0xffff  }
0x46: {  	v1 =	vld.idx.msk [tilespmem:v34+s2+$0x0], $0xffff  }
0x47: {  	v2 =	vld.idx.msk [tilespmem:v35+s2+$0x0], $0xffff  }
0x48: {  	v3 =	vld.idx.msk [tilespmem:v36+s2+$0x0], $0xffff  }
0x49: {  	v44 =	vld [tilespmem:s25+$0xA640]  }
0x4a: {  	v4 =	vld.idx.msk [tilespmem:v41+s2+$0x0], $0xffff  }
0x4b: {  	v40 =	vadd.s32 $0x2710, v36;
	v49 =	vld [tilespmem:s25+$0xA740]  }
0x4c: {  	v60 =	vld [tilespmem:s25+$0xA940];
	[tilespmem:$0x1FDA0] =	vst v39  }
0x4d: {  	v9 =	vmax.bf16 v6, v9;
	v6 =	vmax.bf16 v15, v29;
	v15 =	vld [tilespmem:$0x1FDA0]  }
0x4e: {  	[tilespmem:$0x1FD80] =	vst v0;
	v0 =	vld.idx.msk [tilespmem:v37+s2+$0x0], $0xffff  }
0x4f: {  	[tilespmem:$0x1FD90] =	vst v1;
	v1 =	vld.idx.msk [tilespmem:v38+s2+$0x0], $0xffff  }
0x50: {  	[tilespmem:$0x1FDB0] =	vst v2;
	v2 =	vld.idx.msk [tilespmem:v40+s2+$0x0], $0xffff  }
0x51: {  	v37 =	vld [tilespmem:s25+$0xAB40]  }
0x52: {  	[tilespmem:$0x1FDE0] =	vst v3;
	v3 =	vld.idx.msk [tilespmem:v55+s2+$0x0], $0xffff  }
0x53: {  	v42 =	vadd.s32 $0x4E20, v36;
	v40 =	vld.idx.msk [tilespmem:v63+s2+$0x0], $0xffff  }
0x54: {  	v43 =	vadd.s32 $0x7530, v36;
	v36 =	vadd.s32 $0x2710, v63;
	v17 =	vmax.bf16 v11, v17;
	v11 =	vld [tilespmem:$0x1FD80]  }
0x55: {  	v12 =	vmax.bf16 v8, v12;
	v8 =	vmax.bf16 v13, v28;
	v13 =	vld [tilespmem:$0x1FD90]  }
0x56: {  	v52 =	vld.idx.msk [tilespmem:v44+s2+$0x0], $0xffff  }
0x57: {  	v45 =	vadd.s32 $0x2710, v41;
	v58 =	vld.idx.msk [tilespmem:v49+s2+$0x0], $0xffff  }
0x58: {  	[tilespmem:$0x1FE20] =	vst v4;
	v48 =	vadd.s32 $0x2710, v44;
	v4 =	vld.idx.msk [tilespmem:v60+s2+$0x0], $0xffff  }
0x59: {  	v46 =	vadd.s32 $0x4E20, v41;
	v47 =	vadd.s32 $0x7530, v41;
	v41 =	vld.idx.msk [tilespmem:v36+s2+$0x0], $0xffff  }
0x5a: {  	[tilespmem:$0x1FDC0] =	vst v0;
	v0 =	vld.idx.msk [tilespmem:v42+s2+$0x0], $0xffff  }
0x5b: {  	[tilespmem:$0x1FDD0] =	vst v1;
	v1 =	vld.idx.msk [tilespmem:v43+s2+$0x0], $0xffff  }
0x5c: {  	[tilespmem:$0x1FDF0] =	vst v2;
	v2 =	vld.idx.msk [tilespmem:v45+s2+$0x0], $0xffff  }
0x5d: {  	v39 =	vadd.s32 $0x7530, v63;
	v53 =	vld.idx.msk [tilespmem:v48+s2+$0x0], $0xffff  }
0x5e: {  	v43 =	vld [tilespmem:s25+$0xAC40]  }
0x5f: {  	v48 =	vld [tilespmem:s25+$0xAD40]  }
0x60: {  	v11 =	vmax.bf16 v22, v11;
	v22 =	vld [tilespmem:$0x1FDD0]  }
0x61: {  	v54 =	vadd.s32 $0x2710, v49;
	v15 =	vmax.bf16 v24, v15;
	v24 =	vld [tilespmem:$0x1FDF0]  }
0x62: {  	[tilespmem:$0x1FEA0] =	vst v58;
	v58 =	vld.idx.msk [tilespmem:v39+s2+$0x0], $0xffff  }
0x63: {  	[tilespmem:$0x1FF70] =	vst v41;
	v41 =	vld [tilespmem:s25+$0xB040]  }
0x64: {  	[tilespmem:$0x1FE00] =	vst v0;
	v0 =	vld.idx.msk [tilespmem:v46+s2+$0x0], $0xffff  }
0x65: {  	[tilespmem:$0x1FE10] =	vst v1;
	v1 =	vld.idx.msk [tilespmem:v47+s2+$0x0], $0xffff  }
0x66: {  	[tilespmem:$0x1FE30] =	vst v2;
	v2 =	vld.idx.msk [tilespmem:v54+s2+$0x0], $0xffff  }
0x67: {  	v50 =	vadd.s32 $0x4E20, v44;
	v51 =	vadd.s32 $0x7530, v44;
	v46 =	vld.idx.msk [tilespmem:v37+s2+$0x0], $0xffff  }
0x68: {  	v42 =	vadd.s32 $0x2710, v37;
	v44 =	vadd.s32 $0x4E20, v37;
	v45 =	vadd.s32 $0x7530, v37;
	v37 =	vld [tilespmem:s25+$0xAF40]  }
0x69: {  	[tilespmem:$0x1FE60] =	vst v52;
	v28 =	vld [tilespmem:$0x1FE30]  }
0x6a: {  	v12 =	vmax.bf16 v12, v24;
	v24 =	vld [tilespmem:$0x1FE60]  }
0x6b: {  	v59 =	vadd.s32 $0x2710, v55;
	[tilespmem:$0x1FEE0] =	vst v3;
	v3 =	vld.idx.msk [tilespmem:v43+s2+$0x0], $0xffff  }
0x6c: {  	v38 =	vadd.s32 $0x4E20, v63;
	v63 =	vld.idx.msk [tilespmem:v48+s2+$0x0], $0xffff  }
0x6d: {  	[tilespmem:$0x1FE40] =	vst v0;
	v0 =	vld.idx.msk [tilespmem:v50+s2+$0x0], $0xffff  }
0x6e: {  	v56 =	vadd.s32 $0x4E20, v49;
	[tilespmem:$0x1FE50] =	vst v1;
	v1 =	vld.idx.msk [tilespmem:v51+s2+$0x0], $0xffff  }
0x6f: {  	v57 =	vadd.s32 $0x7530, v49;
	v51 =	vld [tilespmem:s25+$0xAE40]  }
0x70: {  	v21 =	vadd.s32 $0x2710, v60;
	[tilespmem:$0x1FEB0] =	vst v2;
	v2 =	vld.idx.msk [tilespmem:v59+s2+$0x0], $0xffff  }
0x71: {  	v50 =	vadd.s32 $0x7530, v43;
	v52 =	vld.idx.msk [tilespmem:v37+s2+$0x0], $0xffff  }
0x72: {  	[tilespmem:$0x1FFD0] =	vst v3;
	v3 =	vld [tilespmem:s25+$0xB240]  }
0x73: {  	v61 =	vadd.s32 $0x4E20, v55;
	[tilespmem:$0x1FE80] =	vst v0;
	v0 =	vld.idx.msk [tilespmem:v56+s2+$0x0], $0xffff  }
0x74: {  	v62 =	vadd.s32 $0x7530, v55;
	[tilespmem:$0x1FE90] =	vst v1;
	v1 =	vld.idx.msk [tilespmem:v57+s2+$0x0], $0xffff  }
0x75: {  	[tilespmem:$0x1FEF0] =	vst v2;
	v2 =	vld.idx.msk [tilespmem:v21+s2+$0x0], $0xffff  }
0x76: {  	v47 =	vadd.s32 $0x2710, v43;
	v57 =	vld.idx.msk [tilespmem:v50+s2+$0x0], $0xffff  }
0x77: {  	v49 =	vadd.s32 $0x4E20, v43;
	v59 =	vld.idx.msk [tilespmem:v51+s2+$0x0], $0xffff  }
0x78: {  	v21 =	vadd.s32 $0x2710, v48;
	[tilespmem:$0x1FEC0] =	vst v0;
	v0 =	vld.idx.msk [tilespmem:v61+s2+$0x0], $0xffff  }
0x79: {  	v36 =	vadd.s32 $0x2710, v51;
	[tilespmem:$0x1FED0] =	vst v1;
	v1 =	vld.idx.msk [tilespmem:v62+s2+$0x0], $0xffff  }
0x7a: {  	v39 =	vadd.s32 $0x7530, v51;
	[tilespmem:$0x1FF30] =	vst v2;
	v2 =	vld.idx.msk [tilespmem:v42+s2+$0x0], $0xffff  }
0x7b: {  	v61 =	vld.idx.msk [tilespmem:v47+s2+$0x0], $0xffff  }
0x7c: {  	v34 =	vadd.s32 $0x4E20, v60;
	v62 =	vld.idx.msk [tilespmem:v49+s2+$0x0], $0xffff  }
0x7d: {  	v55 =	vld.idx.msk [tilespmem:v21+s2+$0x0], $0xffff  }
0x7e: {  	v35 =	vadd.s32 $0x7530, v60;
	v7 =	vadd.s32 $0x2710, v3;
	v60 =	vld.idx.msk [tilespmem:v36+s2+$0x0], $0xffff  }
0x7f: {  	v54 =	vld.idx.msk [tilespmem:v39+s2+$0x0], $0xffff  }
0x80: {  	v49 =	vld.idx.msk [tilespmem:v41+s2+$0x0], $0xffff  }
0x81: {  	[tilespmem:$0x1FF00] =	vst v0;
	v0 =	vld.idx.msk [tilespmem:v34+s2+$0x0], $0xffff  }
0x82: {  	[tilespmem:$0x1FF90] =	vst v46;
	v46 =	vadd.s32 $0x4E20, v37;
	v6 =	vmax.bf16 v6, v24;
	v24 =	vld [tilespmem:$0x1FEC0]  }
0x83: {  	v36 =	vadd.s32 $0x7530, v41;
	v43 =	vld.idx.msk [tilespmem:v7+s2+$0x0], $0xffff  }
0x84: {  	v7 =	vld [tilespmem:s25+$0xB440]  }
0x85: {  	[tilespmem:$0x1FF10] =	vst v1;
	v1 =	vld.idx.msk [tilespmem:v35+s2+$0x0], $0xffff;
	v35 =	vadd.s32 $0x7530, v48  }
0x86: {  	[tilespmem:$0x1FF40] =	vst v0;
	v0 =	vld.idx.msk [tilespmem:v38+s2+$0x0], $0xffff  }
0x87: {  	v34 =	vadd.s32 $0x4E20, v48;
	v48 =	vld.idx.msk [tilespmem:v46+s2+$0x0], $0xffff  }
0x88: {  	[tilespmem:$0x1FF60] =	vst v40;
	v46 =	vld.idx.msk [tilespmem:v36+s2+$0x0], $0xffff  }
0x89: {  	v40 =	vadd.s32 $0x2710, v37;
	[tilespmem:$0x1FFA0] =	vst v2;
	v2 =	vld [tilespmem:s25+$0xB340]  }
0x8a: {  	v56 =	vld.idx.msk [tilespmem:v35+s2+$0x0], $0xffff;
	v35 =	vadd.s32 $0x4E20, v41  }
0x8b: {  	[tilespmem:$0x1FF80] =	vst v0;
	v0 =	vld.idx.msk [tilespmem:v44+s2+$0x0], $0xffff  }
0x8c: {  	v36 =	vld.idx.msk [tilespmem:v3+s2+$0x0], $0xffff  }
0x8d: {  	v21 =	vadd.s32 $0x2710, v41;
	[tilespmem:$0x1FF50] =	vst v1;
	v1 =	vld.idx.msk [tilespmem:v45+s2+$0x0], $0xffff  }
0x8e: {  	v38 =	vadd.s32 $0x4E20, v51;
	v51 =	vld.idx.msk [tilespmem:v40+s2+$0x0], $0xffff  }
0x8f: {  	v47 =	vadd.s32 $0x7530, v37;
	v50 =	vld.idx.msk [tilespmem:v35+s2+$0x0], $0xffff  }
0x90: {  	v35 =	vadd.s32 $0x7530, v3;
	[tilespmem:$0x1FFB0] =	vst v0;
	v0 =	vld.idx.msk [tilespmem:v34+s2+$0x0], $0xffff  }
0x91: {  	v34 =	vld [tilespmem:s25+$0xB140]  }
0x92: {  	v45 =	vld.idx.msk [tilespmem:v21+s2+$0x0], $0xffff;
	[tilespmem:$0x1FFC0] =	vst v1;
	v1 =	vadd.s32 $0x7530, v2  }
0x93: {  	[tilespmem:$0x1FE70] =	vst v53;
	v53 =	vld.idx.msk [tilespmem:v38+s2+$0x0], $0xffff  }
0x94: {  	v44 =	vld.idx.msk [tilespmem:v47+s2+$0x0], $0xffff  }
0x95: {  	v42 =	vld.idx.msk [tilespmem:v35+s2+$0x0], $0xffff  }
0x96: {  	v35 =	vld.idx.msk [tilespmem:v2+s2+$0x0], $0xffff;
	v37 =	vadd.s32 $0x2710, v34  }
0x97: {  	v18 =	vmax.bf16 v18, v33;
	v33 =	vld.idx.msk [tilespmem:v1+s2+$0x0], $0xffff;
	v38 =	vadd.s32 $0x4E20, v34  }
0x98: {  	[tilespmem:$0x1FFE0] =	vst v0;
	v21 =	vadd.s32 $0x7530, v34;
	v0 =	vld [tilespmem:s25+$0xB540]  }
0x99: {  	v47 =	vld.idx.msk [tilespmem:v34+s2+$0x0], $0xffff;
	v34 =	vadd.s32 $0x4E20, v3  }
0x9a: {  	[tilespmem:$0x1FF20] =	vst v4;
	v4 =	vadd.s32 $0x4E20, v2;
	v1 =	vld [tilespmem:s25+$0xB640]  }
0x9b: {  	v3 =	vadd.s32 $0x7530, v7;
	v40 =	vld.idx.msk [tilespmem:v37+s2+$0x0], $0xffff  }
0x9c: {  	v41 =	vld.idx.msk [tilespmem:v38+s2+$0x0], $0xffff  }
0x9d: {  	v39 =	vld.idx.msk [tilespmem:v21+s2+$0x0], $0xffff;
	v21 =	vadd.s32 $0x2710, v2  }
0x9e: {  	v38 =	vld.idx.msk [tilespmem:v34+s2+$0x0], $0xffff  }
0x9f: {  	v34 =	vld.idx.msk [tilespmem:v4+s2+$0x0], $0xffff  }
0xa0: {  	v29 =	vld.idx.msk [tilespmem:v3+s2+$0x0], $0xffff  }
0xa1: {  	v18 =	vmax.bf16 v18, v28;
	v5 =	vadd.s32 $0x2710, v7;
	v28 =	vld.idx.msk [tilespmem:v0+s2+$0x0], $0xffff  }
0xa2: {  	v2 =	vadd.s32 $0x4E20, v7;
	v37 =	vld.idx.msk [tilespmem:v21+s2+$0x0], $0xffff  }
0xa3: {  	v21 =	vmax.bf16 v10, v16;
	v16 =	vmax.bf16 v14, v31;
	v14 =	vmax.bf16 v20, v32;
	v32 =	vld.idx.msk [tilespmem:v7+s2+$0x0], $0xffff  }
0xa4: {  	v10 =	vmax.bf16 v19, v30;
	v19 =	vld [tilespmem:$0x1FDB0]  }
0xa5: {  	v20 =	vld [tilespmem:$0x1FDC0]  }
0xa6: {  	v31 =	vld.idx.msk [tilespmem:v5+s2+$0x0], $0xffff  }
0xa7: {  	v7 =	vmax.bf16 v23, v13;
	v23 =	vld [tilespmem:$0x1FDE0]  }
0xa8: {  	v30 =	vld.idx.msk [tilespmem:v2+s2+$0x0], $0xffff  }
0xa9: {  	v5 =	vld [tilespmem:$0x1FE40]  }
0xaa: {  	v13 =	vmax.bf16 v25, v19;
	v19 =	vmax.bf16 v26, v20;
	v26 =	vld [tilespmem:$0x1FE10]  }
0xab: {  	v2 =	vld [tilespmem:s25+$0xB740]  }
0xac: {  	v25 =	vld [tilespmem:$0x1FE00]  }
0xad: {  	v20 =	vmax.bf16 v27, v22;
	v27 =	vld [tilespmem:$0x1FE20]  }
0xae: {  	v9 =	vmax.bf16 v9, v23;
	v23 =	vld [tilespmem:$0x1FE50]  }
0xaf: {  	v22 =	vadd.s32 $0x4E20, v0;
	v16 =	vmax.bf16 v16, v26;
	v26 =	vld [tilespmem:$0x1FE80]  }
0xb0: {  	v4 =	vadd.s32 $0x2710, v0;
	v3 =	vadd.s32 $0x7530, v0;
	v0 =	vld [tilespmem:s25+$0xB840]  }
0xb1: {  	v19 =	vmax.bf16 v19, v24;
	v24 =	vld [tilespmem:$0x1FF00]  }
0xb2: {  	v17 =	vmax.bf16 v17, v27;
	v27 =	vld [tilespmem:$0x1FE90]  }
0xb3: {  	v14 =	vmax.bf16 v14, v23;
	v23 =	vld [tilespmem:$0x1FEB0]  }
0xb4: {  	v11 =	vmax.bf16 v11, v26;
	v26 =	vld.idx.msk [tilespmem:v22+s2+$0x0], $0xffff  }
0xb5: {  	v22 =	vld [tilespmem:$0x1FEE0]  }
0xb6: {  	v21 =	vmax.bf16 v21, v25;
	v25 =	vld [tilespmem:$0x1FE70]  }
0xb7: {  	v7 =	vmax.bf16 v7, v27;
	v27 =	vld.idx.msk [tilespmem:v4+s2+$0x0], $0xffff  }
0xb8: {  	v4 =	vld [tilespmem:$0x1FEA0]  }
0xb9: {  	v13 =	vmax.bf16 v13, v23;
	v23 =	vld [tilespmem:$0x1FEF0]  }
0xba: {  	v9 =	vmax.bf16 v9, v22;
	v22 =	vld [tilespmem:$0x1FF10]  }
0xbb: {  	v10 =	vmax.bf16 v10, v25;
	v25 =	vld [tilespmem:$0x1FED0]  }
0xbc: {  	v7 =	vmax.bf16 v7, v58;
	v58 =	vld [tilespmem:$0x1FF90]  }
0xbd: {  	v21 =	vmax.bf16 v21, v24;
	v24 =	vld.idx.msk [tilespmem:v1+s2+$0x0], $0xffff  }
0xbe: {  	v8 =	vmax.bf16 v8, v5;
	v5 =	vadd.s32 $0x2710, v1;
	v12 =	vmax.bf16 v12, v23;
	v23 =	vld [tilespmem:$0x1FF20]  }
0xbf: {  	v15 =	vmax.bf16 v15, v4;
	v4 =	vadd.s32 $0x4E20, v1;
	v16 =	vmax.bf16 v16, v22;
	v22 =	vld [tilespmem:$0x1FF30]  }
0xc0: {  	v20 =	vmax.bf16 v20, v25;
	v25 =	vld.idx.msk [tilespmem:v3+s2+$0x0], $0xffff;
	v3 =	vadd.s32 $0x7530, v1;
	v1 =	vadd.s32 $0x4E20, v2  }
0xc1: {  	v15 =	vmax.bf16 v15, v58;
	v58 =	vld [tilespmem:$0x1FFA0]  }
0xc2: {  	v12 =	vmax.bf16 v12, v61;
	v61 =	vld [tilespmem:s25+$0xB940]  }
0xc3: {  	v21 =	vmax.bf16 v21, v62;
	v62 =	vadd.s32 $0x7530, v0;
	v17 =	vmax.bf16 v17, v23;
	v23 =	vld.idx.msk [tilespmem:v5+s2+$0x0], $0xffff  }
0xc4: {  	v18 =	vmax.bf16 v18, v22;
	v22 =	vld [tilespmem:$0x1FF40]  }
0xc5: {  	v5 =	vadd.s32 $0x2710, v2;
	v1 =	vld.idx.msk [tilespmem:v1+s2+$0x0], $0xffff  }
0xc6: {  	v13 =	vmax.bf16 v13, v58;
	v58 =	vld [tilespmem:$0x1FFB0]  }
0xc7: {  	v16 =	vmax.bf16 v16, v57;
	v17 =	vmax.bf16 v17, v63;
	v63 =	vld [tilespmem:$0x1FFE0]  }
0xc8: {  	v16 =	vmax.bf16 v16, v46;
	v46 =	vld.idx.msk [tilespmem:v62+s2+$0x0], $0xffff;
	v18 =	vmax.bf16 v18, v55;
	v55 =	vadd.s32 $0x4E20, v0  }
0xc9: {  	v8 =	vmax.bf16 v8, v22;
	v22 =	vld [tilespmem:$0x1FF50]  }
0xca: {  	v5 =	vld.idx.msk [tilespmem:v5+s2+$0x0], $0xffff  }
0xcb: {  	v7 =	vmax.bf16 v7, v54;
	v54 =	vadd.s32 $0x7530, v61;
	v19 =	vmax.bf16 v19, v58;
	v58 =	vld [tilespmem:$0x1FFC0]  }
0xcc: {  	v57 =	vadd.s32 $0x2710, v0;
	v0 =	vld.idx.msk [tilespmem:v0+s2+$0x0], $0xffff  }
0xcd: {  	v12 =	vmax.bf16 v12, v45;
	v45 =	vld.idx.msk [tilespmem:v55+s2+$0x0], $0xffff  }
0xce: {  	v14 =	vmax.bf16 v14, v22;
	v22 =	vld [tilespmem:$0x1FF60]  }
0xcf: {  	v55 =	vld [tilespmem:s25+$0xBB40]  }
0xd0: {  	v21 =	vmax.bf16 v21, v50;
	v62 =	vld.idx.msk [tilespmem:v54+s2+$0x0], $0xffff  }
0xd1: {  	v15 =	vmax.bf16 v15, v52;
	v52 =	vadd.s32 $0x2710, v61;
	v20 =	vmax.bf16 v20, v58;
	v58 =	vld [tilespmem:$0x1FFD0]  }
0xd2: {  	v21 =	vmax.bf16 v21, v30;
	v7 =	vmax.bf16 v7, v42;
	v8 =	vmax.bf16 v8, v63;
	v63 =	vld [tilespmem:s25+$0xBA40]  }
0xd3: {  	v15 =	vmax.bf16 v15, v35;
	v12 =	vmax.bf16 v12, v31;
	v6 =	vmax.bf16 v6, v22;
	v22 =	vld [tilespmem:$0x1FF70]  }
0xd4: {  	v13 =	vmax.bf16 v13, v51;
	v17 =	vmax.bf16 v17, v47;
	v20 =	vmax.bf16 v20, v44;
	v44 =	vld.idx.msk [tilespmem:v57+s2+$0x0], $0xffff  }
0xd5: {  	v13 =	vmax.bf16 v13, v37;
	v14 =	vmax.bf16 v14, v56;
	v56 =	vld.idx.msk [tilespmem:v61+s2+$0x0], $0xffff;
	v37 =	vadd.s32 $0x2710, v55  }
0xd6: {  	v16 =	vmax.bf16 v16, v29;
	v9 =	vmax.bf16 v9, v58;
	v58 =	vld.idx.msk [tilespmem:v52+s2+$0x0], $0xffff;
	v47 =	vadd.s32 $0x4E20, v55  }
0xd7: {  	v17 =	vmax.bf16 v17, v28;
	v19 =	vmax.bf16 v19, v48;
	v18 =	vmax.bf16 v18, v40;
	v51 =	vld.idx.msk [tilespmem:v55+s2+$0x0], $0xffff  }
0xd8: {  	v19 =	vmax.bf16 v19, v34;
	v57 =	vadd.s32 $0x2710, v63;
	v10 =	vmax.bf16 v10, v22;
	v22 =	vld.idx.msk [tilespmem:v4+s2+$0x0], $0xffff  }
0xd9: {  	v16 =	vmax.bf16 v16, v46;
	v18 =	vmax.bf16 v18, v27;
	v1 =	vmax.bf16 v19, v1;
	v4 =	vld [tilespmem:$0x1FF80]  }
0xda: {  	v8 =	vmax.bf16 v8, v41;
	v6 =	vmax.bf16 v6, v59;
	v59 =	vadd.s32 $0x4E20, v63;
	v52 =	vld.idx.msk [tilespmem:v37+s2+$0x0], $0xffff  }
0xdb: {  	v5 =	vmax.bf16 v13, v5;
	v20 =	vmax.bf16 v20, v33;
	v8 =	vmax.bf16 v8, v26;
	v54 =	vld.idx.msk [tilespmem:v47+s2+$0x0], $0xffff  }
0xdc: {  	v50 =	vadd.s32 $0x7530, v55;
	v18 =	vmax.bf16 v18, v58;
	v58 =	vld [tilespmem:$0x1FFF0];
	v10 =	vmax.bf16 v10, v60  }
0xdd: {  	v9 =	vmax.bf16 v9, v49;
	v14 =	vmax.bf16 v14, v39;
	v10 =	vmax.bf16 v10, v43;
	v43 =	vld.idx.msk [tilespmem:v57+s2+$0x0], $0xffff  }
0xde: {  	v9 =	vmax.bf16 v9, v32;
	v11 =	vmax.bf16 v11, v4;
	v4 =	vld.idx.msk [tilespmem:v3+s2+$0x0], $0xffff;
	v3 =	vadd.s32 $0x7530, v2  }
0xdf: {  	v14 =	vmax.bf16 v14, v25;
	v48 =	vld.idx.msk [tilespmem:v59+s2+$0x0], $0xffff;
	v11 =	vmax.bf16 v11, v53;
	v53 =	vadd.s32 $0x4E20, v61  }
0xe0: {  	v0 =	vmax.bf16 v9, v0;
	v55 =	vmax.bf16 v21, v45;
	v2 =	vld.idx.msk [tilespmem:v2+s2+$0x0], $0xffff;
	v61 =	vadd.s32 $0x7530, v63  }
0xe1: {  	v14 =	vmax.bf16 v14, v62;
	v17 =	vmax.bf16 v17, v56;
	v6 =	vmax.bf16 v6, v36;
	v63 =	vld.idx.msk [tilespmem:v63+s2+$0x0], $0xffff  }
0xe2: {  	v56 =	vld.idx.msk [tilespmem:v50+s2+$0x0], $0xffff;
	v0 =	vmax.bf16 v0, v17;
	v6 =	vmax.bf16 v6, v24;
	v10 =	vmax.bf16 v10, v23  }
0xe3: {  	v5 =	vmax.bf16 v5, v52;
	v11 =	vmax.bf16 v11, v38;
	v10 =	vmax.bf16 v10, v43;
	v3 =	vld.idx.msk [tilespmem:v3+s2+$0x0], $0xffff  }
0xe4: {  	v1 =	vmax.bf16 v1, v54;
	v11 =	vmax.bf16 v11, v22;
	v5 =	vmax.bf16 v10, v5;
	v60 =	vld.idx.msk [tilespmem:v53+s2+$0x0], $0xffff  }
0xe5: {  	v11 =	vmax.bf16 v11, v48;
	v4 =	vmax.bf16 v7, v4;
	v2 =	vmax.bf16 v15, v2;
	v49 =	vld.idx.msk [tilespmem:v61+s2+$0x0], $0xffff  }
0xe6: {  	v53 =	vmax.bf16 v12, v44;
	v6 =	vmax.bf16 v6, v63;
	v2 =	vmax.bf16 v2, v51  }
0xe7: {  	v1 =	vmax.bf16 v11, v1;
	v2 =	vmax.bf16 v6, v2;
	v57 =	vmax.bf16 v53, v18  }
0xe8: {  	p0 =	sne.s32 s24, $0x3C0;
	v61 =	vmax.bf16 v16, v14;
	v0 =	vmax.bf16 v0, v2;
	v59 =	vmax.bf16 v57, v5  }
.Ltmp0:
0xe9: {  	[tilespmem:v58+s25+$0xFFFFD800 ss:$0x1] =	vst.idx.msk $0xffff, v0;
	v3 =	vmax.bf16 v20, v3;
	v8 =	vmax.bf16 v8, v60;
	(pc) =	sbr.rel @p0 .LBB2_3-.Ltmp0, $4  }
0xea: {  	v4 =	vmax.bf16 v4, v49;
	v3 =	vmax.bf16 v3, v56;
	v60 =	vmax.bf16 v55, v8  }
0xeb: {  	[tilespmem:v58+s25+$0xFFFFEC00 ss:$0x1] =	vst.idx.msk $0xffff, v59;
	v62 =	vmax.bf16 v4, v3;
	v0 =	vmax.bf16 v60, v1  }
0xec: {  	v63 =	vmax.bf16 v61, v62;
	[tilespmem:v58+s25+$0x0 ss:$0x1] =	vst.idx.msk $0xffff, v0  }
0xed: {  	s24 =	sadd.s32 $0x40, s24;
	[tilespmem:v58+s25+$0x1400 ss:$0x1] =	vst.idx.msk $0xffff, v63  }
0xee: {  	p0 =	seq.s32 s22, $0x9  }
0xef: {  	s23 =	sadd.s32 @!p0 s23, s7  }
0xf0: {  	s24 =	simm.s32 @!p0 $0x100;
	s23 =	sshrl.u32 @!p0 s23, $0x3  }
0xf1: {  	s25 =	simm.s32 @!p0 $0x2800;
	s26 =	simm.s32 @!p0 $0x9C40;
	s23 =	sadd.s32 @!p0 s4, s23  }
0xf2: {  	[tilespmem:s26], [sflag:$0x1] =	stream.strided.gather @!p0 [hbm4b:s23+s24], $0x2000, s25, s24, $0x38;
	[tilespmem:$0x12C40] =	vst v63  }
0xf3: {  	_ =	swait.ge [sflag:s16], $0x2000  }
0xf4: {  	v0 =	vmov s21;
	[sflag:s16] =	ssyncset.done $0x0  }
0xf5: {  	s23 =	simm.s32 $0x0;
	[tilespmem:$0x1FD70] =	vst v0;
	[sflag:s16] =	ssyncadd.s32 $0xFFFFE000  }
.LBB2_5:
0xf6: {  	s24 =	sshra.s32 s23, $0x2  }
0xf7: {  	v0 =	vld [tilespmem:s24+$0xBC40]  }
0xf8: {  	v2 =	vld [tilespmem:s24+$0xBD40]  }
0xf9: {  	v43 =	vld [tilespmem:s24+$0xBE40]  }
0xfa: {  	v5 =	vld [tilespmem:s24+$0xBF40]  }
0xfb: {  	v51 =	vld [tilespmem:s24+$0xC040]  }
0xfc: {  	v55 =	vld [tilespmem:s24+$0xC140]  }
0xfd: {  	v58 =	vld [tilespmem:s24+$0xC240]  }
0xfe: {  	v63 =	vld [tilespmem:s24+$0xC340]  }
0xff: {  	v36 =	vld [tilespmem:s24+$0xC440]  }
0x100: {  	v41 =	vld [tilespmem:s24+$0xC540]  }
0x101: {  	v6 =	vld.idx.msk [tilespmem:v0+s2+$0x0], $0xffff  }
0x102: {  	v11 =	vld.idx.msk [tilespmem:v2+s2+$0x0], $0xffff  }
0x103: {  	v15 =	vld.idx.msk [tilespmem:v43+s2+$0x0], $0xffff  }
0x104: {  	v24 =	vld.idx.msk [tilespmem:v5+s2+$0x0], $0xffff  }
0x105: {  	v9 =	vld.idx.msk [tilespmem:v51+s2+$0x0], $0xffff  }
0x106: {  	v1 =	vadd.s32 $0x2710, v0;
	v17 =	vld.idx.msk [tilespmem:v55+s2+$0x0], $0xffff  }
0x107: {  	v3 =	vadd.s32 $0x4E20, v0;
	v29 =	vld.idx.msk [tilespmem:v58+s2+$0x0], $0xffff  }
0x108: {  	v4 =	vadd.s32 $0x7530, v0;
	v44 =	vadd.s32 $0x2710, v2;
	v45 =	vadd.s32 $0x4E20, v2;
	v39 =	vld.idx.msk [tilespmem:v63+s2+$0x0], $0xffff  }
0x109: {  	v59 =	vadd.s32 $0x2710, v55;
	v60 =	vadd.s32 $0x4E20, v55;
	v61 =	vadd.s32 $0x7530, v55;
	v55 =	vld [tilespmem:s24+$0xC840]  }
0x10a: {  	v35 =	vadd.s32 $0x2710, v63;
	v37 =	vadd.s32 $0x4E20, v63;
	v38 =	vadd.s32 $0x7530, v63;
	v63 =	vld [tilespmem:s24+$0xCA40]  }
0x10b: {  	v46 =	vadd.s32 $0x7530, v2;
	v8 =	vld.idx.msk [tilespmem:v1+s2+$0x0], $0xffff  }
0x10c: {  	v47 =	vadd.s32 $0x2710, v43;
	v10 =	vld.idx.msk [tilespmem:v3+s2+$0x0], $0xffff  }
0x10d: {  	v48 =	vadd.s32 $0x4E20, v43;
	v14 =	vld.idx.msk [tilespmem:v4+s2+$0x0], $0xffff  }
0x10e: {  	v49 =	vadd.s32 $0x7530, v43;
	v18 =	vld.idx.msk [tilespmem:v44+s2+$0x0], $0xffff  }
0x10f: {  	v50 =	vadd.s32 $0x2710, v5;
	v13 =	vld.idx.msk [tilespmem:v45+s2+$0x0], $0xffff  }
0x110: {  	v52 =	vadd.s32 $0x4E20, v5;
	v20 =	vld.idx.msk [tilespmem:v46+s2+$0x0], $0xffff  }
0x111: {  	v53 =	vadd.s32 $0x7530, v5;
	v19 =	vld.idx.msk [tilespmem:v47+s2+$0x0], $0xffff  }
0x112: {  	v54 =	vadd.s32 $0x2710, v51;
	v22 =	vld.idx.msk [tilespmem:v48+s2+$0x0], $0xffff  }
0x113: {  	v56 =	vadd.s32 $0x4E20, v51;
	v23 =	vld.idx.msk [tilespmem:v49+s2+$0x0], $0xffff  }
0x114: {  	v57 =	vadd.s32 $0x7530, v51;
	v25 =	vld.idx.msk [tilespmem:v50+s2+$0x0], $0xffff  }
0x115: {  	v26 =	vld.idx.msk [tilespmem:v52+s2+$0x0], $0xffff  }
0x116: {  	v27 =	vld.idx.msk [tilespmem:v53+s2+$0x0], $0xffff  }
0x117: {  	v12 =	vld.idx.msk [tilespmem:v54+s2+$0x0], $0xffff  }
0x118: {  	v62 =	vadd.s32 $0x2710, v58;
	v16 =	vld.idx.msk [tilespmem:v56+s2+$0x0], $0xffff  }
0x119: {  	v21 =	vadd.s32 $0x4E20, v58;
	v31 =	vld.idx.msk [tilespmem:v57+s2+$0x0], $0xffff  }
0x11a: {  	v34 =	vadd.s32 $0x7530, v58;
	v33 =	vld.idx.msk [tilespmem:v59+s2+$0x0], $0xffff  }
0x11b: {  	v28 =	vld.idx.msk [tilespmem:v60+s2+$0x0], $0xffff  }
0x11c: {  	v32 =	vld.idx.msk [tilespmem:v61+s2+$0x0], $0xffff  }
0x11d: {  	v30 =	vld.idx.msk [tilespmem:v62+s2+$0x0], $0xffff  }
0x11e: {  	v0 =	vld.idx.msk [tilespmem:v21+s2+$0x0], $0xffff  }
0x11f: {  	v1 =	vld.idx.msk [tilespmem:v34+s2+$0x0], $0xffff  }
0x120: {  	v2 =	vld.idx.msk [tilespmem:v35+s2+$0x0], $0xffff  }
0x121: {  	v3 =	vld.idx.msk [tilespmem:v36+s2+$0x0], $0xffff  }
0x122: {  	v44 =	vld [tilespmem:s24+$0xC640]  }
0x123: {  	v4 =	vld.idx.msk [tilespmem:v41+s2+$0x0], $0xffff  }
0x124: {  	v40 =	vadd.s32 $0x2710, v36;
	v49 =	vld [tilespmem:s24+$0xC740]  }
0x125: {  	v60 =	vld [tilespmem:s24+$0xC940];
	[tilespmem:$0x1FB20] =	vst v39  }
0x126: {  	v9 =	vmax.bf16 v6, v9;
	v6 =	vmax.bf16 v15, v29;
	v15 =	vld [tilespmem:$0x1FB20]  }
0x127: {  	[tilespmem:$0x1FB00] =	vst v0;
	v0 =	vld.idx.msk [tilespmem:v37+s2+$0x0], $0xffff  }
0x128: {  	[tilespmem:$0x1FB10] =	vst v1;
	v1 =	vld.idx.msk [tilespmem:v38+s2+$0x0], $0xffff  }
0x129: {  	[tilespmem:$0x1FB30] =	vst v2;
	v2 =	vld.idx.msk [tilespmem:v40+s2+$0x0], $0xffff  }
0x12a: {  	v37 =	vld [tilespmem:s24+$0xCB40]  }
0x12b: {  	[tilespmem:$0x1FB60] =	vst v3;
	v3 =	vld.idx.msk [tilespmem:v55+s2+$0x0], $0xffff  }
0x12c: {  	v42 =	vadd.s32 $0x4E20, v36;
	v40 =	vld.idx.msk [tilespmem:v63+s2+$0x0], $0xffff  }
0x12d: {  	v43 =	vadd.s32 $0x7530, v36;
	v36 =	vadd.s32 $0x2710, v63;
	v17 =	vmax.bf16 v11, v17;
	v11 =	vld [tilespmem:$0x1FB00]  }
0x12e: {  	v12 =	vmax.bf16 v8, v12;
	v8 =	vmax.bf16 v13, v28;
	v13 =	vld [tilespmem:$0x1FB10]  }
0x12f: {  	v52 =	vld.idx.msk [tilespmem:v44+s2+$0x0], $0xffff  }
0x130: {  	v45 =	vadd.s32 $0x2710, v41;
	v58 =	vld.idx.msk [tilespmem:v49+s2+$0x0], $0xffff  }
0x131: {  	[tilespmem:$0x1FBA0] =	vst v4;
	v48 =	vadd.s32 $0x2710, v44;
	v4 =	vld.idx.msk [tilespmem:v60+s2+$0x0], $0xffff  }
0x132: {  	v46 =	vadd.s32 $0x4E20, v41;
	v47 =	vadd.s32 $0x7530, v41;
	v41 =	vld.idx.msk [tilespmem:v36+s2+$0x0], $0xffff  }
0x133: {  	[tilespmem:$0x1FB40] =	vst v0;
	v0 =	vld.idx.msk [tilespmem:v42+s2+$0x0], $0xffff  }
0x134: {  	[tilespmem:$0x1FB50] =	vst v1;
	v1 =	vld.idx.msk [tilespmem:v43+s2+$0x0], $0xffff  }
0x135: {  	[tilespmem:$0x1FB70] =	vst v2;
	v2 =	vld.idx.msk [tilespmem:v45+s2+$0x0], $0xffff  }
0x136: {  	v39 =	vadd.s32 $0x7530, v63;
	v53 =	vld.idx.msk [tilespmem:v48+s2+$0x0], $0xffff  }
0x137: {  	v43 =	vld [tilespmem:s24+$0xCC40]  }
0x138: {  	v48 =	vld [tilespmem:s24+$0xCD40]  }
0x139: {  	v11 =	vmax.bf16 v22, v11;
	v22 =	vld [tilespmem:$0x1FB50]  }
0x13a: {  	v54 =	vadd.s32 $0x2710, v49;
	v15 =	vmax.bf16 v24, v15;
	v24 =	vld [tilespmem:$0x1FB70]  }
0x13b: {  	[tilespmem:$0x1FC20] =	vst v58;
	v58 =	vld.idx.msk [tilespmem:v39+s2+$0x0], $0xffff  }
0x13c: {  	[tilespmem:$0x1FCF0] =	vst v41;
	v41 =	vld [tilespmem:s24+$0xD040]  }
0x13d: {  	[tilespmem:$0x1FB80] =	vst v0;
	v0 =	vld.idx.msk [tilespmem:v46+s2+$0x0], $0xffff  }
0x13e: {  	[tilespmem:$0x1FB90] =	vst v1;
	v1 =	vld.idx.msk [tilespmem:v47+s2+$0x0], $0xffff  }
0x13f: {  	[tilespmem:$0x1FBB0] =	vst v2;
	v2 =	vld.idx.msk [tilespmem:v54+s2+$0x0], $0xffff  }
0x140: {  	v50 =	vadd.s32 $0x4E20, v44;
	v51 =	vadd.s32 $0x7530, v44;
	v46 =	vld.idx.msk [tilespmem:v37+s2+$0x0], $0xffff  }
0x141: {  	v42 =	vadd.s32 $0x2710, v37;
	v44 =	vadd.s32 $0x4E20, v37;
	v45 =	vadd.s32 $0x7530, v37;
	v37 =	vld [tilespmem:s24+$0xCF40]  }
0x142: {  	[tilespmem:$0x1FBE0] =	vst v52;
	v28 =	vld [tilespmem:$0x1FBB0]  }
0x143: {  	v12 =	vmax.bf16 v12, v24;
	v24 =	vld [tilespmem:$0x1FBE0]  }
0x144: {  	v59 =	vadd.s32 $0x2710, v55;
	[tilespmem:$0x1FC60] =	vst v3;
	v3 =	vld.idx.msk [tilespmem:v43+s2+$0x0], $0xffff  }
0x145: {  	v38 =	vadd.s32 $0x4E20, v63;
	v63 =	vld.idx.msk [tilespmem:v48+s2+$0x0], $0xffff  }
0x146: {  	[tilespmem:$0x1FBC0] =	vst v0;
	v0 =	vld.idx.msk [tilespmem:v50+s2+$0x0], $0xffff  }
0x147: {  	v56 =	vadd.s32 $0x4E20, v49;
	[tilespmem:$0x1FBD0] =	vst v1;
	v1 =	vld.idx.msk [tilespmem:v51+s2+$0x0], $0xffff  }
0x148: {  	v57 =	vadd.s32 $0x7530, v49;
	v51 =	vld [tilespmem:s24+$0xCE40]  }
0x149: {  	v21 =	vadd.s32 $0x2710, v60;
	[tilespmem:$0x1FC30] =	vst v2;
	v2 =	vld.idx.msk [tilespmem:v59+s2+$0x0], $0xffff  }
0x14a: {  	v50 =	vadd.s32 $0x7530, v43;
	v52 =	vld.idx.msk [tilespmem:v37+s2+$0x0], $0xffff  }
0x14b: {  	[tilespmem:$0x1FD50] =	vst v3;
	v3 =	vld [tilespmem:s24+$0xD240]  }
0x14c: {  	v61 =	vadd.s32 $0x4E20, v55;
	[tilespmem:$0x1FC00] =	vst v0;
	v0 =	vld.idx.msk [tilespmem:v56+s2+$0x0], $0xffff  }
0x14d: {  	v62 =	vadd.s32 $0x7530, v55;
	[tilespmem:$0x1FC10] =	vst v1;
	v1 =	vld.idx.msk [tilespmem:v57+s2+$0x0], $0xffff  }
0x14e: {  	[tilespmem:$0x1FC70] =	vst v2;
	v2 =	vld.idx.msk [tilespmem:v21+s2+$0x0], $0xffff  }
0x14f: {  	v47 =	vadd.s32 $0x2710, v43;
	v57 =	vld.idx.msk [tilespmem:v50+s2+$0x0], $0xffff  }
0x150: {  	v49 =	vadd.s32 $0x4E20, v43;
	v59 =	vld.idx.msk [tilespmem:v51+s2+$0x0], $0xffff  }
0x151: {  	v21 =	vadd.s32 $0x2710, v48;
	[tilespmem:$0x1FC40] =	vst v0;
	v0 =	vld.idx.msk [tilespmem:v61+s2+$0x0], $0xffff  }
0x152: {  	v36 =	vadd.s32 $0x2710, v51;
	[tilespmem:$0x1FC50] =	vst v1;
	v1 =	vld.idx.msk [tilespmem:v62+s2+$0x0], $0xffff  }
0x153: {  	v39 =	vadd.s32 $0x7530, v51;
	[tilespmem:$0x1FCB0] =	vst v2;
	v2 =	vld.idx.msk [tilespmem:v42+s2+$0x0], $0xffff  }
0x154: {  	v61 =	vld.idx.msk [tilespmem:v47+s2+$0x0], $0xffff  }
0x155: {  	v34 =	vadd.s32 $0x4E20, v60;
	v62 =	vld.idx.msk [tilespmem:v49+s2+$0x0], $0xffff  }
0x156: {  	v55 =	vld.idx.msk [tilespmem:v21+s2+$0x0], $0xffff  }
0x157: {  	v35 =	vadd.s32 $0x7530, v60;
	v7 =	vadd.s32 $0x2710, v3;
	v60 =	vld.idx.msk [tilespmem:v36+s2+$0x0], $0xffff  }
0x158: {  	v54 =	vld.idx.msk [tilespmem:v39+s2+$0x0], $0xffff  }
0x159: {  	v49 =	vld.idx.msk [tilespmem:v41+s2+$0x0], $0xffff  }
0x15a: {  	[tilespmem:$0x1FC80] =	vst v0;
	v0 =	vld.idx.msk [tilespmem:v34+s2+$0x0], $0xffff  }
0x15b: {  	[tilespmem:$0x1FD10] =	vst v46;
	v46 =	vadd.s32 $0x4E20, v37;
	v6 =	vmax.bf16 v6, v24;
	v24 =	vld [tilespmem:$0x1FC40]  }
0x15c: {  	v36 =	vadd.s32 $0x7530, v41;
	v43 =	vld.idx.msk [tilespmem:v7+s2+$0x0], $0xffff  }
0x15d: {  	v7 =	vld [tilespmem:s24+$0xD440]  }
0x15e: {  	[tilespmem:$0x1FC90] =	vst v1;
	v1 =	vld.idx.msk [tilespmem:v35+s2+$0x0], $0xffff;
	v35 =	vadd.s32 $0x7530, v48  }
0x15f: {  	[tilespmem:$0x1FCC0] =	vst v0;
	v0 =	vld.idx.msk [tilespmem:v38+s2+$0x0], $0xffff  }
0x160: {  	v34 =	vadd.s32 $0x4E20, v48;
	v48 =	vld.idx.msk [tilespmem:v46+s2+$0x0], $0xffff  }
0x161: {  	[tilespmem:$0x1FCE0] =	vst v40;
	v46 =	vld.idx.msk [tilespmem:v36+s2+$0x0], $0xffff  }
0x162: {  	v40 =	vadd.s32 $0x2710, v37;
	[tilespmem:$0x1FD20] =	vst v2;
	v2 =	vld [tilespmem:s24+$0xD340]  }
0x163: {  	v56 =	vld.idx.msk [tilespmem:v35+s2+$0x0], $0xffff;
	v35 =	vadd.s32 $0x4E20, v41  }
0x164: {  	[tilespmem:$0x1FD00] =	vst v0;
	v0 =	vld.idx.msk [tilespmem:v44+s2+$0x0], $0xffff  }
0x165: {  	v36 =	vld.idx.msk [tilespmem:v3+s2+$0x0], $0xffff  }
0x166: {  	v21 =	vadd.s32 $0x2710, v41;
	[tilespmem:$0x1FCD0] =	vst v1;
	v1 =	vld.idx.msk [tilespmem:v45+s2+$0x0], $0xffff  }
0x167: {  	v38 =	vadd.s32 $0x4E20, v51;
	v51 =	vld.idx.msk [tilespmem:v40+s2+$0x0], $0xffff  }
0x168: {  	v47 =	vadd.s32 $0x7530, v37;
	v50 =	vld.idx.msk [tilespmem:v35+s2+$0x0], $0xffff  }
0x169: {  	v35 =	vadd.s32 $0x7530, v3;
	[tilespmem:$0x1FD30] =	vst v0;
	v0 =	vld.idx.msk [tilespmem:v34+s2+$0x0], $0xffff  }
0x16a: {  	v34 =	vld [tilespmem:s24+$0xD140]  }
0x16b: {  	v45 =	vld.idx.msk [tilespmem:v21+s2+$0x0], $0xffff;
	[tilespmem:$0x1FD40] =	vst v1;
	v1 =	vadd.s32 $0x7530, v2  }
0x16c: {  	[tilespmem:$0x1FBF0] =	vst v53;
	v53 =	vld.idx.msk [tilespmem:v38+s2+$0x0], $0xffff  }
0x16d: {  	v44 =	vld.idx.msk [tilespmem:v47+s2+$0x0], $0xffff  }
0x16e: {  	v42 =	vld.idx.msk [tilespmem:v35+s2+$0x0], $0xffff  }
0x16f: {  	v35 =	vld.idx.msk [tilespmem:v2+s2+$0x0], $0xffff;
	v37 =	vadd.s32 $0x2710, v34  }
0x170: {  	v18 =	vmax.bf16 v18, v33;
	v33 =	vld.idx.msk [tilespmem:v1+s2+$0x0], $0xffff;
	v38 =	vadd.s32 $0x4E20, v34  }
0x171: {  	[tilespmem:$0x1FD60] =	vst v0;
	v21 =	vadd.s32 $0x7530, v34;
	v0 =	vld [tilespmem:s24+$0xD540]  }
0x172: {  	v47 =	vld.idx.msk [tilespmem:v34+s2+$0x0], $0xffff;
	v34 =	vadd.s32 $0x4E20, v3  }
0x173: {  	[tilespmem:$0x1FCA0] =	vst v4;
	v4 =	vadd.s32 $0x4E20, v2;
	v1 =	vld [tilespmem:s24+$0xD640]  }
0x174: {  	v3 =	vadd.s32 $0x7530, v7;
	v40 =	vld.idx.msk [tilespmem:v37+s2+$0x0], $0xffff  }
0x175: {  	v41 =	vld.idx.msk [tilespmem:v38+s2+$0x0], $0xffff  }
0x176: {  	v39 =	vld.idx.msk [tilespmem:v21+s2+$0x0], $0xffff;
	v21 =	vadd.s32 $0x2710, v2  }
0x177: {  	v38 =	vld.idx.msk [tilespmem:v34+s2+$0x0], $0xffff  }
0x178: {  	v34 =	vld.idx.msk [tilespmem:v4+s2+$0x0], $0xffff  }
0x179: {  	v29 =	vld.idx.msk [tilespmem:v3+s2+$0x0], $0xffff  }
0x17a: {  	v18 =	vmax.bf16 v18, v28;
	v5 =	vadd.s32 $0x2710, v7;
	v28 =	vld.idx.msk [tilespmem:v0+s2+$0x0], $0xffff  }
0x17b: {  	v2 =	vadd.s32 $0x4E20, v7;
	v37 =	vld.idx.msk [tilespmem:v21+s2+$0x0], $0xffff  }
0x17c: {  	v21 =	vmax.bf16 v10, v16;
	v16 =	vmax.bf16 v14, v31;
	v14 =	vmax.bf16 v20, v32;
	v32 =	vld.idx.msk [tilespmem:v7+s2+$0x0], $0xffff  }
0x17d: {  	v10 =	vmax.bf16 v19, v30;
	v19 =	vld [tilespmem:$0x1FB30]  }
0x17e: {  	v20 =	vld [tilespmem:$0x1FB40]  }
0x17f: {  	v31 =	vld.idx.msk [tilespmem:v5+s2+$0x0], $0xffff  }
0x180: {  	v7 =	vmax.bf16 v23, v13;
	v23 =	vld [tilespmem:$0x1FB60]  }
0x181: {  	v30 =	vld.idx.msk [tilespmem:v2+s2+$0x0], $0xffff  }
0x182: {  	v5 =	vld [tilespmem:$0x1FBC0]  }
0x183: {  	v13 =	vmax.bf16 v25, v19;
	v19 =	vmax.bf16 v26, v20;
	v26 =	vld [tilespmem:$0x1FB90]  }
0x184: {  	v2 =	vld [tilespmem:s24+$0xD740]  }
0x185: {  	v25 =	vld [tilespmem:$0x1FB80]  }
0x186: {  	v20 =	vmax.bf16 v27, v22;
	v27 =	vld [tilespmem:$0x1FBA0]  }
0x187: {  	v9 =	vmax.bf16 v9, v23;
	v23 =	vld [tilespmem:$0x1FBD0]  }
0x188: {  	v22 =	vadd.s32 $0x4E20, v0;
	v16 =	vmax.bf16 v16, v26;
	v26 =	vld [tilespmem:$0x1FC00]  }
0x189: {  	v4 =	vadd.s32 $0x2710, v0;
	v3 =	vadd.s32 $0x7530, v0;
	v0 =	vld [tilespmem:s24+$0xD840]  }
0x18a: {  	v19 =	vmax.bf16 v19, v24;
	v24 =	vld [tilespmem:$0x1FC80]  }
0x18b: {  	v17 =	vmax.bf16 v17, v27;
	v27 =	vld [tilespmem:$0x1FC10]  }
0x18c: {  	v14 =	vmax.bf16 v14, v23;
	v23 =	vld [tilespmem:$0x1FC30]  }
0x18d: {  	v11 =	vmax.bf16 v11, v26;
	v26 =	vld.idx.msk [tilespmem:v22+s2+$0x0], $0xffff  }
0x18e: {  	v22 =	vld [tilespmem:$0x1FC60]  }
0x18f: {  	v21 =	vmax.bf16 v21, v25;
	v25 =	vld [tilespmem:$0x1FBF0]  }
0x190: {  	v7 =	vmax.bf16 v7, v27;
	v27 =	vld.idx.msk [tilespmem:v4+s2+$0x0], $0xffff  }
0x191: {  	v4 =	vld [tilespmem:$0x1FC20]  }
0x192: {  	v13 =	vmax.bf16 v13, v23;
	v23 =	vld [tilespmem:$0x1FC70]  }
0x193: {  	v9 =	vmax.bf16 v9, v22;
	v22 =	vld [tilespmem:$0x1FC90]  }
0x194: {  	v10 =	vmax.bf16 v10, v25;
	v25 =	vld [tilespmem:$0x1FC50]  }
0x195: {  	v7 =	vmax.bf16 v7, v58;
	v58 =	vld [tilespmem:$0x1FD10]  }
0x196: {  	v21 =	vmax.bf16 v21, v24;
	v24 =	vld.idx.msk [tilespmem:v1+s2+$0x0], $0xffff  }
0x197: {  	v8 =	vmax.bf16 v8, v5;
	v5 =	vadd.s32 $0x2710, v1;
	v12 =	vmax.bf16 v12, v23;
	v23 =	vld [tilespmem:$0x1FCA0]  }
0x198: {  	v15 =	vmax.bf16 v15, v4;
	v4 =	vadd.s32 $0x4E20, v1;
	v16 =	vmax.bf16 v16, v22;
	v22 =	vld [tilespmem:$0x1FCB0]  }
0x199: {  	v20 =	vmax.bf16 v20, v25;
	v25 =	vld.idx.msk [tilespmem:v3+s2+$0x0], $0xffff;
	v3 =	vadd.s32 $0x7530, v1;
	v1 =	vadd.s32 $0x4E20, v2  }
0x19a: {  	v15 =	vmax.bf16 v15, v58;
	v58 =	vld [tilespmem:$0x1FD20]  }
0x19b: {  	v12 =	vmax.bf16 v12, v61;
	v61 =	vld [tilespmem:s24+$0xD940]  }
0x19c: {  	v21 =	vmax.bf16 v21, v62;
	v62 =	vadd.s32 $0x7530, v0;
	v17 =	vmax.bf16 v17, v23;
	v23 =	vld.idx.msk [tilespmem:v5+s2+$0x0], $0xffff  }
0x19d: {  	v18 =	vmax.bf16 v18, v22;
	v22 =	vld [tilespmem:$0x1FCC0]  }
0x19e: {  	v5 =	vadd.s32 $0x2710, v2;
	v1 =	vld.idx.msk [tilespmem:v1+s2+$0x0], $0xffff  }
0x19f: {  	v13 =	vmax.bf16 v13, v58;
	v58 =	vld [tilespmem:$0x1FD30]  }
0x1a0: {  	v16 =	vmax.bf16 v16, v57;
	v17 =	vmax.bf16 v17, v63;
	v63 =	vld [tilespmem:$0x1FD60]  }
0x1a1: {  	v16 =	vmax.bf16 v16, v46;
	v46 =	vld.idx.msk [tilespmem:v62+s2+$0x0], $0xffff;
	v18 =	vmax.bf16 v18, v55;
	v55 =	vadd.s32 $0x4E20, v0  }
0x1a2: {  	v8 =	vmax.bf16 v8, v22;
	v22 =	vld [tilespmem:$0x1FCD0]  }
0x1a3: {  	v5 =	vld.idx.msk [tilespmem:v5+s2+$0x0], $0xffff  }
0x1a4: {  	v7 =	vmax.bf16 v7, v54;
	v54 =	vadd.s32 $0x7530, v61;
	v19 =	vmax.bf16 v19, v58;
	v58 =	vld [tilespmem:$0x1FD40]  }
0x1a5: {  	v57 =	vadd.s32 $0x2710, v0;
	v0 =	vld.idx.msk [tilespmem:v0+s2+$0x0], $0xffff  }
0x1a6: {  	v12 =	vmax.bf16 v12, v45;
	v45 =	vld.idx.msk [tilespmem:v55+s2+$0x0], $0xffff  }
0x1a7: {  	v14 =	vmax.bf16 v14, v22;
	v22 =	vld [tilespmem:$0x1FCE0]  }
0x1a8: {  	v55 =	vld [tilespmem:s24+$0xDB40]  }
0x1a9: {  	v21 =	vmax.bf16 v21, v50;
	v62 =	vld.idx.msk [tilespmem:v54+s2+$0x0], $0xffff  }
0x1aa: {  	v15 =	vmax.bf16 v15, v52;
	v52 =	vadd.s32 $0x2710, v61;
	v20 =	vmax.bf16 v20, v58;
	v58 =	vld [tilespmem:$0x1FD50]  }
0x1ab: {  	v21 =	vmax.bf16 v21, v30;
	v7 =	vmax.bf16 v7, v42;
	v8 =	vmax.bf16 v8, v63;
	v63 =	vld [tilespmem:s24+$0xDA40]  }
0x1ac: {  	v15 =	vmax.bf16 v15, v35;
	v12 =	vmax.bf16 v12, v31;
	v6 =	vmax.bf16 v6, v22;
	v22 =	vld [tilespmem:$0x1FCF0]  }
0x1ad: {  	v13 =	vmax.bf16 v13, v51;
	v17 =	vmax.bf16 v17, v47;
	v20 =	vmax.bf16 v20, v44;
	v44 =	vld.idx.msk [tilespmem:v57+s2+$0x0], $0xffff  }
0x1ae: {  	v13 =	vmax.bf16 v13, v37;
	v14 =	vmax.bf16 v14, v56;
	v56 =	vld.idx.msk [tilespmem:v61+s2+$0x0], $0xffff;
	v37 =	vadd.s32 $0x2710, v55  }
0x1af: {  	v16 =	vmax.bf16 v16, v29;
	v9 =	vmax.bf16 v9, v58;
	v58 =	vld.idx.msk [tilespmem:v52+s2+$0x0], $0xffff;
	v47 =	vadd.s32 $0x4E20, v55  }
0x1b0: {  	v17 =	vmax.bf16 v17, v28;
	v19 =	vmax.bf16 v19, v48;
	v18 =	vmax.bf16 v18, v40;
	v51 =	vld.idx.msk [tilespmem:v55+s2+$0x0], $0xffff  }
0x1b1: {  	v19 =	vmax.bf16 v19, v34;
	v57 =	vadd.s32 $0x2710, v63;
	v10 =	vmax.bf16 v10, v22;
	v22 =	vld.idx.msk [tilespmem:v4+s2+$0x0], $0xffff  }
0x1b2: {  	v16 =	vmax.bf16 v16, v46;
	v18 =	vmax.bf16 v18, v27;
	v1 =	vmax.bf16 v19, v1;
	v4 =	vld [tilespmem:$0x1FD00]  }
0x1b3: {  	v8 =	vmax.bf16 v8, v41;
	v6 =	vmax.bf16 v6, v59;
	v59 =	vadd.s32 $0x4E20, v63;
	v52 =	vld.idx.msk [tilespmem:v37+s2+$0x0], $0xffff  }
0x1b4: {  	v5 =	vmax.bf16 v13, v5;
	v20 =	vmax.bf16 v20, v33;
	v8 =	vmax.bf16 v8, v26;
	v54 =	vld.idx.msk [tilespmem:v47+s2+$0x0], $0xffff  }
0x1b5: {  	v50 =	vadd.s32 $0x7530, v55;
	v18 =	vmax.bf16 v18, v58;
	v58 =	vld [tilespmem:$0x1FD70];
	v10 =	vmax.bf16 v10, v60  }
0x1b6: {  	v9 =	vmax.bf16 v9, v49;
	v14 =	vmax.bf16 v14, v39;
	v10 =	vmax.bf16 v10, v43;
	v43 =	vld.idx.msk [tilespmem:v57+s2+$0x0], $0xffff  }
0x1b7: {  	v9 =	vmax.bf16 v9, v32;
	v11 =	vmax.bf16 v11, v4;
	v4 =	vld.idx.msk [tilespmem:v3+s2+$0x0], $0xffff;
	v3 =	vadd.s32 $0x7530, v2  }
0x1b8: {  	v14 =	vmax.bf16 v14, v25;
	v48 =	vld.idx.msk [tilespmem:v59+s2+$0x0], $0xffff;
	v11 =	vmax.bf16 v11, v53;
	v53 =	vadd.s32 $0x4E20, v61  }
0x1b9: {  	v0 =	vmax.bf16 v9, v0;
	v55 =	vmax.bf16 v21, v45;
	v2 =	vld.idx.msk [tilespmem:v2+s2+$0x0], $0xffff;
	v61 =	vadd.s32 $0x7530, v63  }
0x1ba: {  	v14 =	vmax.bf16 v14, v62;
	v17 =	vmax.bf16 v17, v56;
	v6 =	vmax.bf16 v6, v36;
	v63 =	vld.idx.msk [tilespmem:v63+s2+$0x0], $0xffff  }
0x1bb: {  	v56 =	vld.idx.msk [tilespmem:v50+s2+$0x0], $0xffff;
	v0 =	vmax.bf16 v0, v17;
	v6 =	vmax.bf16 v6, v24;
	v10 =	vmax.bf16 v10, v23  }
0x1bc: {  	v5 =	vmax.bf16 v5, v52;
	v11 =	vmax.bf16 v11, v38;
	v10 =	vmax.bf16 v10, v43;
	v3 =	vld.idx.msk [tilespmem:v3+s2+$0x0], $0xffff  }
0x1bd: {  	v1 =	vmax.bf16 v1, v54;
	v11 =	vmax.bf16 v11, v22;
	v5 =	vmax.bf16 v10, v5;
	v60 =	vld.idx.msk [tilespmem:v53+s2+$0x0], $0xffff  }
0x1be: {  	v11 =	vmax.bf16 v11, v48;
	v4 =	vmax.bf16 v7, v4;
	v2 =	vmax.bf16 v15, v2;
	v49 =	vld.idx.msk [tilespmem:v61+s2+$0x0], $0xffff  }
0x1bf: {  	v53 =	vmax.bf16 v12, v44;
	v6 =	vmax.bf16 v6, v63;
	v2 =	vmax.bf16 v2, v51  }
0x1c0: {  	v1 =	vmax.bf16 v11, v1;
	v2 =	vmax.bf16 v6, v2;
	v57 =	vmax.bf16 v53, v18  }
0x1c1: {  	p0 =	sne.s32 s23, $0x3C0;
	v61 =	vmax.bf16 v16, v14;
	v0 =	vmax.bf16 v0, v2;
	v59 =	vmax.bf16 v57, v5  }
.Ltmp1:
0x1c2: {  	[tilespmem:v58+s24+$0xFFFFD800 ss:$0x1] =	vst.idx.msk $0xffff, v0;
	v3 =	vmax.bf16 v20, v3;
	v8 =	vmax.bf16 v8, v60;
	(pc) =	sbr.rel @p0 .LBB2_5-.Ltmp1, $4  }
0x1c3: {  	v4 =	vmax.bf16 v4, v49;
	v3 =	vmax.bf16 v3, v56;
	v60 =	vmax.bf16 v55, v8  }
0x1c4: {  	[tilespmem:v58+s24+$0xFFFFEC00 ss:$0x1] =	vst.idx.msk $0xffff, v59;
	v62 =	vmax.bf16 v4, v3;
	v0 =	vmax.bf16 v60, v1  }
0x1c5: {  	v63 =	vmax.bf16 v61, v62;
	[tilespmem:v58+s24+$0x0 ss:$0x1] =	vst.idx.msk $0xffff, v0  }
0x1c6: {  	s23 =	sadd.s32 $0x40, s23;
	[tilespmem:v58+s24+$0x1400 ss:$0x1] =	vst.idx.msk $0xffff, v63  }
0x1c7: {  	s22 =	sadd.s32 $0x1, s22  }
0x1c8: {  	p0 =	sne.s32 s22, $0xA  }
.Ltmp2:
0x1c9: {  	_ = 	snop;
	(pc) =	sbr.rel @p0 .LBB2_2-.Ltmp2, $2  }
0x1ca: {  	_ =	sdelay $0x2  }
0x1cb: {  	s20 =	sadd.s32 $0x200, s20;
	s21 =	sadd.s32 $0x200, s21  }
0x1cc: {  	s19 =	sadd.s32 $0x1, s19  }
0x1cd: {  	p0 =	sne.s32 s19, s9  }
.Ltmp3:
0x1ce: {  	_ = 	snop;
	(pc) =	sbr.rel @p0 .LBB2_1-.Ltmp3, $4  }
0x1cf: {  	[hbm4b:s8+s17] =	stream.strided.scatter [tilespmem:s18], [sflag:$0x3], $0x5000, s12, s17, $0x38;
	[tilespmem:$0x12C40] =	vst v63  }
0x1d0: {  	_ =	swait.ge [sflag:s10], $0x5000  }
0x1d1: {  	[sflag:s10] =	ssyncset.done $0x0  }
0x1d2: {  	[sflag:s10] =	ssyncadd.s32 $0xFFFFB000  }
0x1d3: {  	_ =	sfence.sel $0x180000  }
0x1d4: {  	[bflag:$0x0] =	sbarrier.arrive $0xFFFF  }
0x1d5: {  	p0 =	sne.s32 s1, $0x0;
	_ =	strace $0x9000004A  }
0x1d6: {  	s0 =	sadd.s32 @!p0 $0x100000, s0;
	[bflag:$0x2] =	sbarrier.arrive $0xFFFF  }
0x1d7: {  	[sflag:s0] =	ssyncadd.tile.s32 @!p0 $0x1;
	_ =	shalt  }
.Lfunc_end2:
_tile_overlayer_lowered:
.L_overlay_start_2:
0x1d8: {  	(tag) =	ssettag $0x2  }
0x1d9: {  	s0 =	rddreg [dreg:$0x0];
	s2 =	stileid.u32  }
0x1da: {  	s1 =	rddreg [dreg:$0x1];
	p0 =	sne.s32 s2, $0x0  }
0x1db: {  	s3 =	rddreg [dreg:$0x2];
	[bflag:$0x3] =	sbarrier.arrive $0xFFFF;
	s2 =	simm.s32 @!p0 $0x1C03  }
0x1dc: {  	[timem:s3], [sflag:s2] =	dma.local @!p0 [hbm:s0], s1  }
0x1dd: {  	s0 =	simm.s32 @!p0 $0x3  }
0x1de: {  	_ =	swait.ge @!p0 [sflag:s0], s1  }
0x1df: {  	s1 =	ssub.s32 @!p0 $0x0, s1;
	[sflag:s0] =	ssyncset.done @!p0 $0x0  }
0x1e0: {  	[sflag:s0] =	ssyncadd.s32 @!p0 s1  }
0x1e1: {  	[bflag:$0x3] =	sbarrier.arrive $0xFFFF  }
0x1e2: {  	_ =	shalt  }

</sc_bundles>
